<compile_context>
chip_gen: v7x
topology: tpu7x:2x2x1
jax: 0.10.2.dev20260603
libtpu: 0.0.44.dev20260713+nightly
codegen_flags: <defaults>
</compile_context>

<pallas_src>
import functools

import jax
import jax.numpy as jnp
from jax import lax
from jax.experimental import pallas as pl
from jax.experimental.pallas import tpu as pltpu
from jax.experimental.pallas import tpu_sc as plsc

PAD = -2


@functools.lru_cache(maxsize=None)
def _build(N, V, D):
    info = plsc.get_sparse_core_info()
    NC, NS, LANES = info.num_cores, info.num_subcores, info.num_lanes
    NW = NC * NS
    assert N % NW == 0
    per_w = N // NW
    GCH = 128
    assert per_w % GCH == 0
    nb = per_w // GCH
    S = 4
    RING = S * GCH

    mesh = plsc.VectorSubcoreMesh(core_axis_name="c", subcore_axis_name="s")

    @functools.partial(
        pl.kernel,
        out_type=jax.ShapeDtypeStruct((N, D), jnp.float32),
        mesh=mesh,
        compiler_params=pltpu.CompilerParams(
            needs_layout_passes=False, use_tc_tiling_on_sc=False
        ),
        scratch_types=[
            pltpu.VMEM((per_w,), jnp.int32),
            pltpu.VMEM((per_w,), jnp.int32),
            pltpu.VMEM((per_w + 16,), jnp.int32),
            pltpu.VMEM((RING, D), jnp.float32),
            pltpu.VMEM((2 * GCH, D), jnp.float32),
            pltpu.SMEM((nb + 1,), jnp.int32),
            pltpu.SemaphoreType.DMA,
            pltpu.SemaphoreType.DMA,
        ],
    )
    def k(tok_hbm, table_hbm, out_hbm, meta_v, cidx_v, ridx_v, stage_v,
          oblk_v, pbnd_s, sem_g, sem_o):
        wid = lax.axis_index("s") * NC + lax.axis_index("c")
        base = wid * per_w
        lane = lax.iota(jnp.int32, LANES)
        zeros = jnp.zeros((LANES,), jnp.float32)
        izeros = jnp.zeros((LANES,), jnp.int32)

        pltpu.sync_copy(tok_hbm.at[pl.ds(base, per_w)], meta_v)

        def zero_cidx(i, _):
            cidx_v[pl.ds(i * LANES, LANES)] = izeros
            return 0

        lax.fori_loop(0, per_w // LANES, zero_cidx, 0)

        def prep(t, running):
            pbnd_s[t] = running
            for u in range(GCH // LANES):
                off = t * GCH + u * LANES
                v = meta_v[pl.ds(off, LANES)]
                m = v >= 0
                plsc.store_compressed(
                    cidx_v.at[pl.ds(running, LANES)], jnp.maximum(v, 0), mask=m
                )
                plsc.store_compressed(
                    ridx_v.at[pl.ds(running, LANES)], off + lane, mask=m
                )
                running = running + plsc.all_reduce_population_count(m)[0]
            return running

        nv = lax.fori_loop(0, nb, prep, jnp.int32(0))
        pbnd_s[nb] = nv
        nch = (nv + GCH - 1) // GCH

        def g_desc(c):
            s = lax.rem(c, S)
            return pltpu.make_async_copy(
                table_hbm.at[cidx_v.at[pl.ds(c * GCH, GCH)]],
                stage_v.at[pl.ds(s * GCH, GCH)],
                sem_g,
            )

        def o_desc(t):
            s = lax.rem(t, 2)
            return pltpu.make_async_copy(
                oblk_v.at[pl.ds(s * GCH, GCH)],
                out_hbm.at[pl.ds(base + t * GCH, GCH)],
                sem_o,
            )

        def block(t, carry):
            fired, waited = carry
            limit = jnp.minimum(nch, pbnd_s[t] // GCH + S)

            def fire_body(f):
                g_desc(f).start()
                return f + 1

            fired = lax.while_loop(lambda f: f < limit, fire_body, fired)

            need = (pbnd_s[t + 1] + GCH - 1) // GCH

            def wait_body(w):
                g_desc(w).wait()
                return w + 1

            waited = lax.while_loop(lambda w: w < need, wait_body, waited)

            @pl.when(t >= 2)
            def _():
                o_desc(t - 2).wait()

            obase = lax.rem(t, 2) * GCH

            def zfill(q, _):
                r = obase + q
                for c in range(D // LANES):
                    oblk_v[r, pl.ds(c * LANES, LANES)] = zeros
                return 0

            lax.fori_loop(0, GCH, zfill, 0)

            pstart = pbnd_s[t]
            pend = pbnd_s[t + 1]
            roff = obase - t * GCH

            def copy_row(rv, p, l):
                r = rv[l] + roff
                sr = (p + l) & (RING - 1)
                for c in range(D // LANES):
                    oblk_v[r, pl.ds(c * LANES, LANES)] = stage_v[
                        sr, pl.ds(c * LANES, LANES)
                    ]

            def full_grp(p):
                rv = ridx_v[pl.ds(p, LANES)]
                for l in range(LANES):
                    copy_row(rv, p, l)
                return p + LANES

            p0 = lax.while_loop(
                lambda p: p + LANES <= pend, full_grp, pstart
            )
            rem_n = pend - p0
            rv_t = ridx_v[pl.ds(p0, LANES)]
            for l in range(LANES):
                @pl.when(l < rem_n)
                def _():
                    copy_row(rv_t, p0, l)

            o_desc(t).start()
            return fired, waited

        lax.fori_loop(0, nb, block, (jnp.int32(0), jnp.int32(0)))
        o_desc(nb - 2).wait()
        o_desc(nb - 1).wait()

    return k


def kernel(ecg_tokens, emb_table):
    B, L = ecg_tokens.shape
    V, D = emb_table.shape
    N = B * L
    k = _build(N, V, D)
    out = k(ecg_tokens.reshape(N), emb_table)
    return out.reshape(B, L, D)

# --- scband reference (transcript-rebuilt; emitter-appended) ---
"""Pipeline reference for scband-signal2-vec-33578054320569 (READ-ONLY COPY).

The authoritative reference and input builder live on the scoring server;
editing this copy changes nothing except your own understanding.
"""

import jax, jax.numpy as jnp
import numpy as np

V = 1000000  # vocab (signal2vec table rows)
D = 64       # projection_dim
B = 4096     # batch
L = 200      # truncated/padded sequence length
PAD = -2


def setup_inputs(seed: int = 0) -> dict:
    key = jax.random.key(seed)
    k1, k2, k3 = jax.random.split(key, 3)
    tokens = jax.random.randint(k1, (B, L), 0, V, dtype=jnp.int32)
    # emulate padding with -2 sentinel (as in the torch module)
    lengths = jax.random.randint(k2, (B,), 1, L + 1, dtype=jnp.int32)
    pos = jnp.arange(L, dtype=jnp.int32)[None, :]
    tokens = jnp.where(pos < lengths[:, None], tokens, PAD)
    # frozen pretrained embedding table (builder.load_embeddings stand-in)
    emb_table = jax.random.normal(k3, (V, D), dtype=jnp.float32) * 0.02
    return {"ecg_tokens": tokens, "emb_table": emb_table}


def reference(ecg_tokens, emb_table):
    # mask = ecg_tokens != -2
    mask = ecg_tokens != PAD
    # ecg_tokens_safe[~mask] = 0
    safe_tokens = jnp.where(mask, ecg_tokens, 0)
    # embeddings = self.embedding(ecg_tokens_safe)
    embeddings = jnp.take(emb_table, safe_tokens, axis=0)
    # embeddings = embeddings * mask.unsqueeze(-1)
    embeddings = embeddings * mask[..., None].astype(embeddings.dtype)
    return embeddings

if __name__ == "__main__":
    import jax
    _d = setup_inputs()
    print(jax.jit(kernel)(*tuple(_d.values())))

</pallas_src>

<mosaic_0001>
#map = affine_map<(d0, d1) -> (0)>
#map1 = affine_map<(d0, d1) -> (0, 0)>
module attributes {stable_mosaic.version = 14 : i64} {
  func.func @k(%arg0: i32, %arg1: i32, %arg2: memref<819200xi32, #tpu.memory_space<hbm>>, %arg3: memref<1000000x64xf32, #tpu.memory_space<hbm>>, %arg4: memref<819200x64xf32, #tpu.memory_space<hbm>>, %arg5: memref<25600xi32, #tpu.memory_space<vmem>>, %arg6: memref<25600xi32, #tpu.memory_space<vmem>>, %arg7: memref<25616xi32, #tpu.memory_space<vmem>>, %arg8: memref<512x64xf32, #tpu.memory_space<vmem>>, %arg9: memref<256x64xf32, #tpu.memory_space<vmem>>, %arg10: memref<201xi32, #tpu.memory_space<smem>>, %arg11: memref<!tpu.dma_semaphore, #tpu.memory_space<semaphore_mem>>, %arg12: memref<!tpu.dma_semaphore, #tpu.memory_space<semaphore_mem>>) attributes {dimension_semantics = [#tpu.dimension_semantics<core_parallel>, #tpu.dimension_semantics<subcore_parallel>], iteration_bounds = array<i64: 2, 16>, scalar_prefetch = 0 : i64, scratch_operands = 8 : i64, tpu.core_type = #tpu.core_type<sc_vector_subcore>, window_params = [{transform_indices = #map}, {transform_indices = #map1}, {transform_indices = #map1}]} {
    %mul3A = arith.constant 2 : i32
    %mul3A_0 = arith.muli %arg1, %mul3A : i32
    %add3A = arith.addi %mul3A_0, %arg0 : i32
    %mul3A_1 = arith.constant 25600 : i32
    %mul3A_2 = arith.muli %add3A, %mul3A_1 : i32
    %iota3A = tpu.iota {dimensions = array<i32: 0>} : vector<16xi32>
    %broadcast_in_dim3A = arith.constant 0.000000e+00 : f32
    %broadcast_in_dim3A_3 = vector.broadcast %broadcast_in_dim3A : f32 to vector<16xf32>
    %broadcast_in_dim3A_4 = arith.constant 0 : i32
    %broadcast_in_dim3A_5 = vector.broadcast %broadcast_in_dim3A_4 : i32 to vector<16xi32>
    "tpu.region"() ({
      %run_scoped3A = tpu.sem_alloc : memref<!tpu.dma_semaphore, #tpu.memory_space<semaphore_mem>>
      %dma_start3A = tpu.memref_slice %arg2[%mul3A_2] : memref<819200xi32, #tpu.memory_space<hbm>> -> memref<25600xi32, #tpu.memory_space<hbm>>
      %dma_start3A_78 = tpu.memref_slice %arg2[%mul3A_2] : memref<819200xi32, #tpu.memory_space<hbm>> -> memref<25600xi32, #tpu.memory_space<hbm>>
      tpu.enqueue_dma source(%dma_start3A_78 : memref<25600xi32, #tpu.memory_space<hbm>>) target(%arg5 : memref<25600xi32, #tpu.memory_space<vmem>>) target_semaphore(%run_scoped3A : memref<!tpu.dma_semaphore, #tpu.memory_space<semaphore_mem>>)
      %dma_wait3A_79 = tpu.memref_slice %arg2[%mul3A_2] : memref<819200xi32, #tpu.memory_space<hbm>> -> memref<25600xi32, #tpu.memory_space<hbm>>
      %dma_wait3A_80 = tpu.memref_slice %arg2[%mul3A_2] : memref<819200xi32, #tpu.memory_space<hbm>> -> memref<25600xi32, #tpu.memory_space<hbm>>
      tpu.wait_dma2 semaphore(%run_scoped3A : memref<!tpu.dma_semaphore, #tpu.memory_space<semaphore_mem>>) src(%dma_wait3A_80 : memref<25600xi32, #tpu.memory_space<hbm>>) dst(%arg5 : memref<25600xi32, #tpu.memory_space<vmem>>)
      tpu.yield
    }) : () -> ()
    %scan3A = arith.constant 0 : i32
    %scan3A_6 = arith.constant 0 : i32
    %scan3A_7 = arith.constant 1600 : i32
    %scan3A_8 = arith.addi %scan3A_6, %scan3A_7 : i32
    %scan3A_9 = arith.constant 1 : i32
    %scan3A_10 = scf.for %scan3A_78 = %scan3A_6 to %scan3A_8 step %scan3A_9 iter_args(%scan3A_79 = %scan3A) -> (i32)  : i32 {
      %mul3A_80 = arith.constant 16 : i32
      %mul3A_81 = arith.muli %scan3A_78, %mul3A_80 : i32
      %swap3A_82 = arith.index_cast %mul3A_81 : i32 to index
      %swap3A_83 = tpu.vector_load %arg6[%swap3A_82] {strides = array<i32>} : memref<25600xi32, #tpu.memory_space<vmem>>, vector<16xi32>,
      tpu.vector_store %arg6[%swap3A_82], %broadcast_in_dim3A_5 {strides = array<i32>} : memref<25600xi32, #tpu.memory_space<vmem>>, vector<16xi32>,
      %scan3A_84 = arith.constant 0 : i32
      scf.yield %scan3A_84 : i32
    }
    %scan3A_11 = arith.constant 1600 : i32
    %scan3A_12 = arith.constant 0 : i32
    %scan3A_13 = arith.constant 0 : i32
    %scan3A_14 = arith.constant 200 : i32
    %scan3A_15 = arith.addi %scan3A_13, %scan3A_14 : i32
    %scan3A_16 = arith.constant 1 : i32
    %scan3A_17 = scf.for %scan3A_78 = %scan3A_13 to %scan3A_15 step %scan3A_16 iter_args(%scan3A_79 = %scan3A_12) -> (i32)  : i32 {
      %swap3A_80 = arith.index_cast %scan3A_78 : i32 to index
      %swap3A_81 = memref.load %arg10[%swap3A_80] : memref<201xi32, #tpu.memory_space<smem>>
      memref.store %scan3A_79, %arg10[%swap3A_80] : memref<201xi32, #tpu.memory_space<smem>>
      %mul3A_82 = arith.constant 128 : i32
      %mul3A_83 = arith.muli %scan3A_78, %mul3A_82 : i32
      %add3A_84 = arith.constant 0 : i32
      %add3A_85 = arith.addi %mul3A_83, %add3A_84 : i32
      %get3A = arith.index_cast %add3A_85 : i32 to index
      %get3A_86 = tpu.vector_load %arg5[%get3A] {strides = array<i32>} : memref<25600xi32, #tpu.memory_space<vmem>>, vector<16xi32>,
      %ge3A = arith.constant 0 : i32
      %ge3A_87 = vector.broadcast %ge3A : i32 to vector<16xi32>
      %ge3A_88 = arith.cmpi sge, %get3A_86, %ge3A_87 : vector<16xi32>
      %max3A = arith.constant 0 : i32
      %max3A_89 = vector.broadcast %max3A : i32 to vector<16xi32>
      %max3A_90 = arith.maxsi %get3A_86, %max3A_89 : vector<16xi32>
      %swap3A_91 = arith.index_cast %scan3A_79 : i32 to index
      %swap3A_92 = tpu.vector_load %arg6[%swap3A_91] masked %ge3A_88 {strides = array<i32>} : memref<25600xi32, #tpu.memory_space<vmem>>, vector<16xi32>, vector<16xi1>
      tpu.vector_store %arg6[%swap3A_91], %max3A_90 masked %ge3A_88 {strides = array<i32>} : memref<25600xi32, #tpu.memory_space<vmem>>, vector<16xi32>, vector<16xi1>
      %add3A_93 = vector.broadcast %add3A_85 : i32 to vector<16xi32>
      %add3A_94 = arith.addi %add3A_93, %iota3A : vector<16xi32>
      %swap3A_95 = arith.index_cast %scan3A_79 : i32 to index
      %swap3A_96 = tpu.vector_load %arg7[%swap3A_95] masked %ge3A_88 {strides = array<i32>} : memref<25616xi32, #tpu.memory_space<vmem>>, vector<16xi32>, vector<16xi1>
      tpu.vector_store %arg7[%swap3A_95], %add3A_94 masked %ge3A_88 {strides = array<i32>} : memref<25616xi32, #tpu.memory_space<vmem>>, vector<16xi32>, vector<16xi1>
      %all_reduce_population_count3A = tpu.all_reduce %ge3A_88 {dim = 0 : i64, kind = #tpu.reduction_kind<sum>} : vector<16xi1> -> vector<16xi32>
      %slice3A = vector.extract_strided_slice %all_reduce_population_count3A {offsets = [0], sizes = [1], strides = [1]} : vector<16xi32> to vector<1xi32>
      %squeeze3A = vector.extract %slice3A[0] : i32 from vector<1xi32>
      %add3A_97 = arith.addi %scan3A_79, %squeeze3A : i32
      %mul3A_98 = arith.constant 128 : i32
      %mul3A_99 = arith.muli %scan3A_78, %mul3A_98 : i32
      %add3A_100 = arith.constant 16 : i32
      %add3A_101 = arith.addi %mul3A_99, %add3A_100 : i32
      %get3A_102 = arith.index_cast %add3A_101 : i32 to index
      %get3A_103 = tpu.vector_load %arg5[%get3A_102] {strides = array<i32>} : memref<25600xi32, #tpu.memory_space<vmem>>, vector<16xi32>,
      %ge3A_104 = arith.constant 0 : i32
      %ge3A_105 = vector.broadcast %ge3A_104 : i32 to vector<16xi32>
      %ge3A_106 = arith.cmpi sge, %get3A_103, %ge3A_105 : vector<16xi32>
      %max3A_107 = arith.constant 0 : i32
      %max3A_108 = vector.broadcast %max3A_107 : i32 to vector<16xi32>
      %max3A_109 = arith.maxsi %get3A_103, %max3A_108 : vector<16xi32>
      %swap3A_110 = arith.index_cast %add3A_97 : i32 to index
      %swap3A_111 = tpu.vector_load %arg6[%swap3A_110] masked %ge3A_106 {strides = array<i32>} : memref<25600xi32, #tpu.memory_space<vmem>>, vector<16xi32>, vector<16xi1>
      tpu.vector_store %arg6[%swap3A_110], %max3A_109 masked %ge3A_106 {strides = array<i32>} : memref<25600xi32, #tpu.memory_space<vmem>>, vector<16xi32>, vector<16xi1>
      %add3A_112 = vector.broadcast %add3A_101 : i32 to vector<16xi32>
      %add3A_113 = arith.addi %add3A_112, %iota3A : vector<16xi32>
      %swap3A_114 = arith.index_cast %add3A_97 : i32 to index
      %swap3A_115 = tpu.vector_load %arg7[%swap3A_114] masked %ge3A_106 {strides = array<i32>} : memref<25616xi32, #tpu.memory_space<vmem>>, vector<16xi32>, vector<16xi1>
      tpu.vector_store %arg7[%swap3A_114], %add3A_113 masked %ge3A_106 {strides = array<i32>} : memref<25616xi32, #tpu.memory_space<vmem>>, vector<16xi32>, vector<16xi1>
      %all_reduce_population_count3A_116 = tpu.all_reduce %ge3A_106 {dim = 0 : i64, kind = #tpu.reduction_kind<sum>} : vector<16xi1> -> vector<16xi32>
      %slice3A_117 = vector.extract_strided_slice %all_reduce_population_count3A_116 {offsets = [0], sizes = [1], strides = [1]} : vector<16xi32> to vector<1xi32>
      %squeeze3A_118 = vector.extract %slice3A_117[0] : i32 from vector<1xi32>
      %add3A_119 = arith.addi %add3A_97, %squeeze3A_118 : i32
      %mul3A_120 = arith.constant 128 : i32
      %mul3A_121 = arith.muli %scan3A_78, %mul3A_120 : i32
      %add3A_122 = arith.constant 32 : i32
      %add3A_123 = arith.addi %mul3A_121, %add3A_122 : i32
      %get3A_124 = arith.index_cast %add3A_123 : i32 to index
      %get3A_125 = tpu.vector_load %arg5[%get3A_124] {strides = array<i32>} : memref<25600xi32, #tpu.memory_space<vmem>>, vector<16xi32>,
      %ge3A_126 = arith.constant 0 : i32
      %ge3A_127 = vector.broadcast %ge3A_126 : i32 to vector<16xi32>
      %ge3A_128 = arith.cmpi sge, %get3A_125, %ge3A_127 : vector<16xi32>
      %max3A_129 = arith.constant 0 : i32
      %max3A_130 = vector.broadcast %max3A_129 : i32 to vector<16xi32>
      %max3A_131 = arith.maxsi %get3A_125, %max3A_130 : vector<16xi32>
      %swap3A_132 = arith.index_cast %add3A_119 : i32 to index
      %swap3A_133 = tpu.vector_load %arg6[%swap3A_132] masked %ge3A_128 {strides = array<i32>} : memref<25600xi32, #tpu.memory_space<vmem>>, vector<16xi32>, vector<16xi1>
      tpu.vector_store %arg6[%swap3A_132], %max3A_131 masked %ge3A_128 {strides = array<i32>} : memref<25600xi32, #tpu.memory_space<vmem>>, vector<16xi32>, vector<16xi1>
      %add3A_134 = vector.broadcast %add3A_123 : i32 to vector<16xi32>
      %add3A_135 = arith.addi %add3A_134, %iota3A : vector<16xi32>
      %swap3A_136 = arith.index_cast %add3A_119 : i32 to index
      %swap3A_137 = tpu.vector_load %arg7[%swap3A_136] masked %ge3A_128 {strides = array<i32>} : memref<25616xi32, #tpu.memory_space<vmem>>, vector<16xi32>, vector<16xi1>
      tpu.vector_store %arg7[%swap3A_136], %add3A_135 masked %ge3A_128 {strides = array<i32>} : memref<25616xi32, #tpu.memory_space<vmem>>, vector<16xi32>, vector<16xi1>
      %all_reduce_population_count3A_138 = tpu.all_reduce %ge3A_128 {dim = 0 : i64, kind = #tpu.reduction_kind<sum>} : vector<16xi1> -> vector<16xi32>
      %slice3A_139 = vector.extract_strided_slice %all_reduce_population_count3A_138 {offsets = [0], sizes = [1], strides = [1]} : vector<16xi32> to vector<1xi32>
      %squeeze3A_140 = vector.extract %slice3A_139[0] : i32 from vector<1xi32>
      %add3A_141 = arith.addi %add3A_119, %squeeze3A_140 : i32
      %mul3A_142 = arith.constant 128 : i32
      %mul3A_143 = arith.muli %scan3A_78, %mul3A_142 : i32
      %add3A_144 = arith.constant 48 : i32
      %add3A_145 = arith.addi %mul3A_143, %add3A_144 : i32
      %get3A_146 = arith.index_cast %add3A_145 : i32 to index
      %get3A_147 = tpu.vector_load %arg5[%get3A_146] {strides = array<i32>} : memref<25600xi32, #tpu.memory_space<vmem>>, vector<16xi32>,
      %ge3A_148 = arith.constant 0 : i32
      %ge3A_149 = vector.broadcast %ge3A_148 : i32 to vector<16xi32>
      %ge3A_150 = arith.cmpi sge, %get3A_147, %ge3A_149 : vector<16xi32>
      %max3A_151 = arith.constant 0 : i32
      %max3A_152 = vector.broadcast %max3A_151 : i32 to vector<16xi32>
      %max3A_153 = arith.maxsi %get3A_147, %max3A_152 : vector<16xi32>
      %swap3A_154 = arith.index_cast %add3A_141 : i32 to index
      %swap3A_155 = tpu.vector_load %arg6[%swap3A_154] masked %ge3A_150 {strides = array<i32>} : memref<25600xi32, #tpu.memory_space<vmem>>, vector<16xi32>, vector<16xi1>
      tpu.vector_store %arg6[%swap3A_154], %max3A_153 masked %ge3A_150 {strides = array<i32>} : memref<25600xi32, #tpu.memory_space<vmem>>, vector<16xi32>, vector<16xi1>
      %add3A_156 = vector.broadcast %add3A_145 : i32 to vector<16xi32>
      %add3A_157 = arith.addi %add3A_156, %iota3A : vector<16xi32>
      %swap3A_158 = arith.index_cast %add3A_141 : i32 to index
      %swap3A_159 = tpu.vector_load %arg7[%swap3A_158] masked %ge3A_150 {strides = array<i32>} : memref<25616xi32, #tpu.memory_space<vmem>>, vector<16xi32>, vector<16xi1>
      tpu.vector_store %arg7[%swap3A_158], %add3A_157 masked %ge3A_150 {strides = array<i32>} : memref<25616xi32, #tpu.memory_space<vmem>>, vector<16xi32>, vector<16xi1>
      %all_reduce_population_count3A_160 = tpu.all_reduce %ge3A_150 {dim = 0 : i64, kind = #tpu.reduction_kind<sum>} : vector<16xi1> -> vector<16xi32>
      %slice3A_161 = vector.extract_strided_slice %all_reduce_population_count3A_160 {offsets = [0], sizes = [1], strides = [1]} : vector<16xi32> to vector<1xi32>
      %squeeze3A_162 = vector.extract %slice3A_161[0] : i32 from vector<1xi32>
      %add3A_163 = arith.addi %add3A_141, %squeeze3A_162 : i32
      %mul3A_164 = arith.constant 128 : i32
      %mul3A_165 = arith.muli %scan3A_78, %mul3A_164 : i32
      %add3A_166 = arith.constant 64 : i32
      %add3A_167 = arith.addi %mul3A_165, %add3A_166 : i32
      %get3A_168 = arith.index_cast %add3A_167 : i32 to index
      %get3A_169 = tpu.vector_load %arg5[%get3A_168] {strides = array<i32>} : memref<25600xi32, #tpu.memory_space<vmem>>, vector<16xi32>,
      %ge3A_170 = arith.constant 0 : i32
      %ge3A_171 = vector.broadcast %ge3A_170 : i32 to vector<16xi32>
      %ge3A_172 = arith.cmpi sge, %get3A_169, %ge3A_171 : vector<16xi32>
      %max3A_173 = arith.constant 0 : i32
      %max3A_174 = vector.broadcast %max3A_173 : i32 to vector<16xi32>
      %max3A_175 = arith.maxsi %get3A_169, %max3A_174 : vector<16xi32>
      %swap3A_176 = arith.index_cast %add3A_163 : i32 to index
      %swap3A_177 = tpu.vector_load %arg6[%swap3A_176] masked %ge3A_172 {strides = array<i32>} : memref<25600xi32, #tpu.memory_space<vmem>>, vector<16xi32>, vector<16xi1>
      tpu.vector_store %arg6[%swap3A_176], %max3A_175 masked %ge3A_172 {strides = array<i32>} : memref<25600xi32, #tpu.memory_space<vmem>>, vector<16xi32>, vector<16xi1>
      %add3A_178 = vector.broadcast %add3A_167 : i32 to vector<16xi32>
      %add3A_179 = arith.addi %add3A_178, %iota3A : vector<16xi32>
      %swap3A_180 = arith.index_cast %add3A_163 : i32 to index
      %swap3A_181 = tpu.vector_load %arg7[%swap3A_180] masked %ge3A_172 {strides = array<i32>} : memref<25616xi32, #tpu.memory_space<vmem>>, vector<16xi32>, vector<16xi1>
      tpu.vector_store %arg7[%swap3A_180], %add3A_179 masked %ge3A_172 {strides = array<i32>} : memref<25616xi32, #tpu.memory_space<vmem>>, vector<16xi32>, vector<16xi1>
      %all_reduce_population_count3A_182 = tpu.all_reduce %ge3A_172 {dim = 0 : i64, kind = #tpu.reduction_kind<sum>} : vector<16xi1> -> vector<16xi32>
      %slice3A_183 = vector.extract_strided_slice %all_reduce_population_count3A_182 {offsets = [0], sizes = [1], strides = [1]} : vector<16xi32> to vector<1xi32>
      %squeeze3A_184 = vector.extract %slice3A_183[0] : i32 from vector<1xi32>
      %add3A_185 = arith.addi %add3A_163, %squeeze3A_184 : i32
      %mul3A_186 = arith.constant 128 : i32
      %mul3A_187 = arith.muli %scan3A_78, %mul3A_186 : i32
      %add3A_188 = arith.constant 80 : i32
      %add3A_189 = arith.addi %mul3A_187, %add3A_188 : i32
      %get3A_190 = arith.index_cast %add3A_189 : i32 to index
      %get3A_191 = tpu.vector_load %arg5[%get3A_190] {strides = array<i32>} : memref<25600xi32, #tpu.memory_space<vmem>>, vector<16xi32>,
      %ge3A_192 = arith.constant 0 : i32
      %ge3A_193 = vector.broadcast %ge3A_192 : i32 to vector<16xi32>
      %ge3A_194 = arith.cmpi sge, %get3A_191, %ge3A_193 : vector<16xi32>
      %max3A_195 = arith.constant 0 : i32
      %max3A_196 = vector.broadcast %max3A_195 : i32 to vector<16xi32>
      %max3A_197 = arith.maxsi %get3A_191, %max3A_196 : vector<16xi32>
      %swap3A_198 = arith.index_cast %add3A_185 : i32 to index
      %swap3A_199 = tpu.vector_load %arg6[%swap3A_198] masked %ge3A_194 {strides = array<i32>} : memref<25600xi32, #tpu.memory_space<vmem>>, vector<16xi32>, vector<16xi1>
      tpu.vector_store %arg6[%swap3A_198], %max3A_197 masked %ge3A_194 {strides = array<i32>} : memref<25600xi32, #tpu.memory_space<vmem>>, vector<16xi32>, vector<16xi1>
      %add3A_200 = vector.broadcast %add3A_189 : i32 to vector<16xi32>
      %add3A_201 = arith.addi %add3A_200, %iota3A : vector<16xi32>
      %swap3A_202 = arith.index_cast %add3A_185 : i32 to index
      %swap3A_203 = tpu.vector_load %arg7[%swap3A_202] masked %ge3A_194 {strides = array<i32>} : memref<25616xi32, #tpu.memory_space<vmem>>, vector<16xi32>, vector<16xi1>
      tpu.vector_store %arg7[%swap3A_202], %add3A_201 masked %ge3A_194 {strides = array<i32>} : memref<25616xi32, #tpu.memory_space<vmem>>, vector<16xi32>, vector<16xi1>
      %all_reduce_population_count3A_204 = tpu.all_reduce %ge3A_194 {dim = 0 : i64, kind = #tpu.reduction_kind<sum>} : vector<16xi1> -> vector<16xi32>
      %slice3A_205 = vector.extract_strided_slice %all_reduce_population_count3A_204 {offsets = [0], sizes = [1], strides = [1]} : vector<16xi32> to vector<1xi32>
      %squeeze3A_206 = vector.extract %slice3A_205[0] : i32 from vector<1xi32>
      %add3A_207 = arith.addi %add3A_185, %squeeze3A_206 : i32
      %mul3A_208 = arith.constant 128 : i32
      %mul3A_209 = arith.muli %scan3A_78, %mul3A_208 : i32
      %add3A_210 = arith.constant 96 : i32
      %add3A_211 = arith.addi %mul3A_209, %add3A_210 : i32
      %get3A_212 = arith.index_cast %add3A_211 : i32 to index
      %get3A_213 = tpu.vector_load %arg5[%get3A_212] {strides = array<i32>} : memref<25600xi32, #tpu.memory_space<vmem>>, vector<16xi32>,
      %ge3A_214 = arith.constant 0 : i32
      %ge3A_215 = vector.broadcast %ge3A_214 : i32 to vector<16xi32>
      %ge3A_216 = arith.cmpi sge, %get3A_213, %ge3A_215 : vector<16xi32>
      %max3A_217 = arith.constant 0 : i32
      %max3A_218 = vector.broadcast %max3A_217 : i32 to vector<16xi32>
      %max3A_219 = arith.maxsi %get3A_213, %max3A_218 : vector<16xi32>
      %swap3A_220 = arith.index_cast %add3A_207 : i32 to index
      %swap3A_221 = tpu.vector_load %arg6[%swap3A_220] masked %ge3A_216 {strides = array<i32>} : memref<25600xi32, #tpu.memory_space<vmem>>, vector<16xi32>, vector<16xi1>
      tpu.vector_store %arg6[%swap3A_220], %max3A_219 masked %ge3A_216 {strides = array<i32>} : memref<25600xi32, #tpu.memory_space<vmem>>, vector<16xi32>, vector<16xi1>
      %add3A_222 = vector.broadcast %add3A_211 : i32 to vector<16xi32>
      %add3A_223 = arith.addi %add3A_222, %iota3A : vector<16xi32>
      %swap3A_224 = arith.index_cast %add3A_207 : i32 to index
      %swap3A_225 = tpu.vector_load %arg7[%swap3A_224] masked %ge3A_216 {strides = array<i32>} : memref<25616xi32, #tpu.memory_space<vmem>>, vector<16xi32>, vector<16xi1>
      tpu.vector_store %arg7[%swap3A_224], %add3A_223 masked %ge3A_216 {strides = array<i32>} : memref<25616xi32, #tpu.memory_space<vmem>>, vector<16xi32>, vector<16xi1>
      %all_reduce_population_count3A_226 = tpu.all_reduce %ge3A_216 {dim = 0 : i64, kind = #tpu.reduction_kind<sum>} : vector<16xi1> -> vector<16xi32>
      %slice3A_227 = vector.extract_strided_slice %all_reduce_population_count3A_226 {offsets = [0], sizes = [1], strides = [1]} : vector<16xi32> to vector<1xi32>
      %squeeze3A_228 = vector.extract %slice3A_227[0] : i32 from vector<1xi32>
      %add3A_229 = arith.addi %add3A_207, %squeeze3A_228 : i32
      %mul3A_230 = arith.constant 128 : i32
      %mul3A_231 = arith.muli %scan3A_78, %mul3A_230 : i32
      %add3A_232 = arith.constant 112 : i32
      %add3A_233 = arith.addi %mul3A_231, %add3A_232 : i32
      %get3A_234 = arith.index_cast %add3A_233 : i32 to index
      %get3A_235 = tpu.vector_load %arg5[%get3A_234] {strides = array<i32>} : memref<25600xi32, #tpu.memory_space<vmem>>, vector<16xi32>,
      %ge3A_236 = arith.constant 0 : i32
      %ge3A_237 = vector.broadcast %ge3A_236 : i32 to vector<16xi32>
      %ge3A_238 = arith.cmpi sge, %get3A_235, %ge3A_237 : vector<16xi32>
      %max3A_239 = arith.constant 0 : i32
      %max3A_240 = vector.broadcast %max3A_239 : i32 to vector<16xi32>
      %max3A_241 = arith.maxsi %get3A_235, %max3A_240 : vector<16xi32>
      %swap3A_242 = arith.index_cast %add3A_229 : i32 to index
      %swap3A_243 = tpu.vector_load %arg6[%swap3A_242] masked %ge3A_238 {strides = array<i32>} : memref<25600xi32, #tpu.memory_space<vmem>>, vector<16xi32>, vector<16xi1>
      tpu.vector_store %arg6[%swap3A_242], %max3A_241 masked %ge3A_238 {strides = array<i32>} : memref<25600xi32, #tpu.memory_space<vmem>>, vector<16xi32>, vector<16xi1>
      %add3A_244 = vector.broadcast %add3A_233 : i32 to vector<16xi32>
      %add3A_245 = arith.addi %add3A_244, %iota3A : vector<16xi32>
      %swap3A_246 = arith.index_cast %add3A_229 : i32 to index
      %swap3A_247 = tpu.vector_load %arg7[%swap3A_246] masked %ge3A_238 {strides = array<i32>} : memref<25616xi32, #tpu.memory_space<vmem>>, vector<16xi32>, vector<16xi1>
      tpu.vector_store %arg7[%swap3A_246], %add3A_245 masked %ge3A_238 {strides = array<i32>} : memref<25616xi32, #tpu.memory_space<vmem>>, vector<16xi32>, vector<16xi1>
      %all_reduce_population_count3A_248 = tpu.all_reduce %ge3A_238 {dim = 0 : i64, kind = #tpu.reduction_kind<sum>} : vector<16xi1> -> vector<16xi32>
      %slice3A_249 = vector.extract_strided_slice %all_reduce_population_count3A_248 {offsets = [0], sizes = [1], strides = [1]} : vector<16xi32> to vector<1xi32>
      %squeeze3A_250 = vector.extract %slice3A_249[0] : i32 from vector<1xi32>
      %add3A_251 = arith.addi %add3A_229, %squeeze3A_250 : i32
      scf.yield %add3A_251 : i32
    }
    %scan3A_18 = arith.constant 200 : i32
    %swap3A = arith.constant 200 : i32
    %swap3A_19 = arith.index_cast %swap3A : i32 to index
    %swap3A_20 = memref.load %arg10[%swap3A_19] : memref<201xi32, #tpu.memory_space<smem>>
    memref.store %scan3A_17, %arg10[%swap3A_19] : memref<201xi32, #tpu.memory_space<smem>>
    %add3A_21 = arith.constant 128 : i32
    %add3A_22 = arith.addi %scan3A_17, %add3A_21 : i32
    %sub3A = arith.constant 1 : i32
    %sub3A_23 = arith.subi %add3A_22, %sub3A : i32
    %jit3A = arith.constant 128 : i32
    %div3A = arith.divsi %sub3A_23, %jit3A : i32
    %sign3A = arith.constant 0 : i32
    %sign3A_24 = arith.cmpi sgt, %sub3A_23, %sign3A : i32
    %sign3A_25 = arith.extui %sign3A_24 : i1 to i32
    %sign3A_26 = arith.constant 0 : i32
    %sign3A_27 = arith.cmpi slt, %sub3A_23, %sign3A_26 : i32
    %sign3A_28 = arith.extui %sign3A_27 : i1 to i32
    %sign3A_29 = arith.subi %sign3A_25, %sign3A_28 : i32
    %sign3A_30 = arith.constant 0 : i32
    %sign3A_31 = arith.cmpi sgt, %jit3A, %sign3A_30 : i32
    %sign3A_32 = arith.extui %sign3A_31 : i1 to i32
    %sign3A_33 = arith.constant 0 : i32
    %sign3A_34 = arith.cmpi slt, %jit3A, %sign3A_33 : i32
    %sign3A_35 = arith.extui %sign3A_34 : i1 to i32
    %sign3A_36 = arith.subi %sign3A_32, %sign3A_35 : i32
    %ne3A = arith.cmpi ne, %sign3A_29, %sign3A_36 : i32
    %rem3A = arith.remsi %sub3A_23, %jit3A : i32
    %ne3A_37 = arith.constant 0 : i32
    %ne3A_38 = arith.cmpi ne, %rem3A, %ne3A_37 : i32
    %and3A = arith.andi %ne3A, %ne3A_38 : i1
    %sub3A_39 = arith.constant 1 : i32
    %sub3A_40 = arith.subi %div3A, %sub3A_39 : i32
    %select_n3A = arith.select %and3A, %sub3A_40, %div3A : i32
    %scan3A_41 = arith.constant 0 : i32
    %scan3A_42 = arith.constant 0 : i32
    %scan3A_43 = arith.constant 0 : i32
    %scan3A_44 = arith.constant 200 : i32
    %scan3A_45 = arith.addi %scan3A_43, %scan3A_44 : i32
    %scan3A_46 = arith.constant 1 : i32
    %scan3A_47:2 = scf.for %scan3A_78 = %scan3A_43 to %scan3A_45 step %scan3A_46 iter_args(%scan3A_79 = %scan3A_41, %scan3A_80 = %scan3A_42) -> (i32, i32)  : i32 {
      %get3A = arith.index_cast %scan3A_78 : i32 to index
      %get3A_81 = memref.load %arg10[%get3A] : memref<201xi32, #tpu.memory_space<smem>>
      %jit3A_82 = arith.constant 128 : i32
      %div3A_83 = arith.divsi %get3A_81, %jit3A_82 : i32
      %sign3A_84 = arith.constant 0 : i32
      %sign3A_85 = arith.cmpi sgt, %get3A_81, %sign3A_84 : i32
      %sign3A_86 = arith.extui %sign3A_85 : i1 to i32
      %sign3A_87 = arith.constant 0 : i32
      %sign3A_88 = arith.cmpi slt, %get3A_81, %sign3A_87 : i32
      %sign3A_89 = arith.extui %sign3A_88 : i1 to i32
      %sign3A_90 = arith.subi %sign3A_86, %sign3A_89 : i32
      %sign3A_91 = arith.constant 0 : i32
      %sign3A_92 = arith.cmpi sgt, %jit3A_82, %sign3A_91 : i32
      %sign3A_93 = arith.extui %sign3A_92 : i1 to i32
      %sign3A_94 = arith.constant 0 : i32
      %sign3A_95 = arith.cmpi slt, %jit3A_82, %sign3A_94 : i32
      %sign3A_96 = arith.extui %sign3A_95 : i1 to i32
      %sign3A_97 = arith.subi %sign3A_93, %sign3A_96 : i32
      %ne3A_98 = arith.cmpi ne, %sign3A_90, %sign3A_97 : i32
      %rem3A_99 = arith.remsi %get3A_81, %jit3A_82 : i32
      %ne3A_100 = arith.constant 0 : i32
      %ne3A_101 = arith.cmpi ne, %rem3A_99, %ne3A_100 : i32
      %and3A_102 = arith.andi %ne3A_98, %ne3A_101 : i1
      %sub3A_103 = arith.constant 1 : i32
      %sub3A_104 = arith.subi %div3A_83, %sub3A_103 : i32
      %select_n3A_105 = arith.select %and3A_102, %sub3A_104, %div3A_83 : i32
      %add3A_106 = arith.constant 4 : i32
      %add3A_107 = arith.addi %select_n3A_105, %add3A_106 : i32
      %min3A = arith.minsi %select_n3A, %add3A_107 : i32
      %while3A = scf.while (%while3A_260 = %scan3A_79) : (i32) -> i32 {
        %lt3A = arith.cmpi slt, %while3A_260, %min3A : i32
        scf.condition(%lt3A) %while3A_260 : i32
      } do {
      ^bb0(%while3A_260: i32):
        %rem3A_261 = arith.constant 4 : i32
        %rem3A_262 = arith.remsi %while3A_260, %rem3A_261 : i32
        %mul3A_263 = arith.constant 128 : i32
        %mul3A_264 = arith.muli %while3A_260, %mul3A_263 : i32
        %mul3A_265 = arith.constant 128 : i32
        %mul3A_266 = arith.muli %rem3A_262, %mul3A_265 : i32
        %dma_start3A_267 = arith.constant 0 : i32
        %dma_start3A_268 = tpu.memref_slice %arg8[%mul3A_266, %dma_start3A_267] : memref<512x64xf32, #tpu.memory_space<vmem>> -> memref<128x64xf32, #tpu.memory_space<vmem>>
        %dma_start3A_269 = tpu.memref_slice %arg6[%mul3A_264] : memref<25600xi32, #tpu.memory_space<vmem>> -> memref<128xi32, #tpu.memory_space<vmem>>
        %dma_start3A_270 = arith.constant 0 : i32
        %dma_start3A_271 = arith.constant 0 : i32
        %dma_start3A_272 = tpu.memref_slice %arg3[%dma_start3A_270, %dma_start3A_271] : memref<1000000x64xf32, #tpu.memory_space<hbm>> -> memref<1000000x64xf32, #tpu.memory_space<hbm>>
        tpu.enqueue_indirect_dma source(%dma_start3A_272 : memref<1000000x64xf32, #tpu.memory_space<hbm>>) target(%dma_start3A_268 : memref<128x64xf32, #tpu.memory_space<vmem>>) offsets(%dma_start3A_269 : memref<128xi32, #tpu.memory_space<vmem>>) semaphore(%arg11 : memref<!tpu.dma_semaphore, #tpu.memory_space<semaphore_mem>>)
        %add3A_273 = arith.constant 1 : i32
        %add3A_274 = arith.addi %while3A_260, %add3A_273 : i32
        scf.yield %add3A_274 : i32
      }
      %add3A_108 = arith.constant 1 : i32
      %add3A_109 = arith.addi %scan3A_78, %add3A_108 : i32
      %get3A_110 = arith.index_cast %add3A_109 : i32 to index
      %get3A_111 = memref.load %arg10[%get3A_110] : memref<201xi32, #tpu.memory_space<smem>>
      %add3A_112 = arith.constant 128 : i32
      %add3A_113 = arith.addi %get3A_111, %add3A_112 : i32
      %sub3A_114 = arith.constant 1 : i32
      %sub3A_115 = arith.subi %add3A_113, %sub3A_114 : i32
      %jit3A_116 = arith.constant 128 : i32
      %div3A_117 = arith.divsi %sub3A_115, %jit3A_116 : i32
      %sign3A_118 = arith.constant 0 : i32
      %sign3A_119 = arith.cmpi sgt, %sub3A_115, %sign3A_118 : i32
      %sign3A_120 = arith.extui %sign3A_119 : i1 to i32
      %sign3A_121 = arith.constant 0 : i32
      %sign3A_122 = arith.cmpi slt, %sub3A_115, %sign3A_121 : i32
      %sign3A_123 = arith.extui %sign3A_122 : i1 to i32
      %sign3A_124 = arith.subi %sign3A_120, %sign3A_123 : i32
      %sign3A_125 = arith.constant 0 : i32
      %sign3A_126 = arith.cmpi sgt, %jit3A_116, %sign3A_125 : i32
      %sign3A_127 = arith.extui %sign3A_126 : i1 to i32
      %sign3A_128 = arith.constant 0 : i32
      %sign3A_129 = arith.cmpi slt, %jit3A_116, %sign3A_128 : i32
      %sign3A_130 = arith.extui %sign3A_129 : i1 to i32
      %sign3A_131 = arith.subi %sign3A_127, %sign3A_130 : i32
      %ne3A_132 = arith.cmpi ne, %sign3A_124, %sign3A_131 : i32
      %rem3A_133 = arith.remsi %sub3A_115, %jit3A_116 : i32
      %ne3A_134 = arith.constant 0 : i32
      %ne3A_135 = arith.cmpi ne, %rem3A_133, %ne3A_134 : i32
      %and3A_136 = arith.andi %ne3A_132, %ne3A_135 : i1
      %sub3A_137 = arith.constant 1 : i32
      %sub3A_138 = arith.subi %div3A_117, %sub3A_137 : i32
      %select_n3A_139 = arith.select %and3A_136, %sub3A_138, %div3A_117 : i32
      %while3A_140 = scf.while (%while3A_260 = %scan3A_80) : (i32) -> i32 {
        %lt3A = arith.cmpi slt, %while3A_260, %select_n3A_139 : i32
        scf.condition(%lt3A) %while3A_260 : i32
      } do {
      ^bb0(%while3A_260: i32):
        %rem3A_261 = arith.constant 4 : i32
        %rem3A_262 = arith.remsi %while3A_260, %rem3A_261 : i32
        %mul3A_263 = arith.constant 128 : i32
        %mul3A_264 = arith.muli %while3A_260, %mul3A_263 : i32
        %mul3A_265 = arith.constant 128 : i32
        %mul3A_266 = arith.muli %rem3A_262, %mul3A_265 : i32
        %dma_wait3A_267 = arith.constant 0 : i32
        %dma_wait3A_268 = tpu.memref_slice %arg8[%mul3A_266, %dma_wait3A_267] : memref<512x64xf32, #tpu.memory_space<vmem>> -> memref<128x64xf32, #tpu.memory_space<vmem>>
        %dma_wait3A_269 = tpu.memref_slice %arg6[%mul3A_264] : memref<25600xi32, #tpu.memory_space<vmem>> -> memref<128xi32, #tpu.memory_space<vmem>>
        %dma_wait3A_270 = arith.constant 0 : i32
        %dma_wait3A_271 = arith.constant 0 : i32
        %dma_wait3A_272 = tpu.memref_slice %arg3[%dma_wait3A_270, %dma_wait3A_271] : memref<1000000x64xf32, #tpu.memory_space<hbm>> -> memref<1000000x64xf32, #tpu.memory_space<hbm>>
        tpu.wait_indirect_dma semaphore(%arg11 : memref<!tpu.dma_semaphore, #tpu.memory_space<semaphore_mem>>) src(%dma_wait3A_272 : memref<1000000x64xf32, #tpu.memory_space<hbm>>) dst(%dma_wait3A_268 : memref<128x64xf32, #tpu.memory_space<vmem>>)
        %add3A_273 = arith.constant 1 : i32
        %add3A_274 = arith.addi %while3A_260, %add3A_273 : i32
        scf.yield %add3A_274 : i32
      }
      %ge3A = arith.constant 2 : i32
      %ge3A_141 = arith.cmpi sge, %scan3A_78, %ge3A : i32
      %convert_element_type3A = arith.extui %ge3A_141 : i1 to i32
      %cond3A = arith.constant 0 : i32
      %cond3A_142 = arith.cmpi ne, %convert_element_type3A, %cond3A : i32
      scf.if %cond3A_142 {
        %sub3A_260 = arith.constant 2 : i32
        %sub3A_261 = arith.subi %scan3A_78, %sub3A_260 : i32
        %rem3A_262 = arith.constant 2 : i32
        %rem3A_263 = arith.remsi %sub3A_261, %rem3A_262 : i32
        %mul3A_264 = arith.constant 128 : i32
        %mul3A_265 = arith.muli %rem3A_263, %mul3A_264 : i32
        %mul3A_266 = arith.constant 128 : i32
        %mul3A_267 = arith.muli %sub3A_261, %mul3A_266 : i32
        %add3A_268 = arith.addi %mul3A_2, %mul3A_267 : i32
        %dma_wait3A_269 = arith.constant 0 : i32
        %dma_wait3A_270 = tpu.memref_slice %arg9[%mul3A_265, %dma_wait3A_269] : memref<256x64xf32, #tpu.memory_space<vmem>> -> memref<128x64xf32, #tpu.memory_space<vmem>>
        %dma_wait3A_271 = arith.constant 0 : i32
        %dma_wait3A_272 = tpu.memref_slice %arg4[%add3A_268, %dma_wait3A_271] : memref<819200x64xf32, #tpu.memory_space<hbm>> -> memref<128x64xf32, #tpu.memory_space<hbm>>
        %dma_wait3A_273 = arith.constant 0 : i32
        %dma_wait3A_274 = tpu.memref_slice %arg4[%add3A_268, %dma_wait3A_273] : memref<819200x64xf32, #tpu.memory_space<hbm>> -> memref<128x64xf32, #tpu.memory_space<hbm>>
        %dma_wait3A_275 = arith.constant 0 : i32
        %dma_wait3A_276 = tpu.memref_slice %arg9[%mul3A_265, %dma_wait3A_275] : memref<256x64xf32, #tpu.memory_space<vmem>> -> memref<128x64xf32, #tpu.memory_space<vmem>>
        tpu.wait_dma2 semaphore(%arg12 : memref<!tpu.dma_semaphore, #tpu.memory_space<semaphore_mem>>) src(%dma_wait3A_276 : memref<128x64xf32, #tpu.memory_space<vmem>>) dst(%dma_wait3A_274 : memref<128x64xf32, #tpu.memory_space<hbm>>)
      } else {
      }
      %rem3A_143 = arith.constant 2 : i32
      %rem3A_144 = arith.remsi %scan3A_78, %rem3A_143 : i32
      %mul3A_145 = arith.constant 128 : i32
      %mul3A_146 = arith.muli %rem3A_144, %mul3A_145 : i32
      %scan3A_147 = arith.constant 0 : i32
      %scan3A_148 = arith.constant 0 : i32
      %scan3A_149 = arith.constant 128 : i32
      %scan3A_150 = arith.addi %scan3A_148, %scan3A_149 : i32
      %scan3A_151 = arith.constant 1 : i32
      %scan3A_152 = scf.for %scan3A_260 = %scan3A_148 to %scan3A_150 step %scan3A_151 iter_args(%scan3A_261 = %scan3A_147) -> (i32)  : i32 {
        %add3A_262 = arith.addi %mul3A_146, %scan3A_260 : i32
        %swap3A_263 = arith.index_cast %add3A_262 : i32 to index
        %swap3A_264 = arith.constant 0 : index
        %swap3A_265 = tpu.vector_load %arg9[%swap3A_263, %swap3A_264] {strides = array<i32>} : memref<256x64xf32, #tpu.memory_space<vmem>>, vector<16xf32>,
        tpu.vector_store %arg9[%swap3A_263, %swap3A_264], %broadcast_in_dim3A_3 {strides = array<i32>} : memref<256x64xf32, #tpu.memory_space<vmem>>, vector<16xf32>,
        %swap3A_266 = arith.index_cast %add3A_262 : i32 to index
        %swap3A_267 = arith.constant 16 : index
        %swap3A_268 = tpu.vector_load %arg9[%swap3A_266, %swap3A_267] {strides = array<i32>} : memref<256x64xf32, #tpu.memory_space<vmem>>, vector<16xf32>,
        tpu.vector_store %arg9[%swap3A_266, %swap3A_267], %broadcast_in_dim3A_3 {strides = array<i32>} : memref<256x64xf32, #tpu.memory_space<vmem>>, vector<16xf32>,
        %swap3A_269 = arith.index_cast %add3A_262 : i32 to index
        %swap3A_270 = arith.constant 32 : index
        %swap3A_271 = tpu.vector_load %arg9[%swap3A_269, %swap3A_270] {strides = array<i32>} : memref<256x64xf32, #tpu.memory_space<vmem>>, vector<16xf32>,
        tpu.vector_store %arg9[%swap3A_269, %swap3A_270], %broadcast_in_dim3A_3 {strides = array<i32>} : memref<256x64xf32, #tpu.memory_space<vmem>>, vector<16xf32>,
        %swap3A_272 = arith.index_cast %add3A_262 : i32 to index
        %swap3A_273 = arith.constant 48 : index
        %swap3A_274 = tpu.vector_load %arg9[%swap3A_272, %swap3A_273] {strides = array<i32>} : memref<256x64xf32, #tpu.memory_space<vmem>>, vector<16xf32>,
        tpu.vector_store %arg9[%swap3A_272, %swap3A_273], %broadcast_in_dim3A_3 {strides = array<i32>} : memref<256x64xf32, #tpu.memory_space<vmem>>, vector<16xf32>,
        %scan3A_275 = arith.constant 0 : i32
        scf.yield %scan3A_275 : i32
      }
      %scan3A_153 = arith.constant 128 : i32
      %get3A_154 = arith.index_cast %scan3A_78 : i32 to index
      %get3A_155 = memref.load %arg10[%get3A_154] : memref<201xi32, #tpu.memory_space<smem>>
      %add3A_156 = arith.constant 1 : i32
      %add3A_157 = arith.addi %scan3A_78, %add3A_156 : i32
      %get3A_158 = arith.index_cast %add3A_157 : i32 to index
      %get3A_159 = memref.load %arg10[%get3A_158] : memref<201xi32, #tpu.memory_space<smem>>
      %mul3A_160 = arith.constant 128 : i32
      %mul3A_161 = arith.muli %scan3A_78, %mul3A_160 : i32
      %sub3A_162 = arith.subi %mul3A_146, %mul3A_161 : i32
      %while3A_163 = scf.while (%while3A_260 = %get3A_155) : (i32) -> i32 {
        %add3A_261 = arith.constant 16 : i32
        %add3A_262 = arith.addi %while3A_260, %add3A_261 : i32
        %le3A = arith.cmpi sle, %add3A_262, %get3A_159 : i32
        scf.condition(%le3A) %while3A_260 : i32
      } do {
      ^bb0(%while3A_260: i32):
        %get3A_261 = arith.index_cast %while3A_260 : i32 to index
        %get3A_262 = tpu.vector_load %arg7[%get3A_261] {strides = array<i32>} : memref<25616xi32, #tpu.memory_space<vmem>>, vector<16xi32>,
        %slice3A = vector.extract_strided_slice %get3A_262 {offsets = [0], sizes = [1], strides = [1]} : vector<16xi32> to vector<1xi32>
        %squeeze3A = vector.extract %slice3A[0] : i32 from vector<1xi32>
        %add3A_263 = arith.addi %squeeze3A, %sub3A_162 : i32
        %add3A_264 = arith.constant 0 : i32
        %add3A_265 = arith.addi %while3A_260, %add3A_264 : i32
        %and3A_266 = arith.constant 511 : i32
        %and3A_267 = arith.andi %add3A_265, %and3A_266 : i32
        %get3A_268 = arith.index_cast %and3A_267 : i32 to index
        %get3A_269 = arith.constant 0 : index
        %get3A_270 = tpu.vector_load %arg8[%get3A_268, %get3A_269] {strides = array<i32>} : memref<512x64xf32, #tpu.memory_space<vmem>>, vector<16xf32>,
        %swap3A_271 = arith.index_cast %add3A_263 : i32 to index
        %swap3A_272 = arith.constant 0 : index
        %swap3A_273 = tpu.vector_load %arg9[%swap3A_271, %swap3A_272] {strides = array<i32>} : memref<256x64xf32, #tpu.memory_space<vmem>>, vector<16xf32>,
        tpu.vector_store %arg9[%swap3A_271, %swap3A_272], %get3A_270 {strides = array<i32>} : memref<256x64xf32, #tpu.memory_space<vmem>>, vector<16xf32>,
        %get3A_274 = arith.index_cast %and3A_267 : i32 to index
        %get3A_275 = arith.constant 16 : index
        %get3A_276 = tpu.vector_load %arg8[%get3A_274, %get3A_275] {strides = array<i32>} : memref<512x64xf32, #tpu.memory_space<vmem>>, vector<16xf32>,
        %swap3A_277 = arith.index_cast %add3A_263 : i32 to index
        %swap3A_278 = arith.constant 16 : index
        %swap3A_279 = tpu.vector_load %arg9[%swap3A_277, %swap3A_278] {strides = array<i32>} : memref<256x64xf32, #tpu.memory_space<vmem>>, vector<16xf32>,
        tpu.vector_store %arg9[%swap3A_277, %swap3A_278], %get3A_276 {strides = array<i32>} : memref<256x64xf32, #tpu.memory_space<vmem>>, vector<16xf32>,
        %get3A_280 = arith.index_cast %and3A_267 : i32 to index
        %get3A_281 = arith.constant 32 : index
        %get3A_282 = tpu.vector_load %arg8[%get3A_280, %get3A_281] {strides = array<i32>} : memref<512x64xf32, #tpu.memory_space<vmem>>, vector<16xf32>,
        %swap3A_283 = arith.index_cast %add3A_263 : i32 to index
        %swap3A_284 = arith.constant 32 : index
        %swap3A_285 = tpu.vector_load %arg9[%swap3A_283, %swap3A_284] {strides = array<i32>} : memref<256x64xf32, #tpu.memory_space<vmem>>, vector<16xf32>,
        tpu.vector_store %arg9[%swap3A_283, %swap3A_284], %get3A_282 {strides = array<i32>} : memref<256x64xf32, #tpu.memory_space<vmem>>, vector<16xf32>,
        %get3A_286 = arith.index_cast %and3A_267 : i32 to index
        %get3A_287 = arith.constant 48 : index
        %get3A_288 = tpu.vector_load %arg8[%get3A_286, %get3A_287] {strides = array<i32>} : memref<512x64xf32, #tpu.memory_space<vmem>>, vector<16xf32>,
        %swap3A_289 = arith.index_cast %add3A_263 : i32 to index
        %swap3A_290 = arith.constant 48 : index
        %swap3A_291 = tpu.vector_load %arg9[%swap3A_289, %swap3A_290] {strides = array<i32>} : memref<256x64xf32, #tpu.memory_space<vmem>>, vector<16xf32>,
        tpu.vector_store %arg9[%swap3A_289, %swap3A_290], %get3A_288 {strides = array<i32>} : memref<256x64xf32, #tpu.memory_space<vmem>>, vector<16xf32>,
        %slice3A_292 = vector.extract_strided_slice %get3A_262 {offsets = [1], sizes = [1], strides = [1]} : vector<16xi32> to vector<1xi32>
        %squeeze3A_293 = vector.extract %slice3A_292[0] : i32 from vector<1xi32>
        %add3A_294 = arith.addi %squeeze3A_293, %sub3A_162 : i32
        %add3A_295 = arith.constant 1 : i32
        %add3A_296 = arith.addi %while3A_260, %add3A_295 : i32
        %and3A_297 = arith.constant 511 : i32
        %and3A_298 = arith.andi %add3A_296, %and3A_297 : i32
        %get3A_299 = arith.index_cast %and3A_298 : i32 to index
        %get3A_300 = arith.constant 0 : index
        %get3A_301 = tpu.vector_load %arg8[%get3A_299, %get3A_300] {strides = array<i32>} : memref<512x64xf32, #tpu.memory_space<vmem>>, vector<16xf32>,
        %swap3A_302 = arith.index_cast %add3A_294 : i32 to index
        %swap3A_303 = arith.constant 0 : index
        %swap3A_304 = tpu.vector_load %arg9[%swap3A_302, %swap3A_303] {strides = array<i32>} : memref<256x64xf32, #tpu.memory_space<vmem>>, vector<16xf32>,
        tpu.vector_store %arg9[%swap3A_302, %swap3A_303], %get3A_301 {strides = array<i32>} : memref<256x64xf32, #tpu.memory_space<vmem>>, vector<16xf32>,
        %get3A_305 = arith.index_cast %and3A_298 : i32 to index
        %get3A_306 = arith.constant 16 : index
        %get3A_307 = tpu.vector_load %arg8[%get3A_305, %get3A_306] {strides = array<i32>} : memref<512x64xf32, #tpu.memory_space<vmem>>, vector<16xf32>,
        %swap3A_308 = arith.index_cast %add3A_294 : i32 to index
        %swap3A_309 = arith.constant 16 : index
        %swap3A_310 = tpu.vector_load %arg9[%swap3A_308, %swap3A_309] {strides = array<i32>} : memref<256x64xf32, #tpu.memory_space<vmem>>, vector<16xf32>,
        tpu.vector_store %arg9[%swap3A_308, %swap3A_309], %get3A_307 {strides = array<i32>} : memref<256x64xf32, #tpu.memory_space<vmem>>, vector<16xf32>,
        %get3A_311 = arith.index_cast %and3A_298 : i32 to index
        %get3A_312 = arith.constant 32 : index
        %get3A_313 = tpu.vector_load %arg8[%get3A_311, %get3A_312] {strides = array<i32>} : memref<512x64xf32, #tpu.memory_space<vmem>>, vector<16xf32>,
        %swap3A_314 = arith.index_cast %add3A_294 : i32 to index
        %swap3A_315 = arith.constant 32 : index
        %swap3A_316 = tpu.vector_load %arg9[%swap3A_314, %swap3A_315] {strides = array<i32>} : memref<256x64xf32, #tpu.memory_space<vmem>>, vector<16xf32>,
        tpu.vector_store %arg9[%swap3A_314, %swap3A_315], %get3A_313 {strides = array<i32>} : memref<256x64xf32, #tpu.memory_space<vmem>>, vector<16xf32>,
        %get3A_317 = arith.index_cast %and3A_298 : i32 to index
        %get3A_318 = arith.constant 48 : index
        %get3A_319 = tpu.vector_load %arg8[%get3A_317, %get3A_318] {strides = array<i32>} : memref<512x64xf32, #tpu.memory_space<vmem>>, vector<16xf32>,
        %swap3A_320 = arith.index_cast %add3A_294 : i32 to index
        %swap3A_321 = arith.constant 48 : index
        %swap3A_322 = tpu.vector_load %arg9[%swap3A_320, %swap3A_321] {strides = array<i32>} : memref<256x64xf32, #tpu.memory_space<vmem>>, vector<16xf32>,
        tpu.vector_store %arg9[%swap3A_320, %swap3A_321], %get3A_319 {strides = array<i32>} : memref<256x64xf32, #tpu.memory_space<vmem>>, vector<16xf32>,
        %slice3A_323 = vector.extract_strided_slice %get3A_262 {offsets = [2], sizes = [1], strides = [1]} : vector<16xi32> to vector<1xi32>
        %squeeze3A_324 = vector.extract %slice3A_323[0] : i32 from vector<1xi32>
        %add3A_325 = arith.addi %squeeze3A_324, %sub3A_162 : i32
        %add3A_326 = arith.constant 2 : i32
        %add3A_327 = arith.addi %while3A_260, %add3A_326 : i32
        %and3A_328 = arith.constant 511 : i32
        %and3A_329 = arith.andi %add3A_327, %and3A_328 : i32
        %get3A_330 = arith.index_cast %and3A_329 : i32 to index
        %get3A_331 = arith.constant 0 : index
        %get3A_332 = tpu.vector_load %arg8[%get3A_330, %get3A_331] {strides = array<i32>} : memref<512x64xf32, #tpu.memory_space<vmem>>, vector<16xf32>,
        %swap3A_333 = arith.index_cast %add3A_325 : i32 to index
        %swap3A_334 = arith.constant 0 : index
        %swap3A_335 = tpu.vector_load %arg9[%swap3A_333, %swap3A_334] {strides = array<i32>} : memref<256x64xf32, #tpu.memory_space<vmem>>, vector<16xf32>,
        tpu.vector_store %arg9[%swap3A_333, %swap3A_334], %get3A_332 {strides = array<i32>} : memref<256x64xf32, #tpu.memory_space<vmem>>, vector<16xf32>,
        %get3A_336 = arith.index_cast %and3A_329 : i32 to index
        %get3A_337 = arith.constant 16 : index
        %get3A_338 = tpu.vector_load %arg8[%get3A_336, %get3A_337] {strides = array<i32>} : memref<512x64xf32, #tpu.memory_space<vmem>>, vector<16xf32>,
        %swap3A_339 = arith.index_cast %add3A_325 : i32 to index
        %swap3A_340 = arith.constant 16 : index
        %swap3A_341 = tpu.vector_load %arg9[%swap3A_339, %swap3A_340] {strides = array<i32>} : memref<256x64xf32, #tpu.memory_space<vmem>>, vector<16xf32>,
        tpu.vector_store %arg9[%swap3A_339, %swap3A_340], %get3A_338 {strides = array<i32>} : memref<256x64xf32, #tpu.memory_space<vmem>>, vector<16xf32>,
        %get3A_342 = arith.index_cast %and3A_329 : i32 to index
        %get3A_343 = arith.constant 32 : index
        %get3A_344 = tpu.vector_load %arg8[%get3A_342, %get3A_343] {strides = array<i32>} : memref<512x64xf32, #tpu.memory_space<vmem>>, vector<16xf32>,
        %swap3A_345 = arith.index_cast %add3A_325 : i32 to index
        %swap3A_346 = arith.constant 32 : index
        %swap3A_347 = tpu.vector_load %arg9[%swap3A_345, %swap3A_346] {strides = array<i32>} : memref<256x64xf32, #tpu.memory_space<vmem>>, vector<16xf32>,
        tpu.vector_store %arg9[%swap3A_345, %swap3A_346], %get3A_344 {strides = array<i32>} : memref<256x64xf32, #tpu.memory_space<vmem>>, vector<16xf32>,
        %get3A_348 = arith.index_cast %and3A_329 : i32 to index
        %get3A_349 = arith.constant 48 : index
        %get3A_350 = tpu.vector_load %arg8[%get3A_348, %get3A_349] {strides = array<i32>} : memref<512x64xf32, #tpu.memory_space<vmem>>, vector<16xf32>,
        %swap3A_351 = arith.index_cast %add3A_325 : i32 to index
        %swap3A_352 = arith.constant 48 : index
        %swap3A_353 = tpu.vector_load %arg9[%swap3A_351, %swap3A_352] {strides = array<i32>} : memref<256x64xf32, #tpu.memory_space<vmem>>, vector<16xf32>,
        tpu.vector_store %arg9[%swap3A_351, %swap3A_352], %get3A_350 {strides = array<i32>} : memref<256x64xf32, #tpu.memory_space<vmem>>, vector<16xf32>,
        %slice3A_354 = vector.extract_strided_slice %get3A_262 {offsets = [3], sizes = [1], strides = [1]} : vector<16xi32> to vector<1xi32>
        %squeeze3A_355 = vector.extract %slice3A_354[0] : i32 from vector<1xi32>
        %add3A_356 = arith.addi %squeeze3A_355, %sub3A_162 : i32
        %add3A_357 = arith.constant 3 : i32
        %add3A_358 = arith.addi %while3A_260, %add3A_357 : i32
        %and3A_359 = arith.constant 511 : i32
        %and3A_360 = arith.andi %add3A_358, %and3A_359 : i32
        %get3A_361 = arith.index_cast %and3A_360 : i32 to index
        %get3A_362 = arith.constant 0 : index
        %get3A_363 = tpu.vector_load %arg8[%get3A_361, %get3A_362] {strides = array<i32>} : memref<512x64xf32, #tpu.memory_space<vmem>>, vector<16xf32>,
        %swap3A_364 = arith.index_cast %add3A_356 : i32 to index
        %swap3A_365 = arith.constant 0 : index
        %swap3A_366 = tpu.vector_load %arg9[%swap3A_364, %swap3A_365] {strides = array<i32>} : memref<256x64xf32, #tpu.memory_space<vmem>>, vector<16xf32>,
        tpu.vector_store %arg9[%swap3A_364, %swap3A_365], %get3A_363 {strides = array<i32>} : memref<256x64xf32, #tpu.memory_space<vmem>>, vector<16xf32>,
        %get3A_367 = arith.index_cast %and3A_360 : i32 to index
        %get3A_368 = arith.constant 16 : index
        %get3A_369 = tpu.vector_load %arg8[%get3A_367, %get3A_368] {strides = array<i32>} : memref<512x64xf32, #tpu.memory_space<vmem>>, vector<16xf32>,
        %swap3A_370 = arith.index_cast %add3A_356 : i32 to index
        %swap3A_371 = arith.constant 16 : index
        %swap3A_372 = tpu.vector_load %arg9[%swap3A_370, %swap3A_371] {strides = array<i32>} : memref<256x64xf32, #tpu.memory_space<vmem>>, vector<16xf32>,
        tpu.vector_store %arg9[%swap3A_370, %swap3A_371], %get3A_369 {strides = array<i32>} : memref<256x64xf32, #tpu.memory_space<vmem>>, vector<16xf32>,
        %get3A_373 = arith.index_cast %and3A_360 : i32 to index
        %get3A_374 = arith.constant 32 : index
        %get3A_375 = tpu.vector_load %arg8[%get3A_373, %get3A_374] {strides = array<i32>} : memref<512x64xf32, #tpu.memory_space<vmem>>, vector<16xf32>,
        %swap3A_376 = arith.index_cast %add3A_356 : i32 to index
        %swap3A_377 = arith.constant 32 : index
        %swap3A_378 = tpu.vector_load %arg9[%swap3A_376, %swap3A_377] {strides = array<i32>} : memref<256x64xf32, #tpu.memory_space<vmem>>, vector<16xf32>,
        tpu.vector_store %arg9[%swap3A_376, %swap3A_377], %get3A_375 {strides = array<i32>} : memref<256x64xf32, #tpu.memory_space<vmem>>, vector<16xf32>,
        %get3A_379 = arith.index_cast %and3A_360 : i32 to index
        %get3A_380 = arith.constant 48 : index
        %get3A_381 = tpu.vector_load %arg8[%get3A_379, %get3A_380] {strides = array<i32>} : memref<512x64xf32, #tpu.memory_space<vmem>>, vector<16xf32>,
        %swap3A_382 = arith.index_cast %add3A_356 : i32 to index
        %swap3A_383 = arith.constant 48 : index
        %swap3A_384 = tpu.vector_load %arg9[%swap3A_382, %swap3A_383] {strides = array<i32>} : memref<256x64xf32, #tpu.memory_space<vmem>>, vector<16xf32>,
        tpu.vector_store %arg9[%swap3A_382, %swap3A_383], %get3A_381 {strides = array<i32>} : memref<256x64xf32, #tpu.memory_space<vmem>>, vector<16xf32>,
        %slice3A_385 = vector.extract_strided_slice %get3A_262 {offsets = [4], sizes = [1], strides = [1]} : vector<16xi32> to vector<1xi32>
        %squeeze3A_386 = vector.extract %slice3A_385[0] : i32 from vector<1xi32>
        %add3A_387 = arith.addi %squeeze3A_386, %sub3A_162 : i32
        %add3A_388 = arith.constant 4 : i32
        %add3A_389 = arith.addi %while3A_260, %add3A_388 : i32
        %and3A_390 = arith.constant 511 : i32
        %and3A_391 = arith.andi %add3A_389, %and3A_390 : i32
        %get3A_392 = arith.index_cast %and3A_391 : i32 to index
        %get3A_393 = arith.constant 0 : index
        %get3A_394 = tpu.vector_load %arg8[%get3A_392, %get3A_393] {strides = array<i32>} : memref<512x64xf32, #tpu.memory_space<vmem>>, vector<16xf32>,
        %swap3A_395 = arith.index_cast %add3A_387 : i32 to index
        %swap3A_396 = arith.constant 0 : index
        %swap3A_397 = tpu.vector_load %arg9[%swap3A_395, %swap3A_396] {strides = array<i32>} : memref<256x64xf32, #tpu.memory_space<vmem>>, vector<16xf32>,
        tpu.vector_store %arg9[%swap3A_395, %swap3A_396], %get3A_394 {strides = array<i32>} : memref<256x64xf32, #tpu.memory_space<vmem>>, vector<16xf32>,
        %get3A_398 = arith.index_cast %and3A_391 : i32 to index
        %get3A_399 = arith.constant 16 : index
        %get3A_400 = tpu.vector_load %arg8[%get3A_398, %get3A_399] {strides = array<i32>} : memref<512x64xf32, #tpu.memory_space<vmem>>, vector<16xf32>,
        %swap3A_401 = arith.index_cast %add3A_387 : i32 to index
        %swap3A_402 = arith.constant 16 : index
        %swap3A_403 = tpu.vector_load %arg9[%swap3A_401, %swap3A_402] {strides = array<i32>} : memref<256x64xf32, #tpu.memory_space<vmem>>, vector<16xf32>,
        tpu.vector_store %arg9[%swap3A_401, %swap3A_402], %get3A_400 {strides = array<i32>} : memref<256x64xf32, #tpu.memory_space<vmem>>, vector<16xf32>,
        %get3A_404 = arith.index_cast %and3A_391 : i32 to index
        %get3A_405 = arith.constant 32 : index
        %get3A_406 = tpu.vector_load %arg8[%get3A_404, %get3A_405] {strides = array<i32>} : memref<512x64xf32, #tpu.memory_space<vmem>>, vector<16xf32>,
        %swap3A_407 = arith.index_cast %add3A_387 : i32 to index
        %swap3A_408 = arith.constant 32 : index
        %swap3A_409 = tpu.vector_load %arg9[%swap3A_407, %swap3A_408] {strides = array<i32>} : memref<256x64xf32, #tpu.memory_space<vmem>>, vector<16xf32>,
        tpu.vector_store %arg9[%swap3A_407, %swap3A_408], %get3A_406 {strides = array<i32>} : memref<256x64xf32, #tpu.memory_space<vmem>>, vector<16xf32>,
        %get3A_410 = arith.index_cast %and3A_391 : i32 to index
        %get3A_411 = arith.constant 48 : index
        %get3A_412 = tpu.vector_load %arg8[%get3A_410, %get3A_411] {strides = array<i32>} : memref<512x64xf32, #tpu.memory_space<vmem>>, vector<16xf32>,
        %swap3A_413 = arith.index_cast %add3A_387 : i32 to index
        %swap3A_414 = arith.constant 48 : index
        %swap3A_415 = tpu.vector_load %arg9[%swap3A_413, %swap3A_414] {strides = array<i32>} : memref<256x64xf32, #tpu.memory_space<vmem>>, vector<16xf32>,
        tpu.vector_store %arg9[%swap3A_413, %swap3A_414], %get3A_412 {strides = array<i32>} : memref<256x64xf32, #tpu.memory_space<vmem>>, vector<16xf32>,
        %slice3A_416 = vector.extract_strided_slice %get3A_262 {offsets = [5], sizes = [1], strides = [1]} : vector<16xi32> to vector<1xi32>
        %squeeze3A_417 = vector.extract %slice3A_416[0] : i32 from vector<1xi32>
        %add3A_418 = arith.addi %squeeze3A_417, %sub3A_162 : i32
        %add3A_419 = arith.constant 5 : i32
        %add3A_420 = arith.addi %while3A_260, %add3A_419 : i32
        %and3A_421 = arith.constant 511 : i32
        %and3A_422 = arith.andi %add3A_420, %and3A_421 : i32
        %get3A_423 = arith.index_cast %and3A_422 : i32 to index
        %get3A_424 = arith.constant 0 : index
        %get3A_425 = tpu.vector_load %arg8[%get3A_423, %get3A_424] {strides = array<i32>} : memref<512x64xf32, #tpu.memory_space<vmem>>, vector<16xf32>,
        %swap3A_426 = arith.index_cast %add3A_418 : i32 to index
        %swap3A_427 = arith.constant 0 : index
        %swap3A_428 = tpu.vector_load %arg9[%swap3A_426, %swap3A_427] {strides = array<i32>} : memref<256x64xf32, #tpu.memory_space<vmem>>, vector<16xf32>,
        tpu.vector_store %arg9[%swap3A_426, %swap3A_427], %get3A_425 {strides = array<i32>} : memref<256x64xf32, #tpu.memory_space<vmem>>, vector<16xf32>,
        %get3A_429 = arith.index_cast %and3A_422 : i32 to index
        %get3A_430 = arith.constant 16 : index
        %get3A_431 = tpu.vector_load %arg8[%get3A_429, %get3A_430] {strides = array<i32>} : memref<512x64xf32, #tpu.memory_space<vmem>>, vector<16xf32>,
        %swap3A_432 = arith.index_cast %add3A_418 : i32 to index
        %swap3A_433 = arith.constant 16 : index
        %swap3A_434 = tpu.vector_load %arg9[%swap3A_432, %swap3A_433] {strides = array<i32>} : memref<256x64xf32, #tpu.memory_space<vmem>>, vector<16xf32>,
        tpu.vector_store %arg9[%swap3A_432, %swap3A_433], %get3A_431 {strides = array<i32>} : memref<256x64xf32, #tpu.memory_space<vmem>>, vector<16xf32>,
        %get3A_435 = arith.index_cast %and3A_422 : i32 to index
        %get3A_436 = arith.constant 32 : index
        %get3A_437 = tpu.vector_load %arg8[%get3A_435, %get3A_436] {strides = array<i32>} : memref<512x64xf32, #tpu.memory_space<vmem>>, vector<16xf32>,
        %swap3A_438 = arith.index_cast %add3A_418 : i32 to index
        %swap3A_439 = arith.constant 32 : index
        %swap3A_440 = tpu.vector_load %arg9[%swap3A_438, %swap3A_439] {strides = array<i32>} : memref<256x64xf32, #tpu.memory_space<vmem>>, vector<16xf32>,
        tpu.vector_store %arg9[%swap3A_438, %swap3A_439], %get3A_437 {strides = array<i32>} : memref<256x64xf32, #tpu.memory_space<vmem>>, vector<16xf32>,
        %get3A_441 = arith.index_cast %and3A_422 : i32 to index
        %get3A_442 = arith.constant 48 : index
        %get3A_443 = tpu.vector_load %arg8[%get3A_441, %get3A_442] {strides = array<i32>} : memref<512x64xf32, #tpu.memory_space<vmem>>, vector<16xf32>,
        %swap3A_444 = arith.index_cast %add3A_418 : i32 to index
        %swap3A_445 = arith.constant 48 : index
        %swap3A_446 = tpu.vector_load %arg9[%swap3A_444, %swap3A_445] {strides = array<i32>} : memref<256x64xf32, #tpu.memory_space<vmem>>, vector<16xf32>,
        tpu.vector_store %arg9[%swap3A_444, %swap3A_445], %get3A_443 {strides = array<i32>} : memref<256x64xf32, #tpu.memory_space<vmem>>, vector<16xf32>,
        %slice3A_447 = vector.extract_strided_slice %get3A_262 {offsets = [6], sizes = [1], strides = [1]} : vector<16xi32> to vector<1xi32>
        %squeeze3A_448 = vector.extract %slice3A_447[0] : i32 from vector<1xi32>
        %add3A_449 = arith.addi %squeeze3A_448, %sub3A_162 : i32
        %add3A_450 = arith.constant 6 : i32
        %add3A_451 = arith.addi %while3A_260, %add3A_450 : i32
        %and3A_452 = arith.constant 511 : i32
        %and3A_453 = arith.andi %add3A_451, %and3A_452 : i32
        %get3A_454 = arith.index_cast %and3A_453 : i32 to index
        %get3A_455 = arith.constant 0 : index
        %get3A_456 = tpu.vector_load %arg8[%get3A_454, %get3A_455] {strides = array<i32>} : memref<512x64xf32, #tpu.memory_space<vmem>>, vector<16xf32>,
        %swap3A_457 = arith.index_cast %add3A_449 : i32 to index
        %swap3A_458 = arith.constant 0 : index
        %swap3A_459 = tpu.vector_load %arg9[%swap3A_457, %swap3A_458] {strides = array<i32>} : memref<256x64xf32, #tpu.memory_space<vmem>>, vector<16xf32>,
        tpu.vector_store %arg9[%swap3A_457, %swap3A_458], %get3A_456 {strides = array<i32>} : memref<256x64xf32, #tpu.memory_space<vmem>>, vector<16xf32>,
        %get3A_460 = arith.index_cast %and3A_453 : i32 to index
        %get3A_461 = arith.constant 16 : index
        %get3A_462 = tpu.vector_load %arg8[%get3A_460, %get3A_461] {strides = array<i32>} : memref<512x64xf32, #tpu.memory_space<vmem>>, vector<16xf32>,
        %swap3A_463 = arith.index_cast %add3A_449 : i32 to index
        %swap3A_464 = arith.constant 16 : index
        %swap3A_465 = tpu.vector_load %arg9[%swap3A_463, %swap3A_464] {strides = array<i32>} : memref<256x64xf32, #tpu.memory_space<vmem>>, vector<16xf32>,
        tpu.vector_store %arg9[%swap3A_463, %swap3A_464], %get3A_462 {strides = array<i32>} : memref<256x64xf32, #tpu.memory_space<vmem>>, vector<16xf32>,
        %get3A_466 = arith.index_cast %and3A_453 : i32 to index
        %get3A_467 = arith.constant 32 : index
        %get3A_468 = tpu.vector_load %arg8[%get3A_466, %get3A_467] {strides = array<i32>} : memref<512x64xf32, #tpu.memory_space<vmem>>, vector<16xf32>,
        %swap3A_469 = arith.index_cast %add3A_449 : i32 to index
        %swap3A_470 = arith.constant 32 : index
        %swap3A_471 = tpu.vector_load %arg9[%swap3A_469, %swap3A_470] {strides = array<i32>} : memref<256x64xf32, #tpu.memory_space<vmem>>, vector<16xf32>,
        tpu.vector_store %arg9[%swap3A_469, %swap3A_470], %get3A_468 {strides = array<i32>} : memref<256x64xf32, #tpu.memory_space<vmem>>, vector<16xf32>,
        %get3A_472 = arith.index_cast %and3A_453 : i32 to index
        %get3A_473 = arith.constant 48 : index
        %get3A_474 = tpu.vector_load %arg8[%get3A_472, %get3A_473] {strides = array<i32>} : memref<512x64xf32, #tpu.memory_space<vmem>>, vector<16xf32>,
        %swap3A_475 = arith.index_cast %add3A_449 : i32 to index
        %swap3A_476 = arith.constant 48 : index
        %swap3A_477 = tpu.vector_load %arg9[%swap3A_475, %swap3A_476] {strides = array<i32>} : memref<256x64xf32, #tpu.memory_space<vmem>>, vector<16xf32>,
        tpu.vector_store %arg9[%swap3A_475, %swap3A_476], %get3A_474 {strides = array<i32>} : memref<256x64xf32, #tpu.memory_space<vmem>>, vector<16xf32>,
        %slice3A_478 = vector.extract_strided_slice %get3A_262 {offsets = [7], sizes = [1], strides = [1]} : vector<16xi32> to vector<1xi32>
        %squeeze3A_479 = vector.extract %slice3A_478[0] : i32 from vector<1xi32>
        %add3A_480 = arith.addi %squeeze3A_479, %sub3A_162 : i32
        %add3A_481 = arith.constant 7 : i32
        %add3A_482 = arith.addi %while3A_260, %add3A_481 : i32
        %and3A_483 = arith.constant 511 : i32
        %and3A_484 = arith.andi %add3A_482, %and3A_483 : i32
        %get3A_485 = arith.index_cast %and3A_484 : i32 to index
        %get3A_486 = arith.constant 0 : index
        %get3A_487 = tpu.vector_load %arg8[%get3A_485, %get3A_486] {strides = array<i32>} : memref<512x64xf32, #tpu.memory_space<vmem>>, vector<16xf32>,
        %swap3A_488 = arith.index_cast %add3A_480 : i32 to index
        %swap3A_489 = arith.constant 0 : index
        %swap3A_490 = tpu.vector_load %arg9[%swap3A_488, %swap3A_489] {strides = array<i32>} : memref<256x64xf32, #tpu.memory_space<vmem>>, vector<16xf32>,
        tpu.vector_store %arg9[%swap3A_488, %swap3A_489], %get3A_487 {strides = array<i32>} : memref<256x64xf32, #tpu.memory_space<vmem>>, vector<16xf32>,
        %get3A_491 = arith.index_cast %and3A_484 : i32 to index
        %get3A_492 = arith.constant 16 : index
        %get3A_493 = tpu.vector_load %arg8[%get3A_491, %get3A_492] {strides = array<i32>} : memref<512x64xf32, #tpu.memory_space<vmem>>, vector<16xf32>,
        %swap3A_494 = arith.index_cast %add3A_480 : i32 to index
        %swap3A_495 = arith.constant 16 : index
        %swap3A_496 = tpu.vector_load %arg9[%swap3A_494, %swap3A_495] {strides = array<i32>} : memref<256x64xf32, #tpu.memory_space<vmem>>, vector<16xf32>,
        tpu.vector_store %arg9[%swap3A_494, %swap3A_495], %get3A_493 {strides = array<i32>} : memref<256x64xf32, #tpu.memory_space<vmem>>, vector<16xf32>,
        %get3A_497 = arith.index_cast %and3A_484 : i32 to index
        %get3A_498 = arith.constant 32 : index
        %get3A_499 = tpu.vector_load %arg8[%get3A_497, %get3A_498] {strides = array<i32>} : memref<512x64xf32, #tpu.memory_space<vmem>>, vector<16xf32>,
        %swap3A_500 = arith.index_cast %add3A_480 : i32 to index
        %swap3A_501 = arith.constant 32 : index
        %swap3A_502 = tpu.vector_load %arg9[%swap3A_500, %swap3A_501] {strides = array<i32>} : memref<256x64xf32, #tpu.memory_space<vmem>>, vector<16xf32>,
        tpu.vector_store %arg9[%swap3A_500, %swap3A_501], %get3A_499 {strides = array<i32>} : memref<256x64xf32, #tpu.memory_space<vmem>>, vector<16xf32>,
        %get3A_503 = arith.index_cast %and3A_484 : i32 to index
        %get3A_504 = arith.constant 48 : index
        %get3A_505 = tpu.vector_load %arg8[%get3A_503, %get3A_504] {strides = array<i32>} : memref<512x64xf32, #tpu.memory_space<vmem>>, vector<16xf32>,
        %swap3A_506 = arith.index_cast %add3A_480 : i32 to index
        %swap3A_507 = arith.constant 48 : index
        %swap3A_508 = tpu.vector_load %arg9[%swap3A_506, %swap3A_507] {strides = array<i32>} : memref<256x64xf32, #tpu.memory_space<vmem>>, vector<16xf32>,
        tpu.vector_store %arg9[%swap3A_506, %swap3A_507], %get3A_505 {strides = array<i32>} : memref<256x64xf32, #tpu.memory_space<vmem>>, vector<16xf32>,
        %slice3A_509 = vector.extract_strided_slice %get3A_262 {offsets = [8], sizes = [1], strides = [1]} : vector<16xi32> to vector<1xi32>
        %squeeze3A_510 = vector.extract %slice3A_509[0] : i32 from vector<1xi32>
        %add3A_511 = arith.addi %squeeze3A_510, %sub3A_162 : i32
        %add3A_512 = arith.constant 8 : i32
        %add3A_513 = arith.addi %while3A_260, %add3A_512 : i32
        %and3A_514 = arith.constant 511 : i32
        %and3A_515 = arith.andi %add3A_513, %and3A_514 : i32
        %get3A_516 = arith.index_cast %and3A_515 : i32 to index
        %get3A_517 = arith.constant 0 : index
        %get3A_518 = tpu.vector_load %arg8[%get3A_516, %get3A_517] {strides = array<i32>} : memref<512x64xf32, #tpu.memory_space<vmem>>, vector<16xf32>,
        %swap3A_519 = arith.index_cast %add3A_511 : i32 to index
        %swap3A_520 = arith.constant 0 : index
        %swap3A_521 = tpu.vector_load %arg9[%swap3A_519, %swap3A_520] {strides = array<i32>} : memref<256x64xf32, #tpu.memory_space<vmem>>, vector<16xf32>,
        tpu.vector_store %arg9[%swap3A_519, %swap3A_520], %get3A_518 {strides = array<i32>} : memref<256x64xf32, #tpu.memory_space<vmem>>, vector<16xf32>,
        %get3A_522 = arith.index_cast %and3A_515 : i32 to index
        %get3A_523 = arith.constant 16 : index
        %get3A_524 = tpu.vector_load %arg8[%get3A_522, %get3A_523] {strides = array<i32>} : memref<512x64xf32, #tpu.memory_space<vmem>>, vector<16xf32>,
        %swap3A_525 = arith.index_cast %add3A_511 : i32 to index
        %swap3A_526 = arith.constant 16 : index
        %swap3A_527 = tpu.vector_load %arg9[%swap3A_525, %swap3A_526] {strides = array<i32>} : memref<256x64xf32, #tpu.memory_space<vmem>>, vector<16xf32>,
        tpu.vector_store %arg9[%swap3A_525, %swap3A_526], %get3A_524 {strides = array<i32>} : memref<256x64xf32, #tpu.memory_space<vmem>>, vector<16xf32>,
        %get3A_528 = arith.index_cast %and3A_515 : i32 to index
        %get3A_529 = arith.constant 32 : index
        %get3A_530 = tpu.vector_load %arg8[%get3A_528, %get3A_529] {strides = array<i32>} : memref<512x64xf32, #tpu.memory_space<vmem>>, vector<16xf32>,
        %swap3A_531 = arith.index_cast %add3A_511 : i32 to index
        %swap3A_532 = arith.constant 32 : index
        %swap3A_533 = tpu.vector_load %arg9[%swap3A_531, %swap3A_532] {strides = array<i32>} : memref<256x64xf32, #tpu.memory_space<vmem>>, vector<16xf32>,
        tpu.vector_store %arg9[%swap3A_531, %swap3A_532], %get3A_530 {strides = array<i32>} : memref<256x64xf32, #tpu.memory_space<vmem>>, vector<16xf32>,
        %get3A_534 = arith.index_cast %and3A_515 : i32 to index
        %get3A_535 = arith.constant 48 : index
        %get3A_536 = tpu.vector_load %arg8[%get3A_534, %get3A_535] {strides = array<i32>} : memref<512x64xf32, #tpu.memory_space<vmem>>, vector<16xf32>,
        %swap3A_537 = arith.index_cast %add3A_511 : i32 to index
        %swap3A_538 = arith.constant 48 : index
        %swap3A_539 = tpu.vector_load %arg9[%swap3A_537, %swap3A_538] {strides = array<i32>} : memref<256x64xf32, #tpu.memory_space<vmem>>, vector<16xf32>,
        tpu.vector_store %arg9[%swap3A_537, %swap3A_538], %get3A_536 {strides = array<i32>} : memref<256x64xf32, #tpu.memory_space<vmem>>, vector<16xf32>,
        %slice3A_540 = vector.extract_strided_slice %get3A_262 {offsets = [9], sizes = [1], strides = [1]} : vector<16xi32> to vector<1xi32>
        %squeeze3A_541 = vector.extract %slice3A_540[0] : i32 from vector<1xi32>
        %add3A_542 = arith.addi %squeeze3A_541, %sub3A_162 : i32
        %add3A_543 = arith.constant 9 : i32
        %add3A_544 = arith.addi %while3A_260, %add3A_543 : i32
        %and3A_545 = arith.constant 511 : i32
        %and3A_546 = arith.andi %add3A_544, %and3A_545 : i32
        %get3A_547 = arith.index_cast %and3A_546 : i32 to index
        %get3A_548 = arith.constant 0 : index
        %get3A_549 = tpu.vector_load %arg8[%get3A_547, %get3A_548] {strides = array<i32>} : memref<512x64xf32, #tpu.memory_space<vmem>>, vector<16xf32>,
        %swap3A_550 = arith.index_cast %add3A_542 : i32 to index
        %swap3A_551 = arith.constant 0 : index
        %swap3A_552 = tpu.vector_load %arg9[%swap3A_550, %swap3A_551] {strides = array<i32>} : memref<256x64xf32, #tpu.memory_space<vmem>>, vector<16xf32>,
        tpu.vector_store %arg9[%swap3A_550, %swap3A_551], %get3A_549 {strides = array<i32>} : memref<256x64xf32, #tpu.memory_space<vmem>>, vector<16xf32>,
        %get3A_553 = arith.index_cast %and3A_546 : i32 to index
        %get3A_554 = arith.constant 16 : index
        %get3A_555 = tpu.vector_load %arg8[%get3A_553, %get3A_554] {strides = array<i32>} : memref<512x64xf32, #tpu.memory_space<vmem>>, vector<16xf32>,
        %swap3A_556 = arith.index_cast %add3A_542 : i32 to index
        %swap3A_557 = arith.constant 16 : index
        %swap3A_558 = tpu.vector_load %arg9[%swap3A_556, %swap3A_557] {strides = array<i32>} : memref<256x64xf32, #tpu.memory_space<vmem>>, vector<16xf32>,
        tpu.vector_store %arg9[%swap3A_556, %swap3A_557], %get3A_555 {strides = array<i32>} : memref<256x64xf32, #tpu.memory_space<vmem>>, vector<16xf32>,
        %get3A_559 = arith.index_cast %and3A_546 : i32 to index
        %get3A_560 = arith.constant 32 : index
        %get3A_561 = tpu.vector_load %arg8[%get3A_559, %get3A_560] {strides = array<i32>} : memref<512x64xf32, #tpu.memory_space<vmem>>, vector<16xf32>,
        %swap3A_562 = arith.index_cast %add3A_542 : i32 to index
        %swap3A_563 = arith.constant 32 : index
        %swap3A_564 = tpu.vector_load %arg9[%swap3A_562, %swap3A_563] {strides = array<i32>} : memref<256x64xf32, #tpu.memory_space<vmem>>, vector<16xf32>,
        tpu.vector_store %arg9[%swap3A_562, %swap3A_563], %get3A_561 {strides = array<i32>} : memref<256x64xf32, #tpu.memory_space<vmem>>, vector<16xf32>,
        %get3A_565 = arith.index_cast %and3A_546 : i32 to index
        %get3A_566 = arith.constant 48 : index
        %get3A_567 = tpu.vector_load %arg8[%get3A_565, %get3A_566] {strides = array<i32>} : memref<512x64xf32, #tpu.memory_space<vmem>>, vector<16xf32>,
        %swap3A_568 = arith.index_cast %add3A_542 : i32 to index
        %swap3A_569 = arith.constant 48 : index
        %swap3A_570 = tpu.vector_load %arg9[%swap3A_568, %swap3A_569] {strides = array<i32>} : memref<256x64xf32, #tpu.memory_space<vmem>>, vector<16xf32>,
        tpu.vector_store %arg9[%swap3A_568, %swap3A_569], %get3A_567 {strides = array<i32>} : memref<256x64xf32, #tpu.memory_space<vmem>>, vector<16xf32>,
        %slice3A_571 = vector.extract_strided_slice %get3A_262 {offsets = [10], sizes = [1], strides = [1]} : vector<16xi32> to vector<1xi32>
        %squeeze3A_572 = vector.extract %slice3A_571[0] : i32 from vector<1xi32>
        %add3A_573 = arith.addi %squeeze3A_572, %sub3A_162 : i32
        %add3A_574 = arith.constant 10 : i32
        %add3A_575 = arith.addi %while3A_260, %add3A_574 : i32
        %and3A_576 = arith.constant 511 : i32
        %and3A_577 = arith.andi %add3A_575, %and3A_576 : i32
        %get3A_578 = arith.index_cast %and3A_577 : i32 to index
        %get3A_579 = arith.constant 0 : index
        %get3A_580 = tpu.vector_load %arg8[%get3A_578, %get3A_579] {strides = array<i32>} : memref<512x64xf32, #tpu.memory_space<vmem>>, vector<16xf32>,
        %swap3A_581 = arith.index_cast %add3A_573 : i32 to index
        %swap3A_582 = arith.constant 0 : index
        %swap3A_583 = tpu.vector_load %arg9[%swap3A_581, %swap3A_582] {strides = array<i32>} : memref<256x64xf32, #tpu.memory_space<vmem>>, vector<16xf32>,
        tpu.vector_store %arg9[%swap3A_581, %swap3A_582], %get3A_580 {strides = array<i32>} : memref<256x64xf32, #tpu.memory_space<vmem>>, vector<16xf32>,
        %get3A_584 = arith.index_cast %and3A_577 : i32 to index
        %get3A_585 = arith.constant 16 : index
        %get3A_586 = tpu.vector_load %arg8[%get3A_584, %get3A_585] {strides = array<i32>} : memref<512x64xf32, #tpu.memory_space<vmem>>, vector<16xf32>,
        %swap3A_587 = arith.index_cast %add3A_573 : i32 to index
        %swap3A_588 = arith.constant 16 : index
        %swap3A_589 = tpu.vector_load %arg9[%swap3A_587, %swap3A_588] {strides = array<i32>} : memref<256x64xf32, #tpu.memory_space<vmem>>, vector<16xf32>,
        tpu.vector_store %arg9[%swap3A_587, %swap3A_588], %get3A_586 {strides = array<i32>} : memref<256x64xf32, #tpu.memory_space<vmem>>, vector<16xf32>,
        %get3A_590 = arith.index_cast %and3A_577 : i32 to index
        %get3A_591 = arith.constant 32 : index
        %get3A_592 = tpu.vector_load %arg8[%get3A_590, %get3A_591] {strides = array<i32>} : memref<512x64xf32, #tpu.memory_space<vmem>>, vector<16xf32>,
        %swap3A_593 = arith.index_cast %add3A_573 : i32 to index
        %swap3A_594 = arith.constant 32 : index
        %swap3A_595 = tpu.vector_load %arg9[%swap3A_593, %swap3A_594] {strides = array<i32>} : memref<256x64xf32, #tpu.memory_space<vmem>>, vector<16xf32>,
        tpu.vector_store %arg9[%swap3A_593, %swap3A_594], %get3A_592 {strides = array<i32>} : memref<256x64xf32, #tpu.memory_space<vmem>>, vector<16xf32>,
        %get3A_596 = arith.index_cast %and3A_577 : i32 to index
        %get3A_597 = arith.constant 48 : index
        %get3A_598 = tpu.vector_load %arg8[%get3A_596, %get3A_597] {strides = array<i32>} : memref<512x64xf32, #tpu.memory_space<vmem>>, vector<16xf32>,
        %swap3A_599 = arith.index_cast %add3A_573 : i32 to index
        %swap3A_600 = arith.constant 48 : index
        %swap3A_601 = tpu.vector_load %arg9[%swap3A_599, %swap3A_600] {strides = array<i32>} : memref<256x64xf32, #tpu.memory_space<vmem>>, vector<16xf32>,
        tpu.vector_store %arg9[%swap3A_599, %swap3A_600], %get3A_598 {strides = array<i32>} : memref<256x64xf32, #tpu.memory_space<vmem>>, vector<16xf32>,
        %slice3A_602 = vector.extract_strided_slice %get3A_262 {offsets = [11], sizes = [1], strides = [1]} : vector<16xi32> to vector<1xi32>
        %squeeze3A_603 = vector.extract %slice3A_602[0] : i32 from vector<1xi32>
        %add3A_604 = arith.addi %squeeze3A_603, %sub3A_162 : i32
        %add3A_605 = arith.constant 11 : i32
        %add3A_606 = arith.addi %while3A_260, %add3A_605 : i32
        %and3A_607 = arith.constant 511 : i32
        %and3A_608 = arith.andi %add3A_606, %and3A_607 : i32
        %get3A_609 = arith.index_cast %and3A_608 : i32 to index
        %get3A_610 = arith.constant 0 : index
        %get3A_611 = tpu.vector_load %arg8[%get3A_609, %get3A_610] {strides = array<i32>} : memref<512x64xf32, #tpu.memory_space<vmem>>, vector<16xf32>,
        %swap3A_612 = arith.index_cast %add3A_604 : i32 to index
        %swap3A_613 = arith.constant 0 : index
        %swap3A_614 = tpu.vector_load %arg9[%swap3A_612, %swap3A_613] {strides = array<i32>} : memref<256x64xf32, #tpu.memory_space<vmem>>, vector<16xf32>,
        tpu.vector_store %arg9[%swap3A_612, %swap3A_613], %get3A_611 {strides = array<i32>} : memref<256x64xf32, #tpu.memory_space<vmem>>, vector<16xf32>,
        %get3A_615 = arith.index_cast %and3A_608 : i32 to index
        %get3A_616 = arith.constant 16 : index
        %get3A_617 = tpu.vector_load %arg8[%get3A_615, %get3A_616] {strides = array<i32>} : memref<512x64xf32, #tpu.memory_space<vmem>>, vector<16xf32>,
        %swap3A_618 = arith.index_cast %add3A_604 : i32 to index
        %swap3A_619 = arith.constant 16 : index
        %swap3A_620 = tpu.vector_load %arg9[%swap3A_618, %swap3A_619] {strides = array<i32>} : memref<256x64xf32, #tpu.memory_space<vmem>>, vector<16xf32>,
        tpu.vector_store %arg9[%swap3A_618, %swap3A_619], %get3A_617 {strides = array<i32>} : memref<256x64xf32, #tpu.memory_space<vmem>>, vector<16xf32>,
        %get3A_621 = arith.index_cast %and3A_608 : i32 to index
        %get3A_622 = arith.constant 32 : index
        %get3A_623 = tpu.vector_load %arg8[%get3A_621, %get3A_622] {strides = array<i32>} : memref<512x64xf32, #tpu.memory_space<vmem>>, vector<16xf32>,
        %swap3A_624 = arith.index_cast %add3A_604 : i32 to index
        %swap3A_625 = arith.constant 32 : index
        %swap3A_626 = tpu.vector_load %arg9[%swap3A_624, %swap3A_625] {strides = array<i32>} : memref<256x64xf32, #tpu.memory_space<vmem>>, vector<16xf32>,
        tpu.vector_store %arg9[%swap3A_624, %swap3A_625], %get3A_623 {strides = array<i32>} : memref<256x64xf32, #tpu.memory_space<vmem>>, vector<16xf32>,
        %get3A_627 = arith.index_cast %and3A_608 : i32 to index
        %get3A_628 = arith.constant 48 : index
        %get3A_629 = tpu.vector_load %arg8[%get3A_627, %get3A_628] {strides = array<i32>} : memref<512x64xf32, #tpu.memory_space<vmem>>, vector<16xf32>,
        %swap3A_630 = arith.index_cast %add3A_604 : i32 to index
        %swap3A_631 = arith.constant 48 : index
        %swap3A_632 = tpu.vector_load %arg9[%swap3A_630, %swap3A_631] {strides = array<i32>} : memref<256x64xf32, #tpu.memory_space<vmem>>, vector<16xf32>,
        tpu.vector_store %arg9[%swap3A_630, %swap3A_631], %get3A_629 {strides = array<i32>} : memref<256x64xf32, #tpu.memory_space<vmem>>, vector<16xf32>,
        %slice3A_633 = vector.extract_strided_slice %get3A_262 {offsets = [12], sizes = [1], strides = [1]} : vector<16xi32> to vector<1xi32>
        %squeeze3A_634 = vector.extract %slice3A_633[0] : i32 from vector<1xi32>
        %add3A_635 = arith.addi %squeeze3A_634, %sub3A_162 : i32
        %add3A_636 = arith.constant 12 : i32
        %add3A_637 = arith.addi %while3A_260, %add3A_636 : i32
        %and3A_638 = arith.constant 511 : i32
        %and3A_639 = arith.andi %add3A_637, %and3A_638 : i32
        %get3A_640 = arith.index_cast %and3A_639 : i32 to index
        %get3A_641 = arith.constant 0 : index
        %get3A_642 = tpu.vector_load %arg8[%get3A_640, %get3A_641] {strides = array<i32>} : memref<512x64xf32, #tpu.memory_space<vmem>>, vector<16xf32>,
        %swap3A_643 = arith.index_cast %add3A_635 : i32 to index
        %swap3A_644 = arith.constant 0 : index
        %swap3A_645 = tpu.vector_load %arg9[%swap3A_643, %swap3A_644] {strides = array<i32>} : memref<256x64xf32, #tpu.memory_space<vmem>>, vector<16xf32>,
        tpu.vector_store %arg9[%swap3A_643, %swap3A_644], %get3A_642 {strides = array<i32>} : memref<256x64xf32, #tpu.memory_space<vmem>>, vector<16xf32>,
        %get3A_646 = arith.index_cast %and3A_639 : i32 to index
        %get3A_647 = arith.constant 16 : index
        %get3A_648 = tpu.vector_load %arg8[%get3A_646, %get3A_647] {strides = array<i32>} : memref<512x64xf32, #tpu.memory_space<vmem>>, vector<16xf32>,
        %swap3A_649 = arith.index_cast %add3A_635 : i32 to index
        %swap3A_650 = arith.constant 16 : index
        %swap3A_651 = tpu.vector_load %arg9[%swap3A_649, %swap3A_650] {strides = array<i32>} : memref<256x64xf32, #tpu.memory_space<vmem>>, vector<16xf32>,
        tpu.vector_store %arg9[%swap3A_649, %swap3A_650], %get3A_648 {strides = array<i32>} : memref<256x64xf32, #tpu.memory_space<vmem>>, vector<16xf32>,
        %get3A_652 = arith.index_cast %and3A_639 : i32 to index
        %get3A_653 = arith.constant 32 : index
        %get3A_654 = tpu.vector_load %arg8[%get3A_652, %get3A_653] {strides = array<i32>} : memref<512x64xf32, #tpu.memory_space<vmem>>, vector<16xf32>,
        %swap3A_655 = arith.index_cast %add3A_635 : i32 to index
        %swap3A_656 = arith.constant 32 : index
        %swap3A_657 = tpu.vector_load %arg9[%swap3A_655, %swap3A_656] {strides = array<i32>} : memref<256x64xf32, #tpu.memory_space<vmem>>, vector<16xf32>,
        tpu.vector_store %arg9[%swap3A_655, %swap3A_656], %get3A_654 {strides = array<i32>} : memref<256x64xf32, #tpu.memory_space<vmem>>, vector<16xf32>,
        %get3A_658 = arith.index_cast %and3A_639 : i32 to index
        %get3A_659 = arith.constant 48 : index
        %get3A_660 = tpu.vector_load %arg8[%get3A_658, %get3A_659] {strides = array<i32>} : memref<512x64xf32, #tpu.memory_space<vmem>>, vector<16xf32>,
        %swap3A_661 = arith.index_cast %add3A_635 : i32 to index
        %swap3A_662 = arith.constant 48 : index
        %swap3A_663 = tpu.vector_load %arg9[%swap3A_661, %swap3A_662] {strides = array<i32>} : memref<256x64xf32, #tpu.memory_space<vmem>>, vector<16xf32>,
        tpu.vector_store %arg9[%swap3A_661, %swap3A_662], %get3A_660 {strides = array<i32>} : memref<256x64xf32, #tpu.memory_space<vmem>>, vector<16xf32>,
        %slice3A_664 = vector.extract_strided_slice %get3A_262 {offsets = [13], sizes = [1], strides = [1]} : vector<16xi32> to vector<1xi32>
        %squeeze3A_665 = vector.extract %slice3A_664[0] : i32 from vector<1xi32>
        %add3A_666 = arith.addi %squeeze3A_665, %sub3A_162 : i32
        %add3A_667 = arith.constant 13 : i32
        %add3A_668 = arith.addi %while3A_260, %add3A_667 : i32
        %and3A_669 = arith.constant 511 : i32
        %and3A_670 = arith.andi %add3A_668, %and3A_669 : i32
        %get3A_671 = arith.index_cast %and3A_670 : i32 to index
        %get3A_672 = arith.constant 0 : index
        %get3A_673 = tpu.vector_load %arg8[%get3A_671, %get3A_672] {strides = array<i32>} : memref<512x64xf32, #tpu.memory_space<vmem>>, vector<16xf32>,
        %swap3A_674 = arith.index_cast %add3A_666 : i32 to index
        %swap3A_675 = arith.constant 0 : index
        %swap3A_676 = tpu.vector_load %arg9[%swap3A_674, %swap3A_675] {strides = array<i32>} : memref<256x64xf32, #tpu.memory_space<vmem>>, vector<16xf32>,
        tpu.vector_store %arg9[%swap3A_674, %swap3A_675], %get3A_673 {strides = array<i32>} : memref<256x64xf32, #tpu.memory_space<vmem>>, vector<16xf32>,
        %get3A_677 = arith.index_cast %and3A_670 : i32 to index
        %get3A_678 = arith.constant 16 : index
        %get3A_679 = tpu.vector_load %arg8[%get3A_677, %get3A_678] {strides = array<i32>} : memref<512x64xf32, #tpu.memory_space<vmem>>, vector<16xf32>,
        %swap3A_680 = arith.index_cast %add3A_666 : i32 to index
        %swap3A_681 = arith.constant 16 : index
        %swap3A_682 = tpu.vector_load %arg9[%swap3A_680, %swap3A_681] {strides = array<i32>} : memref<256x64xf32, #tpu.memory_space<vmem>>, vector<16xf32>,
        tpu.vector_store %arg9[%swap3A_680, %swap3A_681], %get3A_679 {strides = array<i32>} : memref<256x64xf32, #tpu.memory_space<vmem>>, vector<16xf32>,
        %get3A_683 = arith.index_cast %and3A_670 : i32 to index
        %get3A_684 = arith.constant 32 : index
        %get3A_685 = tpu.vector_load %arg8[%get3A_683, %get3A_684] {strides = array<i32>} : memref<512x64xf32, #tpu.memory_space<vmem>>, vector<16xf32>,
        %swap3A_686 = arith.index_cast %add3A_666 : i32 to index
        %swap3A_687 = arith.constant 32 : index
        %swap3A_688 = tpu.vector_load %arg9[%swap3A_686, %swap3A_687] {strides = array<i32>} : memref<256x64xf32, #tpu.memory_space<vmem>>, vector<16xf32>,
        tpu.vector_store %arg9[%swap3A_686, %swap3A_687], %get3A_685 {strides = array<i32>} : memref<256x64xf32, #tpu.memory_space<vmem>>, vector<16xf32>,
        %get3A_689 = arith.index_cast %and3A_670 : i32 to index
        %get3A_690 = arith.constant 48 : index
        %get3A_691 = tpu.vector_load %arg8[%get3A_689, %get3A_690] {strides = array<i32>} : memref<512x64xf32, #tpu.memory_space<vmem>>, vector<16xf32>,
        %swap3A_692 = arith.index_cast %add3A_666 : i32 to index
        %swap3A_693 = arith.constant 48 : index
        %swap3A_694 = tpu.vector_load %arg9[%swap3A_692, %swap3A_693] {strides = array<i32>} : memref<256x64xf32, #tpu.memory_space<vmem>>, vector<16xf32>,
        tpu.vector_store %arg9[%swap3A_692, %swap3A_693], %get3A_691 {strides = array<i32>} : memref<256x64xf32, #tpu.memory_space<vmem>>, vector<16xf32>,
        %slice3A_695 = vector.extract_strided_slice %get3A_262 {offsets = [14], sizes = [1], strides = [1]} : vector<16xi32> to vector<1xi32>
        %squeeze3A_696 = vector.extract %slice3A_695[0] : i32 from vector<1xi32>
        %add3A_697 = arith.addi %squeeze3A_696, %sub3A_162 : i32
        %add3A_698 = arith.constant 14 : i32
        %add3A_699 = arith.addi %while3A_260, %add3A_698 : i32
        %and3A_700 = arith.constant 511 : i32
        %and3A_701 = arith.andi %add3A_699, %and3A_700 : i32
        %get3A_702 = arith.index_cast %and3A_701 : i32 to index
        %get3A_703 = arith.constant 0 : index
        %get3A_704 = tpu.vector_load %arg8[%get3A_702, %get3A_703] {strides = array<i32>} : memref<512x64xf32, #tpu.memory_space<vmem>>, vector<16xf32>,
        %swap3A_705 = arith.index_cast %add3A_697 : i32 to index
        %swap3A_706 = arith.constant 0 : index
        %swap3A_707 = tpu.vector_load %arg9[%swap3A_705, %swap3A_706] {strides = array<i32>} : memref<256x64xf32, #tpu.memory_space<vmem>>, vector<16xf32>,
        tpu.vector_store %arg9[%swap3A_705, %swap3A_706], %get3A_704 {strides = array<i32>} : memref<256x64xf32, #tpu.memory_space<vmem>>, vector<16xf32>,
        %get3A_708 = arith.index_cast %and3A_701 : i32 to index
        %get3A_709 = arith.constant 16 : index
        %get3A_710 = tpu.vector_load %arg8[%get3A_708, %get3A_709] {strides = array<i32>} : memref<512x64xf32, #tpu.memory_space<vmem>>, vector<16xf32>,
        %swap3A_711 = arith.index_cast %add3A_697 : i32 to index
        %swap3A_712 = arith.constant 16 : index
        %swap3A_713 = tpu.vector_load %arg9[%swap3A_711, %swap3A_712] {strides = array<i32>} : memref<256x64xf32, #tpu.memory_space<vmem>>, vector<16xf32>,
        tpu.vector_store %arg9[%swap3A_711, %swap3A_712], %get3A_710 {strides = array<i32>} : memref<256x64xf32, #tpu.memory_space<vmem>>, vector<16xf32>,
        %get3A_714 = arith.index_cast %and3A_701 : i32 to index
        %get3A_715 = arith.constant 32 : index
        %get3A_716 = tpu.vector_load %arg8[%get3A_714, %get3A_715] {strides = array<i32>} : memref<512x64xf32, #tpu.memory_space<vmem>>, vector<16xf32>,
        %swap3A_717 = arith.index_cast %add3A_697 : i32 to index
        %swap3A_718 = arith.constant 32 : index
        %swap3A_719 = tpu.vector_load %arg9[%swap3A_717, %swap3A_718] {strides = array<i32>} : memref<256x64xf32, #tpu.memory_space<vmem>>, vector<16xf32>,
        tpu.vector_store %arg9[%swap3A_717, %swap3A_718], %get3A_716 {strides = array<i32>} : memref<256x64xf32, #tpu.memory_space<vmem>>, vector<16xf32>,
        %get3A_720 = arith.index_cast %and3A_701 : i32 to index
        %get3A_721 = arith.constant 48 : index
        %get3A_722 = tpu.vector_load %arg8[%get3A_720, %get3A_721] {strides = array<i32>} : memref<512x64xf32, #tpu.memory_space<vmem>>, vector<16xf32>,
        %swap3A_723 = arith.index_cast %add3A_697 : i32 to index
        %swap3A_724 = arith.constant 48 : index
        %swap3A_725 = tpu.vector_load %arg9[%swap3A_723, %swap3A_724] {strides = array<i32>} : memref<256x64xf32, #tpu.memory_space<vmem>>, vector<16xf32>,
        tpu.vector_store %arg9[%swap3A_723, %swap3A_724], %get3A_722 {strides = array<i32>} : memref<256x64xf32, #tpu.memory_space<vmem>>, vector<16xf32>,
        %slice3A_726 = vector.extract_strided_slice %get3A_262 {offsets = [15], sizes = [1], strides = [1]} : vector<16xi32> to vector<1xi32>
        %squeeze3A_727 = vector.extract %slice3A_726[0] : i32 from vector<1xi32>
        %add3A_728 = arith.addi %squeeze3A_727, %sub3A_162 : i32
        %add3A_729 = arith.constant 15 : i32
        %add3A_730 = arith.addi %while3A_260, %add3A_729 : i32
        %and3A_731 = arith.constant 511 : i32
        %and3A_732 = arith.andi %add3A_730, %and3A_731 : i32
        %get3A_733 = arith.index_cast %and3A_732 : i32 to index
        %get3A_734 = arith.constant 0 : index
        %get3A_735 = tpu.vector_load %arg8[%get3A_733, %get3A_734] {strides = array<i32>} : memref<512x64xf32, #tpu.memory_space<vmem>>, vector<16xf32>,
        %swap3A_736 = arith.index_cast %add3A_728 : i32 to index
        %swap3A_737 = arith.constant 0 : index
        %swap3A_738 = tpu.vector_load %arg9[%swap3A_736, %swap3A_737] {strides = array<i32>} : memref<256x64xf32, #tpu.memory_space<vmem>>, vector<16xf32>,
        tpu.vector_store %arg9[%swap3A_736, %swap3A_737], %get3A_735 {strides = array<i32>} : memref<256x64xf32, #tpu.memory_space<vmem>>, vector<16xf32>,
        %get3A_739 = arith.index_cast %and3A_732 : i32 to index
        %get3A_740 = arith.constant 16 : index
        %get3A_741 = tpu.vector_load %arg8[%get3A_739, %get3A_740] {strides = array<i32>} : memref<512x64xf32, #tpu.memory_space<vmem>>, vector<16xf32>,
        %swap3A_742 = arith.index_cast %add3A_728 : i32 to index
        %swap3A_743 = arith.constant 16 : index
        %swap3A_744 = tpu.vector_load %arg9[%swap3A_742, %swap3A_743] {strides = array<i32>} : memref<256x64xf32, #tpu.memory_space<vmem>>, vector<16xf32>,
        tpu.vector_store %arg9[%swap3A_742, %swap3A_743], %get3A_741 {strides = array<i32>} : memref<256x64xf32, #tpu.memory_space<vmem>>, vector<16xf32>,
        %get3A_745 = arith.index_cast %and3A_732 : i32 to index
        %get3A_746 = arith.constant 32 : index
        %get3A_747 = tpu.vector_load %arg8[%get3A_745, %get3A_746] {strides = array<i32>} : memref<512x64xf32, #tpu.memory_space<vmem>>, vector<16xf32>,
        %swap3A_748 = arith.index_cast %add3A_728 : i32 to index
        %swap3A_749 = arith.constant 32 : index
        %swap3A_750 = tpu.vector_load %arg9[%swap3A_748, %swap3A_749] {strides = array<i32>} : memref<256x64xf32, #tpu.memory_space<vmem>>, vector<16xf32>,
        tpu.vector_store %arg9[%swap3A_748, %swap3A_749], %get3A_747 {strides = array<i32>} : memref<256x64xf32, #tpu.memory_space<vmem>>, vector<16xf32>,
        %get3A_751 = arith.index_cast %and3A_732 : i32 to index
        %get3A_752 = arith.constant 48 : index
        %get3A_753 = tpu.vector_load %arg8[%get3A_751, %get3A_752] {strides = array<i32>} : memref<512x64xf32, #tpu.memory_space<vmem>>, vector<16xf32>,
        %swap3A_754 = arith.index_cast %add3A_728 : i32 to index
        %swap3A_755 = arith.constant 48 : index
        %swap3A_756 = tpu.vector_load %arg9[%swap3A_754, %swap3A_755] {strides = array<i32>} : memref<256x64xf32, #tpu.memory_space<vmem>>, vector<16xf32>,
        tpu.vector_store %arg9[%swap3A_754, %swap3A_755], %get3A_753 {strides = array<i32>} : memref<256x64xf32, #tpu.memory_space<vmem>>, vector<16xf32>,
        %add3A_757 = arith.constant 16 : i32
        %add3A_758 = arith.addi %while3A_260, %add3A_757 : i32
        scf.yield %add3A_758 : i32
      }
      %sub3A_164 = arith.subi %get3A_159, %while3A_163 : i32
      %get3A_165 = arith.index_cast %while3A_163 : i32 to index
      %get3A_166 = tpu.vector_load %arg7[%get3A_165] {strides = array<i32>} : memref<25616xi32, #tpu.memory_space<vmem>>, vector<16xi32>,
      %gt3A = arith.constant 0 : i32
      %gt3A_167 = arith.cmpi sgt, %sub3A_164, %gt3A : i32
      %convert_element_type3A_168 = arith.extui %gt3A_167 : i1 to i32
      %cond3A_169 = arith.constant 0 : i32
      %cond3A_170 = arith.cmpi ne, %convert_element_type3A_168, %cond3A_169 : i32
      scf.if %cond3A_170 {
        %slice3A = vector.extract_strided_slice %get3A_166 {offsets = [0], sizes = [1], strides = [1]} : vector<16xi32> to vector<1xi32>
        %squeeze3A = vector.extract %slice3A[0] : i32 from vector<1xi32>
        %add3A_260 = arith.addi %squeeze3A, %sub3A_162 : i32
        %add3A_261 = arith.constant 0 : i32
        %add3A_262 = arith.addi %while3A_163, %add3A_261 : i32
        %and3A_263 = arith.constant 511 : i32
        %and3A_264 = arith.andi %add3A_262, %and3A_263 : i32
        %get3A_265 = arith.index_cast %and3A_264 : i32 to index
        %get3A_266 = arith.constant 0 : index
        %get3A_267 = tpu.vector_load %arg8[%get3A_265, %get3A_266] {strides = array<i32>} : memref<512x64xf32, #tpu.memory_space<vmem>>, vector<16xf32>,
        %swap3A_268 = arith.index_cast %add3A_260 : i32 to index
        %swap3A_269 = arith.constant 0 : index
        %swap3A_270 = tpu.vector_load %arg9[%swap3A_268, %swap3A_269] {strides = array<i32>} : memref<256x64xf32, #tpu.memory_space<vmem>>, vector<16xf32>,
        tpu.vector_store %arg9[%swap3A_268, %swap3A_269], %get3A_267 {strides = array<i32>} : memref<256x64xf32, #tpu.memory_space<vmem>>, vector<16xf32>,
        %get3A_271 = arith.index_cast %and3A_264 : i32 to index
        %get3A_272 = arith.constant 16 : index
        %get3A_273 = tpu.vector_load %arg8[%get3A_271, %get3A_272] {strides = array<i32>} : memref<512x64xf32, #tpu.memory_space<vmem>>, vector<16xf32>,
        %swap3A_274 = arith.index_cast %add3A_260 : i32 to index
        %swap3A_275 = arith.constant 16 : index
        %swap3A_276 = tpu.vector_load %arg9[%swap3A_274, %swap3A_275] {strides = array<i32>} : memref<256x64xf32, #tpu.memory_space<vmem>>, vector<16xf32>,
        tpu.vector_store %arg9[%swap3A_274, %swap3A_275], %get3A_273 {strides = array<i32>} : memref<256x64xf32, #tpu.memory_space<vmem>>, vector<16xf32>,
        %get3A_277 = arith.index_cast %and3A_264 : i32 to index
        %get3A_278 = arith.constant 32 : index
        %get3A_279 = tpu.vector_load %arg8[%get3A_277, %get3A_278] {strides = array<i32>} : memref<512x64xf32, #tpu.memory_space<vmem>>, vector<16xf32>,
        %swap3A_280 = arith.index_cast %add3A_260 : i32 to index
        %swap3A_281 = arith.constant 32 : index
        %swap3A_282 = tpu.vector_load %arg9[%swap3A_280, %swap3A_281] {strides = array<i32>} : memref<256x64xf32, #tpu.memory_space<vmem>>, vector<16xf32>,
        tpu.vector_store %arg9[%swap3A_280, %swap3A_281], %get3A_279 {strides = array<i32>} : memref<256x64xf32, #tpu.memory_space<vmem>>, vector<16xf32>,
        %get3A_283 = arith.index_cast %and3A_264 : i32 to index
        %get3A_284 = arith.constant 48 : index
        %get3A_285 = tpu.vector_load %arg8[%get3A_283, %get3A_284] {strides = array<i32>} : memref<512x64xf32, #tpu.memory_space<vmem>>, vector<16xf32>,
        %swap3A_286 = arith.index_cast %add3A_260 : i32 to index
        %swap3A_287 = arith.constant 48 : index
        %swap3A_288 = tpu.vector_load %arg9[%swap3A_286, %swap3A_287] {strides = array<i32>} : memref<256x64xf32, #tpu.memory_space<vmem>>, vector<16xf32>,
        tpu.vector_store %arg9[%swap3A_286, %swap3A_287], %get3A_285 {strides = array<i32>} : memref<256x64xf32, #tpu.memory_space<vmem>>, vector<16xf32>,
      } else {
      }
      %gt3A_171 = arith.constant 1 : i32
      %gt3A_172 = arith.cmpi sgt, %sub3A_164, %gt3A_171 : i32
      %convert_element_type3A_173 = arith.extui %gt3A_172 : i1 to i32
      %cond3A_174 = arith.constant 0 : i32
      %cond3A_175 = arith.cmpi ne, %convert_element_type3A_173, %cond3A_174 : i32
      scf.if %cond3A_175 {
        %slice3A = vector.extract_strided_slice %get3A_166 {offsets = [1], sizes = [1], strides = [1]} : vector<16xi32> to vector<1xi32>
        %squeeze3A = vector.extract %slice3A[0] : i32 from vector<1xi32>
        %add3A_260 = arith.addi %squeeze3A, %sub3A_162 : i32
        %add3A_261 = arith.constant 1 : i32
        %add3A_262 = arith.addi %while3A_163, %add3A_261 : i32
        %and3A_263 = arith.constant 511 : i32
        %and3A_264 = arith.andi %add3A_262, %and3A_263 : i32
        %get3A_265 = arith.index_cast %and3A_264 : i32 to index
        %get3A_266 = arith.constant 0 : index
        %get3A_267 = tpu.vector_load %arg8[%get3A_265, %get3A_266] {strides = array<i32>} : memref<512x64xf32, #tpu.memory_space<vmem>>, vector<16xf32>,
        %swap3A_268 = arith.index_cast %add3A_260 : i32 to index
        %swap3A_269 = arith.constant 0 : index
        %swap3A_270 = tpu.vector_load %arg9[%swap3A_268, %swap3A_269] {strides = array<i32>} : memref<256x64xf32, #tpu.memory_space<vmem>>, vector<16xf32>,
        tpu.vector_store %arg9[%swap3A_268, %swap3A_269], %get3A_267 {strides = array<i32>} : memref<256x64xf32, #tpu.memory_space<vmem>>, vector<16xf32>,
        %get3A_271 = arith.index_cast %and3A_264 : i32 to index
        %get3A_272 = arith.constant 16 : index
        %get3A_273 = tpu.vector_load %arg8[%get3A_271, %get3A_272] {strides = array<i32>} : memref<512x64xf32, #tpu.memory_space<vmem>>, vector<16xf32>,
        %swap3A_274 = arith.index_cast %add3A_260 : i32 to index
        %swap3A_275 = arith.constant 16 : index
        %swap3A_276 = tpu.vector_load %arg9[%swap3A_274, %swap3A_275] {strides = array<i32>} : memref<256x64xf32, #tpu.memory_space<vmem>>, vector<16xf32>,
        tpu.vector_store %arg9[%swap3A_274, %swap3A_275], %get3A_273 {strides = array<i32>} : memref<256x64xf32, #tpu.memory_space<vmem>>, vector<16xf32>,
        %get3A_277 = arith.index_cast %and3A_264 : i32 to index
        %get3A_278 = arith.constant 32 : index
        %get3A_279 = tpu.vector_load %arg8[%get3A_277, %get3A_278] {strides = array<i32>} : memref<512x64xf32, #tpu.memory_space<vmem>>, vector<16xf32>,
        %swap3A_280 = arith.index_cast %add3A_260 : i32 to index
        %swap3A_281 = arith.constant 32 : index
        %swap3A_282 = tpu.vector_load %arg9[%swap3A_280, %swap3A_281] {strides = array<i32>} : memref<256x64xf32, #tpu.memory_space<vmem>>, vector<16xf32>,
        tpu.vector_store %arg9[%swap3A_280, %swap3A_281], %get3A_279 {strides = array<i32>} : memref<256x64xf32, #tpu.memory_space<vmem>>, vector<16xf32>,
        %get3A_283 = arith.index_cast %and3A_264 : i32 to index
        %get3A_284 = arith.constant 48 : index
        %get3A_285 = tpu.vector_load %arg8[%get3A_283, %get3A_284] {strides = array<i32>} : memref<512x64xf32, #tpu.memory_space<vmem>>, vector<16xf32>,
        %swap3A_286 = arith.index_cast %add3A_260 : i32 to index
        %swap3A_287 = arith.constant 48 : index
        %swap3A_288 = tpu.vector_load %arg9[%swap3A_286, %swap3A_287] {strides = array<i32>} : memref<256x64xf32, #tpu.memory_space<vmem>>, vector<16xf32>,
        tpu.vector_store %arg9[%swap3A_286, %swap3A_287], %get3A_285 {strides = array<i32>} : memref<256x64xf32, #tpu.memory_space<vmem>>, vector<16xf32>,
      } else {
      }
      %gt3A_176 = arith.constant 2 : i32
      %gt3A_177 = arith.cmpi sgt, %sub3A_164, %gt3A_176 : i32
      %convert_element_type3A_178 = arith.extui %gt3A_177 : i1 to i32
      %cond3A_179 = arith.constant 0 : i32
      %cond3A_180 = arith.cmpi ne, %convert_element_type3A_178, %cond3A_179 : i32
      scf.if %cond3A_180 {
        %slice3A = vector.extract_strided_slice %get3A_166 {offsets = [2], sizes = [1], strides = [1]} : vector<16xi32> to vector<1xi32>
        %squeeze3A = vector.extract %slice3A[0] : i32 from vector<1xi32>
        %add3A_260 = arith.addi %squeeze3A, %sub3A_162 : i32
        %add3A_261 = arith.constant 2 : i32
        %add3A_262 = arith.addi %while3A_163, %add3A_261 : i32
        %and3A_263 = arith.constant 511 : i32
        %and3A_264 = arith.andi %add3A_262, %and3A_263 : i32
        %get3A_265 = arith.index_cast %and3A_264 : i32 to index
        %get3A_266 = arith.constant 0 : index
        %get3A_267 = tpu.vector_load %arg8[%get3A_265, %get3A_266] {strides = array<i32>} : memref<512x64xf32, #tpu.memory_space<vmem>>, vector<16xf32>,
        %swap3A_268 = arith.index_cast %add3A_260 : i32 to index
        %swap3A_269 = arith.constant 0 : index
        %swap3A_270 = tpu.vector_load %arg9[%swap3A_268, %swap3A_269] {strides = array<i32>} : memref<256x64xf32, #tpu.memory_space<vmem>>, vector<16xf32>,
        tpu.vector_store %arg9[%swap3A_268, %swap3A_269], %get3A_267 {strides = array<i32>} : memref<256x64xf32, #tpu.memory_space<vmem>>, vector<16xf32>,
        %get3A_271 = arith.index_cast %and3A_264 : i32 to index
        %get3A_272 = arith.constant 16 : index
        %get3A_273 = tpu.vector_load %arg8[%get3A_271, %get3A_272] {strides = array<i32>} : memref<512x64xf32, #tpu.memory_space<vmem>>, vector<16xf32>,
        %swap3A_274 = arith.index_cast %add3A_260 : i32 to index
        %swap3A_275 = arith.constant 16 : index
        %swap3A_276 = tpu.vector_load %arg9[%swap3A_274, %swap3A_275] {strides = array<i32>} : memref<256x64xf32, #tpu.memory_space<vmem>>, vector<16xf32>,
        tpu.vector_store %arg9[%swap3A_274, %swap3A_275], %get3A_273 {strides = array<i32>} : memref<256x64xf32, #tpu.memory_space<vmem>>, vector<16xf32>,
        %get3A_277 = arith.index_cast %and3A_264 : i32 to index
        %get3A_278 = arith.constant 32 : index
        %get3A_279 = tpu.vector_load %arg8[%get3A_277, %get3A_278] {strides = array<i32>} : memref<512x64xf32, #tpu.memory_space<vmem>>, vector<16xf32>,
        %swap3A_280 = arith.index_cast %add3A_260 : i32 to index
        %swap3A_281 = arith.constant 32 : index
        %swap3A_282 = tpu.vector_load %arg9[%swap3A_280, %swap3A_281] {strides = array<i32>} : memref<256x64xf32, #tpu.memory_space<vmem>>, vector<16xf32>,
        tpu.vector_store %arg9[%swap3A_280, %swap3A_281], %get3A_279 {strides = array<i32>} : memref<256x64xf32, #tpu.memory_space<vmem>>, vector<16xf32>,
        %get3A_283 = arith.index_cast %and3A_264 : i32 to index
        %get3A_284 = arith.constant 48 : index
        %get3A_285 = tpu.vector_load %arg8[%get3A_283, %get3A_284] {strides = array<i32>} : memref<512x64xf32, #tpu.memory_space<vmem>>, vector<16xf32>,
        %swap3A_286 = arith.index_cast %add3A_260 : i32 to index
        %swap3A_287 = arith.constant 48 : index
        %swap3A_288 = tpu.vector_load %arg9[%swap3A_286, %swap3A_287] {strides = array<i32>} : memref<256x64xf32, #tpu.memory_space<vmem>>, vector<16xf32>,
        tpu.vector_store %arg9[%swap3A_286, %swap3A_287], %get3A_285 {strides = array<i32>} : memref<256x64xf32, #tpu.memory_space<vmem>>, vector<16xf32>,
      } else {
      }
      %gt3A_181 = arith.constant 3 : i32
      %gt3A_182 = arith.cmpi sgt, %sub3A_164, %gt3A_181 : i32
      %convert_element_type3A_183 = arith.extui %gt3A_182 : i1 to i32
      %cond3A_184 = arith.constant 0 : i32
      %cond3A_185 = arith.cmpi ne, %convert_element_type3A_183, %cond3A_184 : i32
      scf.if %cond3A_185 {
        %slice3A = vector.extract_strided_slice %get3A_166 {offsets = [3], sizes = [1], strides = [1]} : vector<16xi32> to vector<1xi32>
        %squeeze3A = vector.extract %slice3A[0] : i32 from vector<1xi32>
        %add3A_260 = arith.addi %squeeze3A, %sub3A_162 : i32
        %add3A_261 = arith.constant 3 : i32
        %add3A_262 = arith.addi %while3A_163, %add3A_261 : i32
        %and3A_263 = arith.constant 511 : i32
        %and3A_264 = arith.andi %add3A_262, %and3A_263 : i32
        %get3A_265 = arith.index_cast %and3A_264 : i32 to index
        %get3A_266 = arith.constant 0 : index
        %get3A_267 = tpu.vector_load %arg8[%get3A_265, %get3A_266] {strides = array<i32>} : memref<512x64xf32, #tpu.memory_space<vmem>>, vector<16xf32>,
        %swap3A_268 = arith.index_cast %add3A_260 : i32 to index
        %swap3A_269 = arith.constant 0 : index
        %swap3A_270 = tpu.vector_load %arg9[%swap3A_268, %swap3A_269] {strides = array<i32>} : memref<256x64xf32, #tpu.memory_space<vmem>>, vector<16xf32>,
        tpu.vector_store %arg9[%swap3A_268, %swap3A_269], %get3A_267 {strides = array<i32>} : memref<256x64xf32, #tpu.memory_space<vmem>>, vector<16xf32>,
        %get3A_271 = arith.index_cast %and3A_264 : i32 to index
        %get3A_272 = arith.constant 16 : index
        %get3A_273 = tpu.vector_load %arg8[%get3A_271, %get3A_272] {strides = array<i32>} : memref<512x64xf32, #tpu.memory_space<vmem>>, vector<16xf32>,
        %swap3A_274 = arith.index_cast %add3A_260 : i32 to index
        %swap3A_275 = arith.constant 16 : index
        %swap3A_276 = tpu.vector_load %arg9[%swap3A_274, %swap3A_275] {strides = array<i32>} : memref<256x64xf32, #tpu.memory_space<vmem>>, vector<16xf32>,
        tpu.vector_store %arg9[%swap3A_274, %swap3A_275], %get3A_273 {strides = array<i32>} : memref<256x64xf32, #tpu.memory_space<vmem>>, vector<16xf32>,
        %get3A_277 = arith.index_cast %and3A_264 : i32 to index
        %get3A_278 = arith.constant 32 : index
        %get3A_279 = tpu.vector_load %arg8[%get3A_277, %get3A_278] {strides = array<i32>} : memref<512x64xf32, #tpu.memory_space<vmem>>, vector<16xf32>,
        %swap3A_280 = arith.index_cast %add3A_260 : i32 to index
        %swap3A_281 = arith.constant 32 : index
        %swap3A_282 = tpu.vector_load %arg9[%swap3A_280, %swap3A_281] {strides = array<i32>} : memref<256x64xf32, #tpu.memory_space<vmem>>, vector<16xf32>,
        tpu.vector_store %arg9[%swap3A_280, %swap3A_281], %get3A_279 {strides = array<i32>} : memref<256x64xf32, #tpu.memory_space<vmem>>, vector<16xf32>,
        %get3A_283 = arith.index_cast %and3A_264 : i32 to index
        %get3A_284 = arith.constant 48 : index
        %get3A_285 = tpu.vector_load %arg8[%get3A_283, %get3A_284] {strides = array<i32>} : memref<512x64xf32, #tpu.memory_space<vmem>>, vector<16xf32>,
        %swap3A_286 = arith.index_cast %add3A_260 : i32 to index
        %swap3A_287 = arith.constant 48 : index
        %swap3A_288 = tpu.vector_load %arg9[%swap3A_286, %swap3A_287] {strides = array<i32>} : memref<256x64xf32, #tpu.memory_space<vmem>>, vector<16xf32>,
        tpu.vector_store %arg9[%swap3A_286, %swap3A_287], %get3A_285 {strides = array<i32>} : memref<256x64xf32, #tpu.memory_space<vmem>>, vector<16xf32>,
      } else {
      }
      %gt3A_186 = arith.constant 4 : i32
      %gt3A_187 = arith.cmpi sgt, %sub3A_164, %gt3A_186 : i32
      %convert_element_type3A_188 = arith.extui %gt3A_187 : i1 to i32
      %cond3A_189 = arith.constant 0 : i32
      %cond3A_190 = arith.cmpi ne, %convert_element_type3A_188, %cond3A_189 : i32
      scf.if %cond3A_190 {
        %slice3A = vector.extract_strided_slice %get3A_166 {offsets = [4], sizes = [1], strides = [1]} : vector<16xi32> to vector<1xi32>
        %squeeze3A = vector.extract %slice3A[0] : i32 from vector<1xi32>
        %add3A_260 = arith.addi %squeeze3A, %sub3A_162 : i32
        %add3A_261 = arith.constant 4 : i32
        %add3A_262 = arith.addi %while3A_163, %add3A_261 : i32
        %and3A_263 = arith.constant 511 : i32
        %and3A_264 = arith.andi %add3A_262, %and3A_263 : i32
        %get3A_265 = arith.index_cast %and3A_264 : i32 to index
        %get3A_266 = arith.constant 0 : index
        %get3A_267 = tpu.vector_load %arg8[%get3A_265, %get3A_266] {strides = array<i32>} : memref<512x64xf32, #tpu.memory_space<vmem>>, vector<16xf32>,
        %swap3A_268 = arith.index_cast %add3A_260 : i32 to index
        %swap3A_269 = arith.constant 0 : index
        %swap3A_270 = tpu.vector_load %arg9[%swap3A_268, %swap3A_269] {strides = array<i32>} : memref<256x64xf32, #tpu.memory_space<vmem>>, vector<16xf32>,
        tpu.vector_store %arg9[%swap3A_268, %swap3A_269], %get3A_267 {strides = array<i32>} : memref<256x64xf32, #tpu.memory_space<vmem>>, vector<16xf32>,
        %get3A_271 = arith.index_cast %and3A_264 : i32 to index
        %get3A_272 = arith.constant 16 : index
        %get3A_273 = tpu.vector_load %arg8[%get3A_271, %get3A_272] {strides = array<i32>} : memref<512x64xf32, #tpu.memory_space<vmem>>, vector<16xf32>,
        %swap3A_274 = arith.index_cast %add3A_260 : i32 to index
        %swap3A_275 = arith.constant 16 : index
        %swap3A_276 = tpu.vector_load %arg9[%swap3A_274, %swap3A_275] {strides = array<i32>} : memref<256x64xf32, #tpu.memory_space<vmem>>, vector<16xf32>,
        tpu.vector_store %arg9[%swap3A_274, %swap3A_275], %get3A_273 {strides = array<i32>} : memref<256x64xf32, #tpu.memory_space<vmem>>, vector<16xf32>,
        %get3A_277 = arith.index_cast %and3A_264 : i32 to index
        %get3A_278 = arith.constant 32 : index
        %get3A_279 = tpu.vector_load %arg8[%get3A_277, %get3A_278] {strides = array<i32>} : memref<512x64xf32, #tpu.memory_space<vmem>>, vector<16xf32>,
        %swap3A_280 = arith.index_cast %add3A_260 : i32 to index
        %swap3A_281 = arith.constant 32 : index
        %swap3A_282 = tpu.vector_load %arg9[%swap3A_280, %swap3A_281] {strides = array<i32>} : memref<256x64xf32, #tpu.memory_space<vmem>>, vector<16xf32>,
        tpu.vector_store %arg9[%swap3A_280, %swap3A_281], %get3A_279 {strides = array<i32>} : memref<256x64xf32, #tpu.memory_space<vmem>>, vector<16xf32>,
        %get3A_283 = arith.index_cast %and3A_264 : i32 to index
        %get3A_284 = arith.constant 48 : index
        %get3A_285 = tpu.vector_load %arg8[%get3A_283, %get3A_284] {strides = array<i32>} : memref<512x64xf32, #tpu.memory_space<vmem>>, vector<16xf32>,
        %swap3A_286 = arith.index_cast %add3A_260 : i32 to index
        %swap3A_287 = arith.constant 48 : index
        %swap3A_288 = tpu.vector_load %arg9[%swap3A_286, %swap3A_287] {strides = array<i32>} : memref<256x64xf32, #tpu.memory_space<vmem>>, vector<16xf32>,
        tpu.vector_store %arg9[%swap3A_286, %swap3A_287], %get3A_285 {strides = array<i32>} : memref<256x64xf32, #tpu.memory_space<vmem>>, vector<16xf32>,
      } else {
      }
      %gt3A_191 = arith.constant 5 : i32
      %gt3A_192 = arith.cmpi sgt, %sub3A_164, %gt3A_191 : i32
      %convert_element_type3A_193 = arith.extui %gt3A_192 : i1 to i32
      %cond3A_194 = arith.constant 0 : i32
      %cond3A_195 = arith.cmpi ne, %convert_element_type3A_193, %cond3A_194 : i32
      scf.if %cond3A_195 {
        %slice3A = vector.extract_strided_slice %get3A_166 {offsets = [5], sizes = [1], strides = [1]} : vector<16xi32> to vector<1xi32>
        %squeeze3A = vector.extract %slice3A[0] : i32 from vector<1xi32>
        %add3A_260 = arith.addi %squeeze3A, %sub3A_162 : i32
        %add3A_261 = arith.constant 5 : i32
        %add3A_262 = arith.addi %while3A_163, %add3A_261 : i32
        %and3A_263 = arith.constant 511 : i32
        %and3A_264 = arith.andi %add3A_262, %and3A_263 : i32
        %get3A_265 = arith.index_cast %and3A_264 : i32 to index
        %get3A_266 = arith.constant 0 : index
        %get3A_267 = tpu.vector_load %arg8[%get3A_265, %get3A_266] {strides = array<i32>} : memref<512x64xf32, #tpu.memory_space<vmem>>, vector<16xf32>,
        %swap3A_268 = arith.index_cast %add3A_260 : i32 to index
        %swap3A_269 = arith.constant 0 : index
        %swap3A_270 = tpu.vector_load %arg9[%swap3A_268, %swap3A_269] {strides = array<i32>} : memref<256x64xf32, #tpu.memory_space<vmem>>, vector<16xf32>,
        tpu.vector_store %arg9[%swap3A_268, %swap3A_269], %get3A_267 {strides = array<i32>} : memref<256x64xf32, #tpu.memory_space<vmem>>, vector<16xf32>,
        %get3A_271 = arith.index_cast %and3A_264 : i32 to index
        %get3A_272 = arith.constant 16 : index
        %get3A_273 = tpu.vector_load %arg8[%get3A_271, %get3A_272] {strides = array<i32>} : memref<512x64xf32, #tpu.memory_space<vmem>>, vector<16xf32>,
        %swap3A_274 = arith.index_cast %add3A_260 : i32 to index
        %swap3A_275 = arith.constant 16 : index
        %swap3A_276 = tpu.vector_load %arg9[%swap3A_274, %swap3A_275] {strides = array<i32>} : memref<256x64xf32, #tpu.memory_space<vmem>>, vector<16xf32>,
        tpu.vector_store %arg9[%swap3A_274, %swap3A_275], %get3A_273 {strides = array<i32>} : memref<256x64xf32, #tpu.memory_space<vmem>>, vector<16xf32>,
        %get3A_277 = arith.index_cast %and3A_264 : i32 to index
        %get3A_278 = arith.constant 32 : index
        %get3A_279 = tpu.vector_load %arg8[%get3A_277, %get3A_278] {strides = array<i32>} : memref<512x64xf32, #tpu.memory_space<vmem>>, vector<16xf32>,
        %swap3A_280 = arith.index_cast %add3A_260 : i32 to index
        %swap3A_281 = arith.constant 32 : index
        %swap3A_282 = tpu.vector_load %arg9[%swap3A_280, %swap3A_281] {strides = array<i32>} : memref<256x64xf32, #tpu.memory_space<vmem>>, vector<16xf32>,
        tpu.vector_store %arg9[%swap3A_280, %swap3A_281], %get3A_279 {strides = array<i32>} : memref<256x64xf32, #tpu.memory_space<vmem>>, vector<16xf32>,
        %get3A_283 = arith.index_cast %and3A_264 : i32 to index
        %get3A_284 = arith.constant 48 : index
        %get3A_285 = tpu.vector_load %arg8[%get3A_283, %get3A_284] {strides = array<i32>} : memref<512x64xf32, #tpu.memory_space<vmem>>, vector<16xf32>,
        %swap3A_286 = arith.index_cast %add3A_260 : i32 to index
        %swap3A_287 = arith.constant 48 : index
        %swap3A_288 = tpu.vector_load %arg9[%swap3A_286, %swap3A_287] {strides = array<i32>} : memref<256x64xf32, #tpu.memory_space<vmem>>, vector<16xf32>,
        tpu.vector_store %arg9[%swap3A_286, %swap3A_287], %get3A_285 {strides = array<i32>} : memref<256x64xf32, #tpu.memory_space<vmem>>, vector<16xf32>,
      } else {
      }
      %gt3A_196 = arith.constant 6 : i32
      %gt3A_197 = arith.cmpi sgt, %sub3A_164, %gt3A_196 : i32
      %convert_element_type3A_198 = arith.extui %gt3A_197 : i1 to i32
      %cond3A_199 = arith.constant 0 : i32
      %cond3A_200 = arith.cmpi ne, %convert_element_type3A_198, %cond3A_199 : i32
      scf.if %cond3A_200 {
        %slice3A = vector.extract_strided_slice %get3A_166 {offsets = [6], sizes = [1], strides = [1]} : vector<16xi32> to vector<1xi32>
        %squeeze3A = vector.extract %slice3A[0] : i32 from vector<1xi32>
        %add3A_260 = arith.addi %squeeze3A, %sub3A_162 : i32
        %add3A_261 = arith.constant 6 : i32
        %add3A_262 = arith.addi %while3A_163, %add3A_261 : i32
        %and3A_263 = arith.constant 511 : i32
        %and3A_264 = arith.andi %add3A_262, %and3A_263 : i32
        %get3A_265 = arith.index_cast %and3A_264 : i32 to index
        %get3A_266 = arith.constant 0 : index
        %get3A_267 = tpu.vector_load %arg8[%get3A_265, %get3A_266] {strides = array<i32>} : memref<512x64xf32, #tpu.memory_space<vmem>>, vector<16xf32>,
        %swap3A_268 = arith.index_cast %add3A_260 : i32 to index
        %swap3A_269 = arith.constant 0 : index
        %swap3A_270 = tpu.vector_load %arg9[%swap3A_268, %swap3A_269] {strides = array<i32>} : memref<256x64xf32, #tpu.memory_space<vmem>>, vector<16xf32>,
        tpu.vector_store %arg9[%swap3A_268, %swap3A_269], %get3A_267 {strides = array<i32>} : memref<256x64xf32, #tpu.memory_space<vmem>>, vector<16xf32>,
        %get3A_271 = arith.index_cast %and3A_264 : i32 to index
        %get3A_272 = arith.constant 16 : index
        %get3A_273 = tpu.vector_load %arg8[%get3A_271, %get3A_272] {strides = array<i32>} : memref<512x64xf32, #tpu.memory_space<vmem>>, vector<16xf32>,
        %swap3A_274 = arith.index_cast %add3A_260 : i32 to index
        %swap3A_275 = arith.constant 16 : index
        %swap3A_276 = tpu.vector_load %arg9[%swap3A_274, %swap3A_275] {strides = array<i32>} : memref<256x64xf32, #tpu.memory_space<vmem>>, vector<16xf32>,
        tpu.vector_store %arg9[%swap3A_274, %swap3A_275], %get3A_273 {strides = array<i32>} : memref<256x64xf32, #tpu.memory_space<vmem>>, vector<16xf32>,
        %get3A_277 = arith.index_cast %and3A_264 : i32 to index
        %get3A_278 = arith.constant 32 : index
        %get3A_279 = tpu.vector_load %arg8[%get3A_277, %get3A_278] {strides = array<i32>} : memref<512x64xf32, #tpu.memory_space<vmem>>, vector<16xf32>,
        %swap3A_280 = arith.index_cast %add3A_260 : i32 to index
        %swap3A_281 = arith.constant 32 : index
        %swap3A_282 = tpu.vector_load %arg9[%swap3A_280, %swap3A_281] {strides = array<i32>} : memref<256x64xf32, #tpu.memory_space<vmem>>, vector<16xf32>,
        tpu.vector_store %arg9[%swap3A_280, %swap3A_281], %get3A_279 {strides = array<i32>} : memref<256x64xf32, #tpu.memory_space<vmem>>, vector<16xf32>,
        %get3A_283 = arith.index_cast %and3A_264 : i32 to index
        %get3A_284 = arith.constant 48 : index
        %get3A_285 = tpu.vector_load %arg8[%get3A_283, %get3A_284] {strides = array<i32>} : memref<512x64xf32, #tpu.memory_space<vmem>>, vector<16xf32>,
        %swap3A_286 = arith.index_cast %add3A_260 : i32 to index
        %swap3A_287 = arith.constant 48 : index
        %swap3A_288 = tpu.vector_load %arg9[%swap3A_286, %swap3A_287] {strides = array<i32>} : memref<256x64xf32, #tpu.memory_space<vmem>>, vector<16xf32>,
        tpu.vector_store %arg9[%swap3A_286, %swap3A_287], %get3A_285 {strides = array<i32>} : memref<256x64xf32, #tpu.memory_space<vmem>>, vector<16xf32>,
      } else {
      }
      %gt3A_201 = arith.constant 7 : i32
      %gt3A_202 = arith.cmpi sgt, %sub3A_164, %gt3A_201 : i32
      %convert_element_type3A_203 = arith.extui %gt3A_202 : i1 to i32
      %cond3A_204 = arith.constant 0 : i32
      %cond3A_205 = arith.cmpi ne, %convert_element_type3A_203, %cond3A_204 : i32
      scf.if %cond3A_205 {
        %slice3A = vector.extract_strided_slice %get3A_166 {offsets = [7], sizes = [1], strides = [1]} : vector<16xi32> to vector<1xi32>
        %squeeze3A = vector.extract %slice3A[0] : i32 from vector<1xi32>
        %add3A_260 = arith.addi %squeeze3A, %sub3A_162 : i32
        %add3A_261 = arith.constant 7 : i32
        %add3A_262 = arith.addi %while3A_163, %add3A_261 : i32
        %and3A_263 = arith.constant 511 : i32
        %and3A_264 = arith.andi %add3A_262, %and3A_263 : i32
        %get3A_265 = arith.index_cast %and3A_264 : i32 to index
        %get3A_266 = arith.constant 0 : index
        %get3A_267 = tpu.vector_load %arg8[%get3A_265, %get3A_266] {strides = array<i32>} : memref<512x64xf32, #tpu.memory_space<vmem>>, vector<16xf32>,
        %swap3A_268 = arith.index_cast %add3A_260 : i32 to index
        %swap3A_269 = arith.constant 0 : index
        %swap3A_270 = tpu.vector_load %arg9[%swap3A_268, %swap3A_269] {strides = array<i32>} : memref<256x64xf32, #tpu.memory_space<vmem>>, vector<16xf32>,
        tpu.vector_store %arg9[%swap3A_268, %swap3A_269], %get3A_267 {strides = array<i32>} : memref<256x64xf32, #tpu.memory_space<vmem>>, vector<16xf32>,
        %get3A_271 = arith.index_cast %and3A_264 : i32 to index
        %get3A_272 = arith.constant 16 : index
        %get3A_273 = tpu.vector_load %arg8[%get3A_271, %get3A_272] {strides = array<i32>} : memref<512x64xf32, #tpu.memory_space<vmem>>, vector<16xf32>,
        %swap3A_274 = arith.index_cast %add3A_260 : i32 to index
        %swap3A_275 = arith.constant 16 : index
        %swap3A_276 = tpu.vector_load %arg9[%swap3A_274, %swap3A_275] {strides = array<i32>} : memref<256x64xf32, #tpu.memory_space<vmem>>, vector<16xf32>,
        tpu.vector_store %arg9[%swap3A_274, %swap3A_275], %get3A_273 {strides = array<i32>} : memref<256x64xf32, #tpu.memory_space<vmem>>, vector<16xf32>,
        %get3A_277 = arith.index_cast %and3A_264 : i32 to index
        %get3A_278 = arith.constant 32 : index
        %get3A_279 = tpu.vector_load %arg8[%get3A_277, %get3A_278] {strides = array<i32>} : memref<512x64xf32, #tpu.memory_space<vmem>>, vector<16xf32>,
        %swap3A_280 = arith.index_cast %add3A_260 : i32 to index
        %swap3A_281 = arith.constant 32 : index
        %swap3A_282 = tpu.vector_load %arg9[%swap3A_280, %swap3A_281] {strides = array<i32>} : memref<256x64xf32, #tpu.memory_space<vmem>>, vector<16xf32>,
        tpu.vector_store %arg9[%swap3A_280, %swap3A_281], %get3A_279 {strides = array<i32>} : memref<256x64xf32, #tpu.memory_space<vmem>>, vector<16xf32>,
        %get3A_283 = arith.index_cast %and3A_264 : i32 to index
        %get3A_284 = arith.constant 48 : index
        %get3A_285 = tpu.vector_load %arg8[%get3A_283, %get3A_284] {strides = array<i32>} : memref<512x64xf32, #tpu.memory_space<vmem>>, vector<16xf32>,
        %swap3A_286 = arith.index_cast %add3A_260 : i32 to index
        %swap3A_287 = arith.constant 48 : index
        %swap3A_288 = tpu.vector_load %arg9[%swap3A_286, %swap3A_287] {strides = array<i32>} : memref<256x64xf32, #tpu.memory_space<vmem>>, vector<16xf32>,
        tpu.vector_store %arg9[%swap3A_286, %swap3A_287], %get3A_285 {strides = array<i32>} : memref<256x64xf32, #tpu.memory_space<vmem>>, vector<16xf32>,
      } else {
      }
      %gt3A_206 = arith.constant 8 : i32
      %gt3A_207 = arith.cmpi sgt, %sub3A_164, %gt3A_206 : i32
      %convert_element_type3A_208 = arith.extui %gt3A_207 : i1 to i32
      %cond3A_209 = arith.constant 0 : i32
      %cond3A_210 = arith.cmpi ne, %convert_element_type3A_208, %cond3A_209 : i32
      scf.if %cond3A_210 {
        %slice3A = vector.extract_strided_slice %get3A_166 {offsets = [8], sizes = [1], strides = [1]} : vector<16xi32> to vector<1xi32>
        %squeeze3A = vector.extract %slice3A[0] : i32 from vector<1xi32>
        %add3A_260 = arith.addi %squeeze3A, %sub3A_162 : i32
        %add3A_261 = arith.constant 8 : i32
        %add3A_262 = arith.addi %while3A_163, %add3A_261 : i32
        %and3A_263 = arith.constant 511 : i32
        %and3A_264 = arith.andi %add3A_262, %and3A_263 : i32
        %get3A_265 = arith.index_cast %and3A_264 : i32 to index
        %get3A_266 = arith.constant 0 : index
        %get3A_267 = tpu.vector_load %arg8[%get3A_265, %get3A_266] {strides = array<i32>} : memref<512x64xf32, #tpu.memory_space<vmem>>, vector<16xf32>,
        %swap3A_268 = arith.index_cast %add3A_260 : i32 to index
        %swap3A_269 = arith.constant 0 : index
        %swap3A_270 = tpu.vector_load %arg9[%swap3A_268, %swap3A_269] {strides = array<i32>} : memref<256x64xf32, #tpu.memory_space<vmem>>, vector<16xf32>,
        tpu.vector_store %arg9[%swap3A_268, %swap3A_269], %get3A_267 {strides = array<i32>} : memref<256x64xf32, #tpu.memory_space<vmem>>, vector<16xf32>,
        %get3A_271 = arith.index_cast %and3A_264 : i32 to index
        %get3A_272 = arith.constant 16 : index
        %get3A_273 = tpu.vector_load %arg8[%get3A_271, %get3A_272] {strides = array<i32>} : memref<512x64xf32, #tpu.memory_space<vmem>>, vector<16xf32>,
        %swap3A_274 = arith.index_cast %add3A_260 : i32 to index
        %swap3A_275 = arith.constant 16 : index
        %swap3A_276 = tpu.vector_load %arg9[%swap3A_274, %swap3A_275] {strides = array<i32>} : memref<256x64xf32, #tpu.memory_space<vmem>>, vector<16xf32>,
        tpu.vector_store %arg9[%swap3A_274, %swap3A_275], %get3A_273 {strides = array<i32>} : memref<256x64xf32, #tpu.memory_space<vmem>>, vector<16xf32>,
        %get3A_277 = arith.index_cast %and3A_264 : i32 to index
        %get3A_278 = arith.constant 32 : index
        %get3A_279 = tpu.vector_load %arg8[%get3A_277, %get3A_278] {strides = array<i32>} : memref<512x64xf32, #tpu.memory_space<vmem>>, vector<16xf32>,
        %swap3A_280 = arith.index_cast %add3A_260 : i32 to index
        %swap3A_281 = arith.constant 32 : index
        %swap3A_282 = tpu.vector_load %arg9[%swap3A_280, %swap3A_281] {strides = array<i32>} : memref<256x64xf32, #tpu.memory_space<vmem>>, vector<16xf32>,
        tpu.vector_store %arg9[%swap3A_280, %swap3A_281], %get3A_279 {strides = array<i32>} : memref<256x64xf32, #tpu.memory_space<vmem>>, vector<16xf32>,
        %get3A_283 = arith.index_cast %and3A_264 : i32 to index
        %get3A_284 = arith.constant 48 : index
        %get3A_285 = tpu.vector_load %arg8[%get3A_283, %get3A_284] {strides = array<i32>} : memref<512x64xf32, #tpu.memory_space<vmem>>, vector<16xf32>,
        %swap3A_286 = arith.index_cast %add3A_260 : i32 to index
        %swap3A_287 = arith.constant 48 : index
        %swap3A_288 = tpu.vector_load %arg9[%swap3A_286, %swap3A_287] {strides = array<i32>} : memref<256x64xf32, #tpu.memory_space<vmem>>, vector<16xf32>,
        tpu.vector_store %arg9[%swap3A_286, %swap3A_287], %get3A_285 {strides = array<i32>} : memref<256x64xf32, #tpu.memory_space<vmem>>, vector<16xf32>,
      } else {
      }
      %gt3A_211 = arith.constant 9 : i32
      %gt3A_212 = arith.cmpi sgt, %sub3A_164, %gt3A_211 : i32
      %convert_element_type3A_213 = arith.extui %gt3A_212 : i1 to i32
      %cond3A_214 = arith.constant 0 : i32
      %cond3A_215 = arith.cmpi ne, %convert_element_type3A_213, %cond3A_214 : i32
      scf.if %cond3A_215 {
        %slice3A = vector.extract_strided_slice %get3A_166 {offsets = [9], sizes = [1], strides = [1]} : vector<16xi32> to vector<1xi32>
        %squeeze3A = vector.extract %slice3A[0] : i32 from vector<1xi32>
        %add3A_260 = arith.addi %squeeze3A, %sub3A_162 : i32
        %add3A_261 = arith.constant 9 : i32
        %add3A_262 = arith.addi %while3A_163, %add3A_261 : i32
        %and3A_263 = arith.constant 511 : i32
        %and3A_264 = arith.andi %add3A_262, %and3A_263 : i32
        %get3A_265 = arith.index_cast %and3A_264 : i32 to index
        %get3A_266 = arith.constant 0 : index
        %get3A_267 = tpu.vector_load %arg8[%get3A_265, %get3A_266] {strides = array<i32>} : memref<512x64xf32, #tpu.memory_space<vmem>>, vector<16xf32>,
        %swap3A_268 = arith.index_cast %add3A_260 : i32 to index
        %swap3A_269 = arith.constant 0 : index
        %swap3A_270 = tpu.vector_load %arg9[%swap3A_268, %swap3A_269] {strides = array<i32>} : memref<256x64xf32, #tpu.memory_space<vmem>>, vector<16xf32>,
        tpu.vector_store %arg9[%swap3A_268, %swap3A_269], %get3A_267 {strides = array<i32>} : memref<256x64xf32, #tpu.memory_space<vmem>>, vector<16xf32>,
        %get3A_271 = arith.index_cast %and3A_264 : i32 to index
        %get3A_272 = arith.constant 16 : index
        %get3A_273 = tpu.vector_load %arg8[%get3A_271, %get3A_272] {strides = array<i32>} : memref<512x64xf32, #tpu.memory_space<vmem>>, vector<16xf32>,
        %swap3A_274 = arith.index_cast %add3A_260 : i32 to index
        %swap3A_275 = arith.constant 16 : index
        %swap3A_276 = tpu.vector_load %arg9[%swap3A_274, %swap3A_275] {strides = array<i32>} : memref<256x64xf32, #tpu.memory_space<vmem>>, vector<16xf32>,
        tpu.vector_store %arg9[%swap3A_274, %swap3A_275], %get3A_273 {strides = array<i32>} : memref<256x64xf32, #tpu.memory_space<vmem>>, vector<16xf32>,
        %get3A_277 = arith.index_cast %and3A_264 : i32 to index
        %get3A_278 = arith.constant 32 : index
        %get3A_279 = tpu.vector_load %arg8[%get3A_277, %get3A_278] {strides = array<i32>} : memref<512x64xf32, #tpu.memory_space<vmem>>, vector<16xf32>,
        %swap3A_280 = arith.index_cast %add3A_260 : i32 to index
        %swap3A_281 = arith.constant 32 : index
        %swap3A_282 = tpu.vector_load %arg9[%swap3A_280, %swap3A_281] {strides = array<i32>} : memref<256x64xf32, #tpu.memory_space<vmem>>, vector<16xf32>,
        tpu.vector_store %arg9[%swap3A_280, %swap3A_281], %get3A_279 {strides = array<i32>} : memref<256x64xf32, #tpu.memory_space<vmem>>, vector<16xf32>,
        %get3A_283 = arith.index_cast %and3A_264 : i32 to index
        %get3A_284 = arith.constant 48 : index
        %get3A_285 = tpu.vector_load %arg8[%get3A_283, %get3A_284] {strides = array<i32>} : memref<512x64xf32, #tpu.memory_space<vmem>>, vector<16xf32>,
        %swap3A_286 = arith.index_cast %add3A_260 : i32 to index
        %swap3A_287 = arith.constant 48 : index
        %swap3A_288 = tpu.vector_load %arg9[%swap3A_286, %swap3A_287] {strides = array<i32>} : memref<256x64xf32, #tpu.memory_space<vmem>>, vector<16xf32>,
        tpu.vector_store %arg9[%swap3A_286, %swap3A_287], %get3A_285 {strides = array<i32>} : memref<256x64xf32, #tpu.memory_space<vmem>>, vector<16xf32>,
      } else {
      }
      %gt3A_216 = arith.constant 10 : i32
      %gt3A_217 = arith.cmpi sgt, %sub3A_164, %gt3A_216 : i32
      %convert_element_type3A_218 = arith.extui %gt3A_217 : i1 to i32
      %cond3A_219 = arith.constant 0 : i32
      %cond3A_220 = arith.cmpi ne, %convert_element_type3A_218, %cond3A_219 : i32
      scf.if %cond3A_220 {
        %slice3A = vector.extract_strided_slice %get3A_166 {offsets = [10], sizes = [1], strides = [1]} : vector<16xi32> to vector<1xi32>
        %squeeze3A = vector.extract %slice3A[0] : i32 from vector<1xi32>
        %add3A_260 = arith.addi %squeeze3A, %sub3A_162 : i32
        %add3A_261 = arith.constant 10 : i32
        %add3A_262 = arith.addi %while3A_163, %add3A_261 : i32
        %and3A_263 = arith.constant 511 : i32
        %and3A_264 = arith.andi %add3A_262, %and3A_263 : i32
        %get3A_265 = arith.index_cast %and3A_264 : i32 to index
        %get3A_266 = arith.constant 0 : index
        %get3A_267 = tpu.vector_load %arg8[%get3A_265, %get3A_266] {strides = array<i32>} : memref<512x64xf32, #tpu.memory_space<vmem>>, vector<16xf32>,
        %swap3A_268 = arith.index_cast %add3A_260 : i32 to index
        %swap3A_269 = arith.constant 0 : index
        %swap3A_270 = tpu.vector_load %arg9[%swap3A_268, %swap3A_269] {strides = array<i32>} : memref<256x64xf32, #tpu.memory_space<vmem>>, vector<16xf32>,
        tpu.vector_store %arg9[%swap3A_268, %swap3A_269], %get3A_267 {strides = array<i32>} : memref<256x64xf32, #tpu.memory_space<vmem>>, vector<16xf32>,
        %get3A_271 = arith.index_cast %and3A_264 : i32 to index
        %get3A_272 = arith.constant 16 : index
        %get3A_273 = tpu.vector_load %arg8[%get3A_271, %get3A_272] {strides = array<i32>} : memref<512x64xf32, #tpu.memory_space<vmem>>, vector<16xf32>,
        %swap3A_274 = arith.index_cast %add3A_260 : i32 to index
        %swap3A_275 = arith.constant 16 : index
        %swap3A_276 = tpu.vector_load %arg9[%swap3A_274, %swap3A_275] {strides = array<i32>} : memref<256x64xf32, #tpu.memory_space<vmem>>, vector<16xf32>,
        tpu.vector_store %arg9[%swap3A_274, %swap3A_275], %get3A_273 {strides = array<i32>} : memref<256x64xf32, #tpu.memory_space<vmem>>, vector<16xf32>,
        %get3A_277 = arith.index_cast %and3A_264 : i32 to index
        %get3A_278 = arith.constant 32 : index
        %get3A_279 = tpu.vector_load %arg8[%get3A_277, %get3A_278] {strides = array<i32>} : memref<512x64xf32, #tpu.memory_space<vmem>>, vector<16xf32>,
        %swap3A_280 = arith.index_cast %add3A_260 : i32 to index
        %swap3A_281 = arith.constant 32 : index
        %swap3A_282 = tpu.vector_load %arg9[%swap3A_280, %swap3A_281] {strides = array<i32>} : memref<256x64xf32, #tpu.memory_space<vmem>>, vector<16xf32>,
        tpu.vector_store %arg9[%swap3A_280, %swap3A_281], %get3A_279 {strides = array<i32>} : memref<256x64xf32, #tpu.memory_space<vmem>>, vector<16xf32>,
        %get3A_283 = arith.index_cast %and3A_264 : i32 to index
        %get3A_284 = arith.constant 48 : index
        %get3A_285 = tpu.vector_load %arg8[%get3A_283, %get3A_284] {strides = array<i32>} : memref<512x64xf32, #tpu.memory_space<vmem>>, vector<16xf32>,
        %swap3A_286 = arith.index_cast %add3A_260 : i32 to index
        %swap3A_287 = arith.constant 48 : index
        %swap3A_288 = tpu.vector_load %arg9[%swap3A_286, %swap3A_287] {strides = array<i32>} : memref<256x64xf32, #tpu.memory_space<vmem>>, vector<16xf32>,
        tpu.vector_store %arg9[%swap3A_286, %swap3A_287], %get3A_285 {strides = array<i32>} : memref<256x64xf32, #tpu.memory_space<vmem>>, vector<16xf32>,
      } else {
      }
      %gt3A_221 = arith.constant 11 : i32
      %gt3A_222 = arith.cmpi sgt, %sub3A_164, %gt3A_221 : i32
      %convert_element_type3A_223 = arith.extui %gt3A_222 : i1 to i32
      %cond3A_224 = arith.constant 0 : i32
      %cond3A_225 = arith.cmpi ne, %convert_element_type3A_223, %cond3A_224 : i32
      scf.if %cond3A_225 {
        %slice3A = vector.extract_strided_slice %get3A_166 {offsets = [11], sizes = [1], strides = [1]} : vector<16xi32> to vector<1xi32>
        %squeeze3A = vector.extract %slice3A[0] : i32 from vector<1xi32>
        %add3A_260 = arith.addi %squeeze3A, %sub3A_162 : i32
        %add3A_261 = arith.constant 11 : i32
        %add3A_262 = arith.addi %while3A_163, %add3A_261 : i32
        %and3A_263 = arith.constant 511 : i32
        %and3A_264 = arith.andi %add3A_262, %and3A_263 : i32
        %get3A_265 = arith.index_cast %and3A_264 : i32 to index
        %get3A_266 = arith.constant 0 : index
        %get3A_267 = tpu.vector_load %arg8[%get3A_265, %get3A_266] {strides = array<i32>} : memref<512x64xf32, #tpu.memory_space<vmem>>, vector<16xf32>,
        %swap3A_268 = arith.index_cast %add3A_260 : i32 to index
        %swap3A_269 = arith.constant 0 : index
        %swap3A_270 = tpu.vector_load %arg9[%swap3A_268, %swap3A_269] {strides = array<i32>} : memref<256x64xf32, #tpu.memory_space<vmem>>, vector<16xf32>,
        tpu.vector_store %arg9[%swap3A_268, %swap3A_269], %get3A_267 {strides = array<i32>} : memref<256x64xf32, #tpu.memory_space<vmem>>, vector<16xf32>,
        %get3A_271 = arith.index_cast %and3A_264 : i32 to index
        %get3A_272 = arith.constant 16 : index
        %get3A_273 = tpu.vector_load %arg8[%get3A_271, %get3A_272] {strides = array<i32>} : memref<512x64xf32, #tpu.memory_space<vmem>>, vector<16xf32>,
        %swap3A_274 = arith.index_cast %add3A_260 : i32 to index
        %swap3A_275 = arith.constant 16 : index
        %swap3A_276 = tpu.vector_load %arg9[%swap3A_274, %swap3A_275] {strides = array<i32>} : memref<256x64xf32, #tpu.memory_space<vmem>>, vector<16xf32>,
        tpu.vector_store %arg9[%swap3A_274, %swap3A_275], %get3A_273 {strides = array<i32>} : memref<256x64xf32, #tpu.memory_space<vmem>>, vector<16xf32>,
        %get3A_277 = arith.index_cast %and3A_264 : i32 to index
        %get3A_278 = arith.constant 32 : index
        %get3A_279 = tpu.vector_load %arg8[%get3A_277, %get3A_278] {strides = array<i32>} : memref<512x64xf32, #tpu.memory_space<vmem>>, vector<16xf32>,
        %swap3A_280 = arith.index_cast %add3A_260 : i32 to index
        %swap3A_281 = arith.constant 32 : index
        %swap3A_282 = tpu.vector_load %arg9[%swap3A_280, %swap3A_281] {strides = array<i32>} : memref<256x64xf32, #tpu.memory_space<vmem>>, vector<16xf32>,
        tpu.vector_store %arg9[%swap3A_280, %swap3A_281], %get3A_279 {strides = array<i32>} : memref<256x64xf32, #tpu.memory_space<vmem>>, vector<16xf32>,
        %get3A_283 = arith.index_cast %and3A_264 : i32 to index
        %get3A_284 = arith.constant 48 : index
        %get3A_285 = tpu.vector_load %arg8[%get3A_283, %get3A_284] {strides = array<i32>} : memref<512x64xf32, #tpu.memory_space<vmem>>, vector<16xf32>,
        %swap3A_286 = arith.index_cast %add3A_260 : i32 to index
        %swap3A_287 = arith.constant 48 : index
        %swap3A_288 = tpu.vector_load %arg9[%swap3A_286, %swap3A_287] {strides = array<i32>} : memref<256x64xf32, #tpu.memory_space<vmem>>, vector<16xf32>,
        tpu.vector_store %arg9[%swap3A_286, %swap3A_287], %get3A_285 {strides = array<i32>} : memref<256x64xf32, #tpu.memory_space<vmem>>, vector<16xf32>,
      } else {
      }
      %gt3A_226 = arith.constant 12 : i32
      %gt3A_227 = arith.cmpi sgt, %sub3A_164, %gt3A_226 : i32
      %convert_element_type3A_228 = arith.extui %gt3A_227 : i1 to i32
      %cond3A_229 = arith.constant 0 : i32
      %cond3A_230 = arith.cmpi ne, %convert_element_type3A_228, %cond3A_229 : i32
      scf.if %cond3A_230 {
        %slice3A = vector.extract_strided_slice %get3A_166 {offsets = [12], sizes = [1], strides = [1]} : vector<16xi32> to vector<1xi32>
        %squeeze3A = vector.extract %slice3A[0] : i32 from vector<1xi32>
        %add3A_260 = arith.addi %squeeze3A, %sub3A_162 : i32
        %add3A_261 = arith.constant 12 : i32
        %add3A_262 = arith.addi %while3A_163, %add3A_261 : i32
        %and3A_263 = arith.constant 511 : i32
        %and3A_264 = arith.andi %add3A_262, %and3A_263 : i32
        %get3A_265 = arith.index_cast %and3A_264 : i32 to index
        %get3A_266 = arith.constant 0 : index
        %get3A_267 = tpu.vector_load %arg8[%get3A_265, %get3A_266] {strides = array<i32>} : memref<512x64xf32, #tpu.memory_space<vmem>>, vector<16xf32>,
        %swap3A_268 = arith.index_cast %add3A_260 : i32 to index
        %swap3A_269 = arith.constant 0 : index
        %swap3A_270 = tpu.vector_load %arg9[%swap3A_268, %swap3A_269] {strides = array<i32>} : memref<256x64xf32, #tpu.memory_space<vmem>>, vector<16xf32>,
        tpu.vector_store %arg9[%swap3A_268, %swap3A_269], %get3A_267 {strides = array<i32>} : memref<256x64xf32, #tpu.memory_space<vmem>>, vector<16xf32>,
        %get3A_271 = arith.index_cast %and3A_264 : i32 to index
        %get3A_272 = arith.constant 16 : index
        %get3A_273 = tpu.vector_load %arg8[%get3A_271, %get3A_272] {strides = array<i32>} : memref<512x64xf32, #tpu.memory_space<vmem>>, vector<16xf32>,
        %swap3A_274 = arith.index_cast %add3A_260 : i32 to index
        %swap3A_275 = arith.constant 16 : index
        %swap3A_276 = tpu.vector_load %arg9[%swap3A_274, %swap3A_275] {strides = array<i32>} : memref<256x64xf32, #tpu.memory_space<vmem>>, vector<16xf32>,
        tpu.vector_store %arg9[%swap3A_274, %swap3A_275], %get3A_273 {strides = array<i32>} : memref<256x64xf32, #tpu.memory_space<vmem>>, vector<16xf32>,
        %get3A_277 = arith.index_cast %and3A_264 : i32 to index
        %get3A_278 = arith.constant 32 : index
        %get3A_279 = tpu.vector_load %arg8[%get3A_277, %get3A_278] {strides = array<i32>} : memref<512x64xf32, #tpu.memory_space<vmem>>, vector<16xf32>,
        %swap3A_280 = arith.index_cast %add3A_260 : i32 to index
        %swap3A_281 = arith.constant 32 : index
        %swap3A_282 = tpu.vector_load %arg9[%swap3A_280, %swap3A_281] {strides = array<i32>} : memref<256x64xf32, #tpu.memory_space<vmem>>, vector<16xf32>,
        tpu.vector_store %arg9[%swap3A_280, %swap3A_281], %get3A_279 {strides = array<i32>} : memref<256x64xf32, #tpu.memory_space<vmem>>, vector<16xf32>,
        %get3A_283 = arith.index_cast %and3A_264 : i32 to index
        %get3A_284 = arith.constant 48 : index
        %get3A_285 = tpu.vector_load %arg8[%get3A_283, %get3A_284] {strides = array<i32>} : memref<512x64xf32, #tpu.memory_space<vmem>>, vector<16xf32>,
        %swap3A_286 = arith.index_cast %add3A_260 : i32 to index
        %swap3A_287 = arith.constant 48 : index
        %swap3A_288 = tpu.vector_load %arg9[%swap3A_286, %swap3A_287] {strides = array<i32>} : memref<256x64xf32, #tpu.memory_space<vmem>>, vector<16xf32>,
        tpu.vector_store %arg9[%swap3A_286, %swap3A_287], %get3A_285 {strides = array<i32>} : memref<256x64xf32, #tpu.memory_space<vmem>>, vector<16xf32>,
      } else {
      }
      %gt3A_231 = arith.constant 13 : i32
      %gt3A_232 = arith.cmpi sgt, %sub3A_164, %gt3A_231 : i32
      %convert_element_type3A_233 = arith.extui %gt3A_232 : i1 to i32
      %cond3A_234 = arith.constant 0 : i32
      %cond3A_235 = arith.cmpi ne, %convert_element_type3A_233, %cond3A_234 : i32
      scf.if %cond3A_235 {
        %slice3A = vector.extract_strided_slice %get3A_166 {offsets = [13], sizes = [1], strides = [1]} : vector<16xi32> to vector<1xi32>
        %squeeze3A = vector.extract %slice3A[0] : i32 from vector<1xi32>
        %add3A_260 = arith.addi %squeeze3A, %sub3A_162 : i32
        %add3A_261 = arith.constant 13 : i32
        %add3A_262 = arith.addi %while3A_163, %add3A_261 : i32
        %and3A_263 = arith.constant 511 : i32
        %and3A_264 = arith.andi %add3A_262, %and3A_263 : i32
        %get3A_265 = arith.index_cast %and3A_264 : i32 to index
        %get3A_266 = arith.constant 0 : index
        %get3A_267 = tpu.vector_load %arg8[%get3A_265, %get3A_266] {strides = array<i32>} : memref<512x64xf32, #tpu.memory_space<vmem>>, vector<16xf32>,
        %swap3A_268 = arith.index_cast %add3A_260 : i32 to index
        %swap3A_269 = arith.constant 0 : index
        %swap3A_270 = tpu.vector_load %arg9[%swap3A_268, %swap3A_269] {strides = array<i32>} : memref<256x64xf32, #tpu.memory_space<vmem>>, vector<16xf32>,
        tpu.vector_store %arg9[%swap3A_268, %swap3A_269], %get3A_267 {strides = array<i32>} : memref<256x64xf32, #tpu.memory_space<vmem>>, vector<16xf32>,
        %get3A_271 = arith.index_cast %and3A_264 : i32 to index
        %get3A_272 = arith.constant 16 : index
        %get3A_273 = tpu.vector_load %arg8[%get3A_271, %get3A_272] {strides = array<i32>} : memref<512x64xf32, #tpu.memory_space<vmem>>, vector<16xf32>,
        %swap3A_274 = arith.index_cast %add3A_260 : i32 to index
        %swap3A_275 = arith.constant 16 : index
        %swap3A_276 = tpu.vector_load %arg9[%swap3A_274, %swap3A_275] {strides = array<i32>} : memref<256x64xf32, #tpu.memory_space<vmem>>, vector<16xf32>,
        tpu.vector_store %arg9[%swap3A_274, %swap3A_275], %get3A_273 {strides = array<i32>} : memref<256x64xf32, #tpu.memory_space<vmem>>, vector<16xf32>,
        %get3A_277 = arith.index_cast %and3A_264 : i32 to index
        %get3A_278 = arith.constant 32 : index
        %get3A_279 = tpu.vector_load %arg8[%get3A_277, %get3A_278] {strides = array<i32>} : memref<512x64xf32, #tpu.memory_space<vmem>>, vector<16xf32>,
        %swap3A_280 = arith.index_cast %add3A_260 : i32 to index
        %swap3A_281 = arith.constant 32 : index
        %swap3A_282 = tpu.vector_load %arg9[%swap3A_280, %swap3A_281] {strides = array<i32>} : memref<256x64xf32, #tpu.memory_space<vmem>>, vector<16xf32>,
        tpu.vector_store %arg9[%swap3A_280, %swap3A_281], %get3A_279 {strides = array<i32>} : memref<256x64xf32, #tpu.memory_space<vmem>>, vector<16xf32>,
        %get3A_283 = arith.index_cast %and3A_264 : i32 to index
        %get3A_284 = arith.constant 48 : index
        %get3A_285 = tpu.vector_load %arg8[%get3A_283, %get3A_284] {strides = array<i32>} : memref<512x64xf32, #tpu.memory_space<vmem>>, vector<16xf32>,
        %swap3A_286 = arith.index_cast %add3A_260 : i32 to index
        %swap3A_287 = arith.constant 48 : index
        %swap3A_288 = tpu.vector_load %arg9[%swap3A_286, %swap3A_287] {strides = array<i32>} : memref<256x64xf32, #tpu.memory_space<vmem>>, vector<16xf32>,
        tpu.vector_store %arg9[%swap3A_286, %swap3A_287], %get3A_285 {strides = array<i32>} : memref<256x64xf32, #tpu.memory_space<vmem>>, vector<16xf32>,
      } else {
      }
      %gt3A_236 = arith.constant 14 : i32
      %gt3A_237 = arith.cmpi sgt, %sub3A_164, %gt3A_236 : i32
      %convert_element_type3A_238 = arith.extui %gt3A_237 : i1 to i32
      %cond3A_239 = arith.constant 0 : i32
      %cond3A_240 = arith.cmpi ne, %convert_element_type3A_238, %cond3A_239 : i32
      scf.if %cond3A_240 {
        %slice3A = vector.extract_strided_slice %get3A_166 {offsets = [14], sizes = [1], strides = [1]} : vector<16xi32> to vector<1xi32>
        %squeeze3A = vector.extract %slice3A[0] : i32 from vector<1xi32>
        %add3A_260 = arith.addi %squeeze3A, %sub3A_162 : i32
        %add3A_261 = arith.constant 14 : i32
        %add3A_262 = arith.addi %while3A_163, %add3A_261 : i32
        %and3A_263 = arith.constant 511 : i32
        %and3A_264 = arith.andi %add3A_262, %and3A_263 : i32
        %get3A_265 = arith.index_cast %and3A_264 : i32 to index
        %get3A_266 = arith.constant 0 : index
        %get3A_267 = tpu.vector_load %arg8[%get3A_265, %get3A_266] {strides = array<i32>} : memref<512x64xf32, #tpu.memory_space<vmem>>, vector<16xf32>,
        %swap3A_268 = arith.index_cast %add3A_260 : i32 to index
        %swap3A_269 = arith.constant 0 : index
        %swap3A_270 = tpu.vector_load %arg9[%swap3A_268, %swap3A_269] {strides = array<i32>} : memref<256x64xf32, #tpu.memory_space<vmem>>, vector<16xf32>,
        tpu.vector_store %arg9[%swap3A_268, %swap3A_269], %get3A_267 {strides = array<i32>} : memref<256x64xf32, #tpu.memory_space<vmem>>, vector<16xf32>,
        %get3A_271 = arith.index_cast %and3A_264 : i32 to index
        %get3A_272 = arith.constant 16 : index
        %get3A_273 = tpu.vector_load %arg8[%get3A_271, %get3A_272] {strides = array<i32>} : memref<512x64xf32, #tpu.memory_space<vmem>>, vector<16xf32>,
        %swap3A_274 = arith.index_cast %add3A_260 : i32 to index
        %swap3A_275 = arith.constant 16 : index
        %swap3A_276 = tpu.vector_load %arg9[%swap3A_274, %swap3A_275] {strides = array<i32>} : memref<256x64xf32, #tpu.memory_space<vmem>>, vector<16xf32>,
        tpu.vector_store %arg9[%swap3A_274, %swap3A_275], %get3A_273 {strides = array<i32>} : memref<256x64xf32, #tpu.memory_space<vmem>>, vector<16xf32>,
        %get3A_277 = arith.index_cast %and3A_264 : i32 to index
        %get3A_278 = arith.constant 32 : index
        %get3A_279 = tpu.vector_load %arg8[%get3A_277, %get3A_278] {strides = array<i32>} : memref<512x64xf32, #tpu.memory_space<vmem>>, vector<16xf32>,
        %swap3A_280 = arith.index_cast %add3A_260 : i32 to index
        %swap3A_281 = arith.constant 32 : index
        %swap3A_282 = tpu.vector_load %arg9[%swap3A_280, %swap3A_281] {strides = array<i32>} : memref<256x64xf32, #tpu.memory_space<vmem>>, vector<16xf32>,
        tpu.vector_store %arg9[%swap3A_280, %swap3A_281], %get3A_279 {strides = array<i32>} : memref<256x64xf32, #tpu.memory_space<vmem>>, vector<16xf32>,
        %get3A_283 = arith.index_cast %and3A_264 : i32 to index
        %get3A_284 = arith.constant 48 : index
        %get3A_285 = tpu.vector_load %arg8[%get3A_283, %get3A_284] {strides = array<i32>} : memref<512x64xf32, #tpu.memory_space<vmem>>, vector<16xf32>,
        %swap3A_286 = arith.index_cast %add3A_260 : i32 to index
        %swap3A_287 = arith.constant 48 : index
        %swap3A_288 = tpu.vector_load %arg9[%swap3A_286, %swap3A_287] {strides = array<i32>} : memref<256x64xf32, #tpu.memory_space<vmem>>, vector<16xf32>,
        tpu.vector_store %arg9[%swap3A_286, %swap3A_287], %get3A_285 {strides = array<i32>} : memref<256x64xf32, #tpu.memory_space<vmem>>, vector<16xf32>,
      } else {
      }
      %gt3A_241 = arith.constant 15 : i32
      %gt3A_242 = arith.cmpi sgt, %sub3A_164, %gt3A_241 : i32
      %convert_element_type3A_243 = arith.extui %gt3A_242 : i1 to i32
      %cond3A_244 = arith.constant 0 : i32
      %cond3A_245 = arith.cmpi ne, %convert_element_type3A_243, %cond3A_244 : i32
      scf.if %cond3A_245 {
        %slice3A = vector.extract_strided_slice %get3A_166 {offsets = [15], sizes = [1], strides = [1]} : vector<16xi32> to vector<1xi32>
        %squeeze3A = vector.extract %slice3A[0] : i32 from vector<1xi32>
        %add3A_260 = arith.addi %squeeze3A, %sub3A_162 : i32
        %add3A_261 = arith.constant 15 : i32
        %add3A_262 = arith.addi %while3A_163, %add3A_261 : i32
        %and3A_263 = arith.constant 511 : i32
        %and3A_264 = arith.andi %add3A_262, %and3A_263 : i32
        %get3A_265 = arith.index_cast %and3A_264 : i32 to index
        %get3A_266 = arith.constant 0 : index
        %get3A_267 = tpu.vector_load %arg8[%get3A_265, %get3A_266] {strides = array<i32>} : memref<512x64xf32, #tpu.memory_space<vmem>>, vector<16xf32>,
        %swap3A_268 = arith.index_cast %add3A_260 : i32 to index
        %swap3A_269 = arith.constant 0 : index
        %swap3A_270 = tpu.vector_load %arg9[%swap3A_268, %swap3A_269] {strides = array<i32>} : memref<256x64xf32, #tpu.memory_space<vmem>>, vector<16xf32>,
        tpu.vector_store %arg9[%swap3A_268, %swap3A_269], %get3A_267 {strides = array<i32>} : memref<256x64xf32, #tpu.memory_space<vmem>>, vector<16xf32>,
        %get3A_271 = arith.index_cast %and3A_264 : i32 to index
        %get3A_272 = arith.constant 16 : index
        %get3A_273 = tpu.vector_load %arg8[%get3A_271, %get3A_272] {strides = array<i32>} : memref<512x64xf32, #tpu.memory_space<vmem>>, vector<16xf32>,
        %swap3A_274 = arith.index_cast %add3A_260 : i32 to index
        %swap3A_275 = arith.constant 16 : index
        %swap3A_276 = tpu.vector_load %arg9[%swap3A_274, %swap3A_275] {strides = array<i32>} : memref<256x64xf32, #tpu.memory_space<vmem>>, vector<16xf32>,
        tpu.vector_store %arg9[%swap3A_274, %swap3A_275], %get3A_273 {strides = array<i32>} : memref<256x64xf32, #tpu.memory_space<vmem>>, vector<16xf32>,
        %get3A_277 = arith.index_cast %and3A_264 : i32 to index
        %get3A_278 = arith.constant 32 : index
        %get3A_279 = tpu.vector_load %arg8[%get3A_277, %get3A_278] {strides = array<i32>} : memref<512x64xf32, #tpu.memory_space<vmem>>, vector<16xf32>,
        %swap3A_280 = arith.index_cast %add3A_260 : i32 to index
        %swap3A_281 = arith.constant 32 : index
        %swap3A_282 = tpu.vector_load %arg9[%swap3A_280, %swap3A_281] {strides = array<i32>} : memref<256x64xf32, #tpu.memory_space<vmem>>, vector<16xf32>,
        tpu.vector_store %arg9[%swap3A_280, %swap3A_281], %get3A_279 {strides = array<i32>} : memref<256x64xf32, #tpu.memory_space<vmem>>, vector<16xf32>,
        %get3A_283 = arith.index_cast %and3A_264 : i32 to index
        %get3A_284 = arith.constant 48 : index
        %get3A_285 = tpu.vector_load %arg8[%get3A_283, %get3A_284] {strides = array<i32>} : memref<512x64xf32, #tpu.memory_space<vmem>>, vector<16xf32>,
        %swap3A_286 = arith.index_cast %add3A_260 : i32 to index
        %swap3A_287 = arith.constant 48 : index
        %swap3A_288 = tpu.vector_load %arg9[%swap3A_286, %swap3A_287] {strides = array<i32>} : memref<256x64xf32, #tpu.memory_space<vmem>>, vector<16xf32>,
        tpu.vector_store %arg9[%swap3A_286, %swap3A_287], %get3A_285 {strides = array<i32>} : memref<256x64xf32, #tpu.memory_space<vmem>>, vector<16xf32>,
      } else {
      }
      %rem3A_246 = arith.constant 2 : i32
      %rem3A_247 = arith.remsi %scan3A_78, %rem3A_246 : i32
      %mul3A_248 = arith.constant 128 : i32
      %mul3A_249 = arith.muli %rem3A_247, %mul3A_248 : i32
      %mul3A_250 = arith.constant 128 : i32
      %mul3A_251 = arith.muli %scan3A_78, %mul3A_250 : i32
      %add3A_252 = arith.addi %mul3A_2, %mul3A_251 : i32
      %dma_start3A = arith.constant 0 : i32
      %dma_start3A_253 = tpu.memref_slice %arg9[%mul3A_249, %dma_start3A] : memref<256x64xf32, #tpu.memory_space<vmem>> -> memref<128x64xf32, #tpu.memory_space<vmem>>
      %dma_start3A_254 = arith.constant 0 : i32
      %dma_start3A_255 = tpu.memref_slice %arg4[%add3A_252, %dma_start3A_254] : memref<819200x64xf32, #tpu.memory_space<hbm>> -> memref<128x64xf32, #tpu.memory_space<hbm>>
      %dma_start3A_256 = arith.constant 0 : i32
      %dma_start3A_257 = tpu.memref_slice %arg4[%add3A_252, %dma_start3A_256] : memref<819200x64xf32, #tpu.memory_space<hbm>> -> memref<128x64xf32, #tpu.memory_space<hbm>>
      %dma_start3A_258 = arith.constant 0 : i32
      %dma_start3A_259 = tpu.memref_slice %arg9[%mul3A_249, %dma_start3A_258] : memref<256x64xf32, #tpu.memory_space<vmem>> -> memref<128x64xf32, #tpu.memory_space<vmem>>
      tpu.enqueue_dma source(%dma_start3A_259 : memref<128x64xf32, #tpu.memory_space<vmem>>) target(%dma_start3A_257 : memref<128x64xf32, #tpu.memory_space<hbm>>) target_semaphore(%arg12 : memref<!tpu.dma_semaphore, #tpu.memory_space<semaphore_mem>>)
      scf.yield %while3A, %while3A_140 : i32, i32
    }
    %scan3A_48 = arith.constant 200 : i32
    %rem3A_49 = arith.constant 198 : i32
    %rem3A_50 = arith.constant 2 : i32
    %rem3A_51 = arith.remsi %rem3A_49, %rem3A_50 : i32
    %mul3A_52 = arith.constant 128 : i32
    %mul3A_53 = arith.muli %rem3A_51, %mul3A_52 : i32
    %add3A_54 = arith.constant 25344 : i32
    %add3A_55 = arith.addi %mul3A_2, %add3A_54 : i32
    %dma_wait3A = arith.constant 0 : i32
    %dma_wait3A_56 = tpu.memref_slice %arg9[%mul3A_53, %dma_wait3A] : memref<256x64xf32, #tpu.memory_space<vmem>> -> memref<128x64xf32, #tpu.memory_space<vmem>>
    %dma_wait3A_57 = arith.constant 0 : i32
    %dma_wait3A_58 = tpu.memref_slice %arg4[%add3A_55, %dma_wait3A_57] : memref<819200x64xf32, #tpu.memory_space<hbm>> -> memref<128x64xf32, #tpu.memory_space<hbm>>
    %dma_wait3A_59 = arith.constant 0 : i32
    %dma_wait3A_60 = tpu.memref_slice %arg4[%add3A_55, %dma_wait3A_59] : memref<819200x64xf32, #tpu.memory_space<hbm>> -> memref<128x64xf32, #tpu.memory_space<hbm>>
    %dma_wait3A_61 = arith.constant 0 : i32
    %dma_wait3A_62 = tpu.memref_slice %arg9[%mul3A_53, %dma_wait3A_61] : memref<256x64xf32, #tpu.memory_space<vmem>> -> memref<128x64xf32, #tpu.memory_space<vmem>>
    tpu.wait_dma2 semaphore(%arg12 : memref<!tpu.dma_semaphore, #tpu.memory_space<semaphore_mem>>) src(%dma_wait3A_62 : memref<128x64xf32, #tpu.memory_space<vmem>>) dst(%dma_wait3A_60 : memref<128x64xf32, #tpu.memory_space<hbm>>)
    %rem3A_63 = arith.constant 199 : i32
    %rem3A_64 = arith.constant 2 : i32
    %rem3A_65 = arith.remsi %rem3A_63, %rem3A_64 : i32
    %mul3A_66 = arith.constant 128 : i32
    %mul3A_67 = arith.muli %rem3A_65, %mul3A_66 : i32
    %add3A_68 = arith.constant 25472 : i32
    %add3A_69 = arith.addi %mul3A_2, %add3A_68 : i32
    %dma_wait3A_70 = arith.constant 0 : i32
    %dma_wait3A_71 = tpu.memref_slice %arg9[%mul3A_67, %dma_wait3A_70] : memref<256x64xf32, #tpu.memory_space<vmem>> -> memref<128x64xf32, #tpu.memory_space<vmem>>
    %dma_wait3A_72 = arith.constant 0 : i32
    %dma_wait3A_73 = tpu.memref_slice %arg4[%add3A_69, %dma_wait3A_72] : memref<819200x64xf32, #tpu.memory_space<hbm>> -> memref<128x64xf32, #tpu.memory_space<hbm>>
    %dma_wait3A_74 = arith.constant 0 : i32
    %dma_wait3A_75 = tpu.memref_slice %arg4[%add3A_69, %dma_wait3A_74] : memref<819200x64xf32, #tpu.memory_space<hbm>> -> memref<128x64xf32, #tpu.memory_space<hbm>>
    %dma_wait3A_76 = arith.constant 0 : i32
    %dma_wait3A_77 = tpu.memref_slice %arg9[%mul3A_67, %dma_wait3A_76] : memref<256x64xf32, #tpu.memory_space<vmem>> -> memref<128x64xf32, #tpu.memory_space<vmem>>
    tpu.wait_dma2 semaphore(%arg12 : memref<!tpu.dma_semaphore, #tpu.memory_space<semaphore_mem>>) src(%dma_wait3A_77 : memref<128x64xf32, #tpu.memory_space<vmem>>) dst(%dma_wait3A_75 : memref<128x64xf32, #tpu.memory_space<hbm>>)
    return
  }
}

</mosaic_0001>

<sc_bundles>
// kernel: kernel.3.cloned.1.call-start
scs
__scs_entry_jumppad:
0x0: {  	(pc) =	sbr.rel $0x88, $3  }
0x1: {  	(tag) =	ssettag $0x0;
	lr =	simm.s32 $0x1  }
0x2: {  	[smem:$0x3F9F] =	sst lr;
	_ =	strace $0xD0000000  }
0x3: {  	_ = 	snop  }
0x4: {  	_ = 	snop  }
0x5: {  	_ = 	snop  }
0x6: {  	_ = 	snop  }
0x7: {  	_ = 	snop  }
__scs_overlays_trampoline_lowered:
0x8: {  	[smem:$0x3FAE] =	sst s0  }
0x9: {  	[smem:$0x3FAF] =	sst s1  }
0xa: {  	[smem:$0x3FB0] =	sst s2  }
0xb: {  	[smem:$0x3FB1] =	sst s3  }
0xc: {  	[smem:$0x3FB2] =	sst s4  }
0xd: {  	[smem:$0x3FB3] =	sst s5  }
0xe: {  	[smem:$0x3FB4] =	sst s6  }
0xf: {  	[smem:$0x3FB5] =	sst s7  }
0x10: {  	[smem:$0x3FB6] =	sst s8  }
0x11: {  	[smem:$0x3FB7] =	sst s9;
	s0 =	simm.s32 @!p0 $0x0  }
0x12: {  	s1 =	sld [smem:$0x3F9D];
	s0 =	simm.s32 @p0 $0x1  }
0x13: {  	[smem:$0x3FB8] =	sst s0;
	s0 =	simm.s32 @!p1 $0x0  }
0x14: {  	s2 =	sld [smem:$0x3F9C];
	s0 =	simm.s32 @p1 $0x1  }
0x15: {  	[smem:$0x3FB9] =	sst s0;
	s0 =	simm.s32 @!p2 $0x0  }
0x16: {  	s3 =	sld [smem:$0x3FDB];
	s0 =	simm.s32 @p2 $0x1  }
0x17: {  	s4 =	simm.s32 $0x1BF5;
	[smem:$0x3FBB] =	sst s0  }
0x18: {  	s0 =	sld [smem:$0x3F9E];
	_ =	swait.ge [sflag:s4], $0x0  }
0x19: {  	s7 =	sld [smem:$0x3F9F]  }
0x1a: {  	s8 =	sadd.s32 $0xFFFFE003, lr  }
0x1b: {  	s9 =	sadd.s32 $0xFFFFFEF7, lr;
	s5 =	simm.s32 $0xFFFFFFFF;
	p2 =	slt.u32 s8, $0xFFFFF086  }
0x1c: {  	p1 =	slt.u32 s9, $0xF7A;
	s5 =	simm.s32 @!p2 $0x0  }
0x1d: {  	s5 =	simm.s32 @p1 $0x1;
	p0 =	seq.s32 s7, s2  }
0x1e: {  	s7 =	smul.u32 @!p0 $0xF7A, s2;
	p2 =	seq.s32 @!p0 s5, $0x0  }
0x1f: {  	s9 =	smul.u32 $0xF7A, s1;
	s8 =	simm.s32 @!p0 $0x1BF5;
	p2 =	por !p2, p0  }
0x20: {  	[sflag:s8] =	ssyncset.s32 @!p0 $0xFFFFF086;
	s6 =	sadd.s32 @!p0 s3, s7;
	s7 =	simm.s32 @!p0 $0x108  }
0x21: {  	s3 =	sadd.s32 s3, s9;
	s6 =	sadd.s32 @!p0 $0x88, s6;
	s7 =	simm.s32 @p2 $0x1082  }
0x22: {  	[simem:s7], [sflag:s8] =	dma.local @!p0 [hbm:s6], $0xF7A  }
0x23: {  	s9 =	sor.u32 $0xD0000000, s2;
	s6 =	simm.s32 $0x108;
	_ =	swait.ge @!p0 [sflag:s8], $0x0  }
0x24: {  	s3 =	sadd.s32 $0x88, s3;
	s6 =	simm.s32 @!p1 $0x1082;
	[sflag:s4] =	ssyncset.s32 $0xFFFFF086  }
0x25: {  	[simem:s6], [sflag:s4] =	dma.local [hbm:s3], $0xF7A  }
0x26: {  	[smem:$0x3F9F] =	sst s1;
	(tag) =	ssettag s2;
	_ =	strace s9  }
0x27: {  	s1 =	sld [smem:$0x3FAF]  }
0x28: {  	s2 =	sld [smem:$0x3FB0]  }
0x29: {  	s4 =	sld [smem:$0x3FB2]  }
0x2a: {  	p0 =	seq.s32 s5, $0x0;
	s5 =	sld [smem:$0x3FB3]  }
0x2b: {  	s6 =	sld [smem:$0x3FB4]  }
0x2c: {  	s7 =	sld [smem:$0x3FB5]  }
0x2d: {  	s3 =	simm.s32 $0x108;
	s8 =	sld [smem:$0x3FB6]  }
0x2e: {  	s3 =	simm.s32 @!p0 $0x1082;
	s9 =	sld [smem:$0x3FB7]  }
0x2f: {  	lr =	sadd.s32 s0, s3;
	s0 =	sld [smem:$0x3FAE]  }
0x30: {  	s3 =	sld [smem:$0x3FB1]  }
0x31: {  	[smem:$0x3FBA] =	sst s10  }
0x32: {  	s10 =	sld [smem:$0x3FB8];
	_ =	sdelay $0x3  }
0x33: {  	p0 =	seq.s32 s10, $0x1;
	s10 =	sld [smem:$0x3FBA];
	_ =	sdelay $0x3  }
0x34: {  	[smem:$0x3FBA] =	sst s10  }
0x35: {  	s10 =	sld [smem:$0x3FB9];
	_ =	sdelay $0x3  }
0x36: {  	p1 =	seq.s32 s10, $0x1;
	s10 =	sld [smem:$0x3FBA];
	_ =	sdelay $0x3  }
0x37: {  	[smem:$0x3FBA] =	sst s10  }
0x38: {  	s10 =	sld [smem:$0x3FBB]  }
0x39: {  	_ = 	snop;
	(pc) =	sbr.ind lr, $3  }
0x3a: {  	_ = 	snop  }
0x3b: {  	_ = 	snop  }
0x3c: {  	p2 =	seq.s32 s10, $0x1;
	s10 =	sld [smem:$0x3FBA]  }
0x3d: {  	_ =	shalt  }
0x3e: {  	_ =	shalt  }
0x3f: {  	_ =	shalt  }
0x40: {  	_ =	shalt  }
0x41: {  	_ =	shalt  }
0x42: {  	_ =	shalt  }
0x43: {  	_ =	shalt  }
0x44: {  	_ =	shalt  }
0x45: {  	_ =	shalt  }
0x46: {  	_ =	shalt  }
0x47: {  	_ =	shalt  }
0x48: {  	_ =	shalt  }
0x49: {  	_ =	shalt  }
0x4a: {  	_ =	shalt  }
0x4b: {  	_ =	shalt  }
0x4c: {  	_ =	shalt  }
0x4d: {  	_ =	shalt  }
0x4e: {  	_ =	shalt  }
0x4f: {  	_ =	shalt  }
0x50: {  	_ =	shalt  }
0x51: {  	_ =	shalt  }
0x52: {  	_ =	shalt  }
0x53: {  	_ =	shalt  }
0x54: {  	_ =	shalt  }
0x55: {  	_ =	shalt  }
0x56: {  	_ =	shalt  }
0x57: {  	_ =	shalt  }
0x58: {  	_ =	shalt  }
0x59: {  	_ =	shalt  }
0x5a: {  	_ =	shalt  }
0x5b: {  	_ =	shalt  }
0x5c: {  	_ =	shalt  }
0x5d: {  	_ =	shalt  }
0x5e: {  	_ =	shalt  }
0x5f: {  	_ =	shalt  }
0x60: {  	_ =	shalt  }
0x61: {  	_ =	shalt  }
0x62: {  	_ =	shalt  }
0x63: {  	_ =	shalt  }
0x64: {  	_ =	shalt  }
0x65: {  	_ =	shalt  }
0x66: {  	_ =	shalt  }
0x67: {  	_ =	shalt  }
0x68: {  	_ =	shalt  }
0x69: {  	_ =	shalt  }
0x6a: {  	_ =	shalt  }
0x6b: {  	_ =	shalt  }
0x6c: {  	_ =	shalt  }
0x6d: {  	_ =	shalt  }
0x6e: {  	_ =	shalt  }
0x6f: {  	_ =	shalt  }
0x70: {  	_ =	shalt  }
0x71: {  	_ =	shalt  }
0x72: {  	_ =	shalt  }
0x73: {  	_ =	shalt  }
0x74: {  	_ =	shalt  }
0x75: {  	_ =	shalt  }
0x76: {  	_ =	shalt  }
0x77: {  	_ =	shalt  }
0x78: {  	_ =	shalt  }
0x79: {  	_ =	shalt  }
0x7a: {  	_ =	shalt  }
0x7b: {  	_ =	shalt  }
0x7c: {  	_ =	shalt  }
0x7d: {  	_ =	shalt  }
0x7e: {  	_ =	shalt  }
0x7f: {  	_ =	shalt  }
0x80: {  	_ =	shalt  }
0x81: {  	_ =	shalt  }
0x82: {  	_ =	shalt  }
0x83: {  	_ =	shalt  }
0x84: {  	_ =	shalt  }
0x85: {  	_ =	shalt  }
0x86: {  	_ =	shalt  }
0x87: {  	_ =	shalt  }
.Lfunc_end0:
.L_simem_size_0:
called_computation.1_lowered:
.L_overlay_start_0:
0x88: {  	s2 =	sld [smem:$0x3FD9]  }
0x89: {  	s3 =	sld [smem:$0x3FFE];
	_ =	sdelay $0x1  }
0x8a: {  	s1 =	srdreg.scid  }
0x8b: {  	s0 =	sand.u32 $0x1, s1  }
0x8c: {  	s17 =	sshll.u32 s0, $0xA;
	s2 =	sadd.s32 s3, s2  }
0x8d: {  	s2 =	sadd.s32 s2, s17  }
0x8e: {  	[smem:$0x3FC6] =	sst s2  }
0x8f: {  	_ = 	snop  }
0x90: {  	s2 =	sld [smem:$0x3FD0];
	(tm) =	ssettm $0x1  }
0x91: {  	s18 =	sld [smem:$0x3FFB];
	_ =	sdelay $0x3  }
0x92: {  	_ =	strace s18  }
0x93: {  	s3 =	sld [smem:$0x3FFC];
	_ =	sdelay $0x3  }
0x94: {  	_ =	strace s3  }
0x95: {  	s3 =	sld [smem:$0x3FFD];
	_ =	sdelay $0x3  }
0x96: {  	_ =	strace s3  }
0x97: {  	_ =	strace $0x8FFFFFFF  }
0x98: {  	s19 =	sld [smem:$0x3FDB];
	_ =	sdelay $0x1  }
0x99: {  	s4 =	simm.s32 $_scs_section_size  }
0x9a: {  	s5 =	simm.s32 $_size__tile_overlayer_lowered;
	s6 =	simm.s32 $_tile_overlayer_lowered  }
0x9b: {  	s22 =	simm.s32 $0x1BFF;
	s21 =	sshll.u32 s6, $0x1;
	s3 =	sadd.s32 s4, s19  }
0x9c: {  	s7 =	simm.s32 $0x0;
	s20 =	sshll.u32 s5, $0x1;
	s5 =	sadd.s32 s21, s3  }
0x9d: {  	[timem:s7], [sflag:s22] =	dma.local [hbm:s5], s20  }
0x9e: {  	_ =	swait.ge [sflag:s22], s20  }
0x9f: {  	s4 =	ssub.s32 $0x0, s20;
	[sflag:s22] =	ssyncset.done $0x0  }
0xa0: {  	[sflag:s22] =	ssyncadd.s32 s4;
	_ =	sdelay $0x1  }
0xa1: {  	s23 =	simm.s32 $0x1B8B  }
0xa2: {  	_ =	swait.ge [sflag:s23], $0x1  }
0xa3: {  	[sflag:s23] =	ssyncset.done $0x0  }
0xa4: {  	s25 =	simm.s32 $0x1B8E;
	s24 =	sld [smem:$0x3FFE];
	[sflag:s23] =	ssyncadd.s32 $0xFFFFFFFF  }
0xa5: {  	s26 =	simm.s32 $execute0_lowered;
	[smem:$0x3FD2] =	sst s25  }
0xa6: {  	s5 =	sshll.u32 s26, $0x1;
	_ =	strace $0x80000046;
	[dreg:$0x1] =	wrdreg $0xFFFFFFFF  }
0xa7: {  	s28 =	simm.s32 $_size_execute0_lowered;
	s3 =	sadd.s32 s3, s5;
	[dreg:$0x0] =	wrdreg $0x0  }
0xa8: {  	s5 =	sshll.u32 s28, $0x1;
	[dreg:$0x2] =	wrdreg s3  }
0xa9: {  	[dreg:$0x3] =	wrdreg s5  }
0xaa: {  	[dreg:$0x4] =	wrdreg $0xC0  }
0xab: {  	_ =	task [dreg:s7], $0x5FFFF  }
0xac: {  	[dreg:$0x1] =	wrdreg $0xFFFFFFFF  }
0xad: {  	[dreg:$0x0] =	wrdreg $0x60  }
0xae: {  	[dreg:$0x2] =	wrdreg s24  }
0xaf: {  	[dreg:$0x3] =	wrdreg s2  }
0xb0: {  	[dreg:$0x4] =	wrdreg $0x9  }
0xb1: {  	_ =	task.clear_ibuf [dreg:s7], $0x5FFFF;
	_ =	strace $0x90000046  }
0xb2: {  	s29 =	simm.s32 $0x9;
	_ =	strace $0x80000048  }
0xb3: {  	_ =	swait.ge [sflag:s29], $0x1  }
0xb4: {  	[sflag:s29] =	ssyncadd.s32 $0xFFFFFFFF  }
0xb5: {  	_ =	strace $0x90000048  }
0xb6: {  	_ =	sfence  }
0xb7: {  	s30 =	sld [smem:$0x0];
	_ =	sdelay $0x2  }
0xb8: {  	s31 =	sshll.u32 s1, $0xD;
	s1 =	sshrl.u32 s1, $0x2  }
0xb9: {  	s3 =	sand.u32 $0x4000, s31;
	s1 =	sadd.s32 s1, s30  }
0xba: {  	s0 =	sor.u32 s3, s0;
	s1 =	sshll.u32 s1, $0x11  }
0xbb: {  	s0 =	sor.u32 s1, s0  }
0xbc: {  	s0 =	sadd.s32 $0x8F2B, s0  }
0xbd: {  	[sflag:s0] =	ssyncadd.remote.s32 $0x1  }
0xbe: {  	_ =	sfence.sel $0xFFFF  }
0xbf: {  	[dreg:$0x0] =	wrdreg $0xFFFFFFFF;
	(pc) =	sbr.abs _section_cstart, $3  }
0xc0: {  	[dreg:$0x1] =	wrdreg $0xFFFFFFFF  }
0xc1: {  	_ =	task.clear_ibuf [dreg:s7], $0x2FFFF;
	_ =	strace $0x9FFFFFFF  }
0xc2: {  	(tm) =	ssettm $0x7FFFFFFF  }
0xc3: {  	_ =	shalt  }
tec
execute0_lowered:
.L_overlay_start_1:
0x0: {  	(tag) =	ssettag $0x1  }
0x1: {  	s1 =	srdreg.scid;
	s0 =	stileid.u32  }
0x2: {  	s6 =	rddreg [dreg:$0x0];
	s5 =	sand.u32 $0x1, s1;
	s31 =	sshll.u32 s0, $0x1  }
0x3: {  	s2 =	rddreg [dreg:$0x1];
	s4 =	simm.s32 $0x0;
	s1 =	sor.u32 s5, s31  }
0x4: {  	s10 =	simm.s32 $0x80;
	s11 =	simm.s32 $0x2;
	s3 =	smul.u32 $0x6400, s1  }
.Ltmp0:
0x5: {  	s12 =	simm.s32 $0x0;
	[smem:$0x7FF] =	sst s4;
	(pc) =	sbr.rel .LBB2_1-.Ltmp0, $4  }
0x6: {  	s8 =	ssub.s32 $0x2, s5;
	s5 =	sadd.s32 $0xF42E00, s6;
	s1 =	rddreg [dreg:$0x2]  }
0x7: {  	_ =	strace $0x80000047;
	s9 =	sshrl.u32 s8, $0x1;
	s7 =	sshrl.u32 s3, $0x3  }
0x8: {  	s8 =	ssub.s32 s8, s9;
	s9 =	simm.s32 $0x1;
	s7 =	sadd.s32 s7, s6  }
0x9: {  	v0 =	vimm.s32 $0x0;
	v1 =	vlaneseq.u32;
	v2 =	vimm.f32 $0.0e+00;
	s6 =	sadd.s32 $0xA00, s7;
	s7 =	smax.u32 s8, $0x1;
	s8 =	simm.s32 $0x3  }
.LBB2_26:
0xa: {  	s12 =	sadd.s32 $0x1, s12  }
0xb: {  	_ =	swait.ge [sflag:s11], $0x2000;
	p0 =	sne.s32 s12, s7  }
.Ltmp1:
0xc: {  	[sflag:s11] =	ssyncset.done $0x0;
	(pc) =	sbr.rel @!p0 .LBB2_27-.Ltmp1, $4  }
0xd: {  	[sflag:s11] =	ssyncadd.s32 $0xFFFFE000  }
0xe: {  	_ =	swait.ge [sflag:s11], $0x2000  }
0xf: {  	[sflag:s11] =	ssyncset.done $0x0  }
0x10: {  	[sflag:s11] =	ssyncadd.s32 $0xFFFFE000  }
.LBB2_1:
0x11: {  	[tilespmem:s4], [sflag:$0x3] =	stream.linear.gather [hbm4b:s6+s4], $0x6400, $0x38;
	[tilespmem:$0x1EC10] =	vst v63  }
0x12: {  	_ =	swait.ge [sflag:s8], $0x6400  }
0x13: {  	[sflag:s8] =	ssyncset.done $0x0  }
0x14: {  	s13 =	simm.s32 $0x0;
	[sflag:s8] =	ssyncadd.s32 $0xFFFF9C00  }
.LBB2_2:
0x15: {  	p0 =	sne.s32 s13, $0x18FC0  }
.Ltmp2:
0x16: {  	_ = 	snop;
	(pc) =	sbr.rel @p0 .LBB2_2-.Ltmp2, $3  }
0x17: {  	_ =	sdelay $0x1  }
0x18: {  	s14 =	sshra.s32 s13, $0x2  }
0x19: {  	s13 =	sadd.s32 $0x40, s13;
	[tilespmem:s14+$0x6400] =	vst v0  }
0x1a: {  	s13 =	simm.s32 $0x40  }
0x1b: {  	v3 =	vld [tilespmem:s13+$0xFFFFFFC0];
	_ =	sdelay $0x4  }
0x1c: {  	vm0 =	vgt.s32 v3, $0xFFFFFFFF;
	vm1 =	vgt.s32 v3, $0x0  }
0x1d: {  	s14 =	simm.s32 $0x0;
	s15 =	simm.s32 $0x0;
	v3 =	vnsel vm1, $0x0, v3;
	v4 =	vmpcnt.ones.xlane vm0  }
0x1e: {  	[tilespmem:s14+$0x6400] =	vst.msk vm0, v3;
	v3 =	vor.u32 s15, v1  }
0x1f: {  	[tilespmem:s14+$0xC800] =	vst.msk vm0, v3;
	(v2sf) =	vpush v4, $0x0  }
0x20: {  	v3 =	vld [tilespmem:s13+$0xFFFFFFD0];
	_ =	sdelay $0x4  }
0x21: {  	vm0 =	vgt.s32 v3, $0xFFFFFFFF  }
0x22: {  	v4 =	vmpcnt.ones.xlane vm0;
	_ =	sdelay $0x1  }
0x23: {  	(v2sf) =	vpush v4, $0x0;
	_ =	sdelay $0x5  }
0x24: {  	vm1 =	vgt.s32 v3, $0x0;
	s18 =	spop (v2sf)  }
0x25: {  	s16 =	simm.s32 $0x10;
	v3 =	vnsel vm1, $0x0, v3;
	s15 =	sadd.s32 $0x0, s18  }
0x26: {  	[tilespmem:s15+$0x6400] =	vst.msk vm0, v3;
	v3 =	vor.u32 s16, v1  }
0x27: {  	[tilespmem:s15+$0xC800] =	vst.msk vm0, v3  }
0x28: {  	v3 =	vld [tilespmem:s13+$0xFFFFFFE0];
	_ =	sdelay $0x4  }
0x29: {  	vm0 =	vgt.s32 v3, $0xFFFFFFFF;
	vm1 =	vgt.s32 v3, $0x0;
	s19 =	spop (v2sf)  }
0x2a: {  	s20 =	simm.s32 $0x20;
	s15 =	sadd.s32 s15, s19;
	v3 =	vnsel vm1, $0x0, v3;
	v4 =	vmpcnt.ones.xlane vm0  }
0x2b: {  	[tilespmem:s15+$0x6400] =	vst.msk vm0, v3;
	v3 =	vor.u32 s20, v1  }
0x2c: {  	[tilespmem:s15+$0xC800] =	vst.msk vm0, v3;
	(v2sf) =	vpush v4, $0x0  }
0x2d: {  	v3 =	vld [tilespmem:s13+$0xFFFFFFF0];
	_ =	sdelay $0x4  }
0x2e: {  	vm0 =	vgt.s32 v3, $0xFFFFFFFF  }
0x2f: {  	v4 =	vmpcnt.ones.xlane vm0;
	_ =	sdelay $0x1  }
0x30: {  	(v2sf) =	vpush v4, $0x0;
	_ =	sdelay $0x5  }
0x31: {  	vm1 =	vgt.s32 v3, $0x0;
	s21 =	spop (v2sf)  }
0x32: {  	s22 =	simm.s32 $0x30;
	v3 =	vnsel vm1, $0x0, v3;
	s15 =	sadd.s32 s15, s21  }
0x33: {  	[tilespmem:s15+$0x6400] =	vst.msk vm0, v3;
	v3 =	vor.u32 s22, v1  }
0x34: {  	[tilespmem:s15+$0xC800] =	vst.msk vm0, v3  }
0x35: {  	v3 =	vld [tilespmem:s13+$0x0];
	_ =	sdelay $0x4  }
0x36: {  	vm0 =	vgt.s32 v3, $0xFFFFFFFF;
	vm1 =	vgt.s32 v3, $0x0;
	s23 =	spop (v2sf)  }
0x37: {  	s24 =	simm.s32 $0x40;
	s15 =	sadd.s32 s15, s23;
	v3 =	vnsel vm1, $0x0, v3;
	v4 =	vmpcnt.ones.xlane vm0  }
0x38: {  	[tilespmem:s15+$0x6400] =	vst.msk vm0, v3;
	v3 =	vor.u32 s24, v1  }
0x39: {  	[tilespmem:s15+$0xC800] =	vst.msk vm0, v3;
	(v2sf) =	vpush v4, $0x0  }
0x3a: {  	v3 =	vld [tilespmem:s13+$0x10];
	_ =	sdelay $0x4  }
0x3b: {  	vm0 =	vgt.s32 v3, $0xFFFFFFFF  }
0x3c: {  	v4 =	vmpcnt.ones.xlane vm0;
	_ =	sdelay $0x1  }
0x3d: {  	(v2sf) =	vpush v4, $0x0;
	_ =	sdelay $0x5  }
0x3e: {  	vm1 =	vgt.s32 v3, $0x0;
	s25 =	spop (v2sf)  }
0x3f: {  	s26 =	simm.s32 $0x50;
	v3 =	vnsel vm1, $0x0, v3;
	s15 =	sadd.s32 s15, s25  }
0x40: {  	[tilespmem:s15+$0x6400] =	vst.msk vm0, v3;
	v3 =	vor.u32 s26, v1  }
0x41: {  	[tilespmem:s15+$0xC800] =	vst.msk vm0, v3  }
0x42: {  	v3 =	vld [tilespmem:s13+$0x20];
	_ =	sdelay $0x4  }
0x43: {  	vm0 =	vgt.s32 v3, $0xFFFFFFFF;
	vm1 =	vgt.s32 v3, $0x0;
	s28 =	spop (v2sf)  }
0x44: {  	s29 =	simm.s32 $0x60;
	s15 =	sadd.s32 s15, s28;
	v3 =	vnsel vm1, $0x0, v3;
	v4 =	vmpcnt.ones.xlane vm0  }
0x45: {  	[tilespmem:s15+$0x6400] =	vst.msk vm0, v3;
	v3 =	vor.u32 s29, v1  }
0x46: {  	[tilespmem:s15+$0xC800] =	vst.msk vm0, v3;
	(v2sf) =	vpush v4, $0x0  }
0x47: {  	v3 =	vld [tilespmem:s13+$0x30];
	_ =	sdelay $0x4  }
0x48: {  	vm0 =	vgt.s32 v3, $0xFFFFFFFF  }
0x49: {  	v4 =	vmpcnt.ones.xlane vm0;
	_ =	sdelay $0x1  }
0x4a: {  	(v2sf) =	vpush v4, $0x0;
	_ =	sdelay $0x5  }
0x4b: {  	vm1 =	vgt.s32 v3, $0x0;
	s30 =	spop (v2sf)  }
0x4c: {  	s31 =	simm.s32 $0x70;
	v3 =	vnsel vm1, $0x0, v3;
	s18 =	sadd.s32 s15, s30  }
0x4d: {  	[tilespmem:s18+$0x6400] =	vst.msk vm0, v3;
	v3 =	vor.u32 s31, v1  }
0x4e: {  	s15 =	simm.s32 $0xC0;
	[tilespmem:s18+$0xC800] =	vst.msk vm0, v3  }
0x4f: {  	v3 =	vld [tilespmem:s15+$0xFFFFFFC0];
	_ =	sdelay $0x3  }
0x50: {  	[smem:s14] =	sst s14;
	s14 =	simm.s32 $0x1  }
0x51: {  	s19 =	simm.s32 $0x170;
	s13 =	simm.s32 $0xF0;
	vm0 =	vgt.s32 v3, $0xFFFFFFFF;
	vm1 =	vgt.s32 v3, $0x0;
	s17 =	spop (v2sf)  }
.LBB2_4:
0x52: {  	s20 =	sadd.s32 $0xFFFFFF90, s13  }
0x53: {  	v3 =	vnsel vm1, $0x0, v3;
	v4 =	vmpcnt.ones.xlane vm0;
	s18 =	sadd.s32 s18, s17;
	s17 =	smov.u32 s19;
	s16 =	sadd.s32 $0x80, s19  }
0x54: {  	p0 =	sne.s32 s19, $0x63F0;
	[smem:s14] =	sst s18;
	[tilespmem:s18+$0x6400] =	vst.msk vm0, v3;
	v3 =	vor.u32 s20, v1  }
0x55: {  	[tilespmem:s18+$0xC800] =	vst.msk vm0, v3;
	(v2sf) =	vpush v4, $0x0  }
0x56: {  	v3 =	vld [tilespmem:s15+$0xFFFFFFD0];
	_ =	sdelay $0x4  }
0x57: {  	vm0 =	vgt.s32 v3, $0xFFFFFFFF;
	vm1 =	vgt.s32 v3, $0x0  }
0x58: {  	v3 =	vnsel vm1, $0x0, v3;
	v4 =	vmpcnt.ones.xlane vm0;
	_ =	sdelay $0x1  }
0x59: {  	(v2sf) =	vpush v4, $0x0;
	_ =	sdelay $0x5  }
0x5a: {  	s19 =	spop (v2sf)  }
0x5b: {  	s18 =	sadd.s32 s18, s19;
	s19 =	sadd.s32 $0xFFFFFFA0, s13  }
0x5c: {  	[tilespmem:s18+$0x6400] =	vst.msk vm0, v3;
	v3 =	vor.u32 s19, v1  }
0x5d: {  	[tilespmem:s18+$0xC800] =	vst.msk vm0, v3  }
0x5e: {  	v3 =	vld [tilespmem:s15+$0xFFFFFFE0];
	_ =	sdelay $0x4  }
0x5f: {  	vm0 =	vgt.s32 v3, $0xFFFFFFFF;
	vm1 =	vgt.s32 v3, $0x0;
	s19 =	spop (v2sf)  }
0x60: {  	s18 =	sadd.s32 s18, s19;
	s19 =	sadd.s32 $0xFFFFFFB0, s13;
	v3 =	vnsel vm1, $0x0, v3;
	v4 =	vmpcnt.ones.xlane vm0  }
0x61: {  	[tilespmem:s18+$0x6400] =	vst.msk vm0, v3;
	v3 =	vor.u32 s19, v1  }
0x62: {  	[tilespmem:s18+$0xC800] =	vst.msk vm0, v3;
	(v2sf) =	vpush v4, $0x0  }
0x63: {  	v3 =	vld [tilespmem:s15+$0xFFFFFFF0];
	_ =	sdelay $0x4  }
0x64: {  	vm0 =	vgt.s32 v3, $0xFFFFFFFF;
	vm1 =	vgt.s32 v3, $0x0  }
0x65: {  	v3 =	vnsel vm1, $0x0, v3;
	v4 =	vmpcnt.ones.xlane vm0;
	_ =	sdelay $0x1  }
0x66: {  	(v2sf) =	vpush v4, $0x0;
	_ =	sdelay $0x5  }
0x67: {  	s19 =	spop (v2sf)  }
0x68: {  	s18 =	sadd.s32 s18, s19;
	s19 =	sadd.s32 $0xFFFFFFC0, s13  }
0x69: {  	[tilespmem:s18+$0x6400] =	vst.msk vm0, v3;
	v3 =	vor.u32 s19, v1  }
0x6a: {  	[tilespmem:s18+$0xC800] =	vst.msk vm0, v3  }
0x6b: {  	v3 =	vld [tilespmem:s15+$0x0];
	_ =	sdelay $0x4  }
0x6c: {  	vm0 =	vgt.s32 v3, $0xFFFFFFFF;
	vm1 =	vgt.s32 v3, $0x0;
	s19 =	spop (v2sf)  }
0x6d: {  	s18 =	sadd.s32 s18, s19;
	s19 =	sadd.s32 $0xFFFFFFD0, s13;
	v3 =	vnsel vm1, $0x0, v3;
	v4 =	vmpcnt.ones.xlane vm0  }
0x6e: {  	[tilespmem:s18+$0x6400] =	vst.msk vm0, v3;
	v3 =	vor.u32 s19, v1  }
0x6f: {  	[tilespmem:s18+$0xC800] =	vst.msk vm0, v3;
	(v2sf) =	vpush v4, $0x0  }
0x70: {  	v3 =	vld [tilespmem:s15+$0x10];
	_ =	sdelay $0x4  }
0x71: {  	vm0 =	vgt.s32 v3, $0xFFFFFFFF;
	vm1 =	vgt.s32 v3, $0x0  }
0x72: {  	v3 =	vnsel vm1, $0x0, v3;
	v4 =	vmpcnt.ones.xlane vm0;
	_ =	sdelay $0x1  }
0x73: {  	(v2sf) =	vpush v4, $0x0;
	_ =	sdelay $0x5  }
0x74: {  	s19 =	spop (v2sf)  }
0x75: {  	s18 =	sadd.s32 s18, s19;
	s19 =	sadd.s32 $0xFFFFFFE0, s13  }
0x76: {  	[tilespmem:s18+$0x6400] =	vst.msk vm0, v3;
	v3 =	vor.u32 s19, v1  }
0x77: {  	[tilespmem:s18+$0xC800] =	vst.msk vm0, v3  }
0x78: {  	v3 =	vld [tilespmem:s15+$0x20];
	_ =	sdelay $0x4  }
0x79: {  	vm0 =	vgt.s32 v3, $0xFFFFFFFF;
	vm1 =	vgt.s32 v3, $0x0;
	s19 =	spop (v2sf)  }
0x7a: {  	s18 =	sadd.s32 s18, s19;
	s19 =	sadd.s32 $0xFFFFFFF0, s13;
	v3 =	vnsel vm1, $0x0, v3;
	v4 =	vmpcnt.ones.xlane vm0  }
0x7b: {  	[tilespmem:s18+$0x6400] =	vst.msk vm0, v3;
	v3 =	vor.u32 s19, v1  }
0x7c: {  	[tilespmem:s18+$0xC800] =	vst.msk vm0, v3;
	(v2sf) =	vpush v4, $0x0  }
0x7d: {  	v3 =	vld [tilespmem:s15+$0x30];
	_ =	sdelay $0x4  }
0x7e: {  	vm0 =	vgt.s32 v3, $0xFFFFFFFF;
	vm1 =	vgt.s32 v3, $0x0  }
0x7f: {  	v3 =	vnsel vm1, $0x0, v3;
	v4 =	vmpcnt.ones.xlane vm0;
	_ =	sdelay $0x1  }
0x80: {  	(v2sf) =	vpush v4, $0x0;
	_ =	sdelay $0x5  }
0x81: {  	s19 =	spop (v2sf)  }
0x82: {  	s18 =	sadd.s32 s18, s19  }
0x83: {  	[tilespmem:s18+$0x6400] =	vst.msk vm0, v3;
	v3 =	vor.u32 s13, v1;
	s13 =	smov.u32 s17  }
0x84: {  	s15 =	sadd.s32 $0x80, s15;
	[tilespmem:s18+$0xC800] =	vst.msk vm0, v3  }
0x85: {  	v3 =	vld [tilespmem:s15+$0xFFFFFFC0]  }
.Ltmp3:
0x86: {  	(pc) =	sbr.rel @p0 .LBB2_4-.Ltmp3, $2  }
0x87: {  	_ =	sdelay $0x2  }
0x88: {  	s14 =	sadd.s32 $0x1, s14;
	s19 =	smov.u32 s16;
	vm0 =	vgt.s32 v3, $0xFFFFFFFF;
	vm1 =	vgt.s32 v3, $0x0;
	s17 =	spop (v2sf)  }
0x89: {  	s19 =	sadd.s32 $0xFFFFFF90, s13;
	v3 =	vnsel vm1, $0x0, v3;
	v4 =	vmpcnt.ones.xlane vm0;
	s16 =	sadd.s32 s18, s17  }
0x8a: {  	[tilespmem:s16+$0x6400] =	vst.msk vm0, v3;
	v3 =	vor.u32 s19, v1  }
0x8b: {  	[tilespmem:s16+$0xC800] =	vst.msk vm0, v3;
	(v2sf) =	vpush v4, $0x0  }
0x8c: {  	v3 =	vld [tilespmem:s15+$0xFFFFFFD0];
	_ =	sdelay $0x4  }
0x8d: {  	vm14 =	vgt.s32 v3, $0xFFFFFFFF  }
0x8e: {  	v58 =	vmpcnt.ones.xlane vm14;
	_ =	sdelay $0x1  }
0x8f: {  	(v2sf) =	vpush v58, $0x0;
	_ =	sdelay $0x5  }
0x90: {  	vm15 =	vgt.s32 v3, $0x0;
	s25 =	spop (v2sf)  }
0x91: {  	s26 =	sadd.s32 $0xFFFFFFA0, s13;
	v3 =	vnsel vm15, $0x0, v3;
	s17 =	sadd.s32 s16, s25  }
0x92: {  	[tilespmem:s17+$0x6400] =	vst.msk vm14, v3;
	v3 =	vor.u32 s26, v1  }
0x93: {  	[tilespmem:s17+$0xC800] =	vst.msk vm14, v3  }
0x94: {  	v3 =	vld [tilespmem:s15+$0xFFFFFFE0];
	_ =	sdelay $0x4  }
0x95: {  	vm4 =	vgt.s32 v3, $0xFFFFFFFF;
	vm5 =	vgt.s32 v3, $0x0;
	s28 =	spop (v2sf)  }
0x96: {  	s29 =	sadd.s32 $0xFFFFFFB0, s13;
	s17 =	sadd.s32 s17, s28;
	v3 =	vnsel vm5, $0x0, v3;
	v59 =	vmpcnt.ones.xlane vm4  }
0x97: {  	[tilespmem:s17+$0x6400] =	vst.msk vm4, v3;
	v3 =	vor.u32 s29, v1  }
0x98: {  	[tilespmem:s17+$0xC800] =	vst.msk vm4, v3;
	(v2sf) =	vpush v59, $0x0  }
0x99: {  	v3 =	vld [tilespmem:s15+$0xFFFFFFF0];
	_ =	sdelay $0x4  }
0x9a: {  	vm6 =	vgt.s32 v3, $0xFFFFFFFF  }
0x9b: {  	v60 =	vmpcnt.ones.xlane vm6;
	_ =	sdelay $0x1  }
0x9c: {  	(v2sf) =	vpush v60, $0x0;
	_ =	sdelay $0x5  }
0x9d: {  	vm7 =	vgt.s32 v3, $0x0;
	s30 =	spop (v2sf)  }
0x9e: {  	s31 =	sadd.s32 $0xFFFFFFC0, s13;
	v3 =	vnsel vm7, $0x0, v3;
	s17 =	sadd.s32 s17, s30  }
0x9f: {  	[tilespmem:s17+$0x6400] =	vst.msk vm6, v3;
	v3 =	vor.u32 s31, v1  }
0xa0: {  	[tilespmem:s17+$0xC800] =	vst.msk vm6, v3  }
0xa1: {  	v3 =	vld [tilespmem:s15+$0x0];
	_ =	sdelay $0x4  }
0xa2: {  	vm8 =	vgt.s32 v3, $0xFFFFFFFF;
	vm9 =	vgt.s32 v3, $0x0;
	s19 =	spop (v2sf)  }
0xa3: {  	s20 =	sadd.s32 $0xFFFFFFD0, s13;
	s17 =	sadd.s32 s17, s19;
	v3 =	vnsel vm9, $0x0, v3;
	v61 =	vmpcnt.ones.xlane vm8  }
0xa4: {  	[tilespmem:s17+$0x6400] =	vst.msk vm8, v3;
	v3 =	vor.u32 s20, v1  }
0xa5: {  	[tilespmem:s17+$0xC800] =	vst.msk vm8, v3;
	(v2sf) =	vpush v61, $0x0  }
0xa6: {  	v3 =	vld [tilespmem:s15+$0x10];
	_ =	sdelay $0x4  }
0xa7: {  	vm10 =	vgt.s32 v3, $0xFFFFFFFF  }
0xa8: {  	v62 =	vmpcnt.ones.xlane vm10;
	_ =	sdelay $0x1  }
0xa9: {  	(v2sf) =	vpush v62, $0x0;
	_ =	sdelay $0x5  }
0xaa: {  	vm11 =	vgt.s32 v3, $0x0;
	s21 =	spop (v2sf)  }
0xab: {  	s22 =	sadd.s32 $0xFFFFFFE0, s13;
	v3 =	vnsel vm11, $0x0, v3;
	s17 =	sadd.s32 s17, s21  }
0xac: {  	[tilespmem:s17+$0x6400] =	vst.msk vm10, v3;
	v3 =	vor.u32 s22, v1  }
0xad: {  	[tilespmem:s17+$0xC800] =	vst.msk vm10, v3  }
0xae: {  	v3 =	vld [tilespmem:s15+$0x20];
	_ =	sdelay $0x4  }
0xaf: {  	vm12 =	vgt.s32 v3, $0x0;
	s23 =	spop (v2sf)  }
0xb0: {  	s24 =	sadd.s32 $0xFFFFFFF0, s13;
	vm13 =	vgt.s32 v3, $0xFFFFFFFF;
	s17 =	sadd.s32 s17, s23;
	v3 =	vnsel vm12, $0x0, v3  }
0xb1: {  	[tilespmem:s17+$0x6400] =	vst.msk vm13, v3;
	v3 =	vor.u32 s24, v1  }
0xb2: {  	[tilespmem:s17+$0xC800] =	vst.msk vm13, v3  }
0xb3: {  	v3 =	vld [tilespmem:s15+$0x30];
	_ =	sdelay $0x4  }
0xb4: {  	v63 =	vmpcnt.ones.xlane vm13;
	vm14 =	vgt.s32 v3, $0xFFFFFFFF  }
0xb5: {  	v5 =	vmpcnt.ones.xlane vm14  }
0xb6: {  	(v2sf) =	vpush v63, $0x0  }
0xb7: {  	(v2sf) =	vpush v5, $0x0;
	_ =	sdelay $0xd  }
0xb8: {  	s25 =	spop (v2sf)  }
0xb9: {  	s15 =	sadd.s32 s17, s25;
	s26 =	spop (v2sf)  }
0xba: {  	s17 =	sadd.s32 s15, s26  }
0xbb: {  	[smem:s14] =	sst s16;
	s28 =	sadd.s32 $0x7F, s17  }
0xbc: {  	s14 =	simm.s32 $0x0;
	s29 =	sand.u32 $0x7F, s28;
	s30 =	sshra.s32 s28, $0x1F  }
.Ltmp4:
0xbd: {  	p1 =	slt.s32 s28, $0x1;
	p0 =	sne.s32 s29, $0x0;
	(pc) =	sbr.rel .LBB2_6-.Ltmp4, $4  }
0xbe: {  	vm15 =	vgt.s32 v3, $0x0;
	[smem:$0xC8] =	sst s17;
	s19 =	sshrl.u32 s30, $0x19;
	p0 =	por !p1, !p0  }
0xbf: {  	v3 =	vnsel vm15, $0x0, v3;
	s18 =	sadd.s32 s19, s28;
	s19 =	simm.s32 $0x1;
	p0 =	por !p0, !p0  }
0xc0: {  	[tilespmem:s15+$0x6400] =	vst.msk vm14, v3;
	v3 =	vor.u32 s13, v1;
	s17 =	simm.s32 $0x0;
	s31 =	sshra.s32 s18, $0x7;
	s19 =	simm.s32 @!p0 $0x0  }
0xc1: {  	[tilespmem:s15+$0xC800] =	vst.msk vm14, v3;
	s18 =	simm.s32 $0x0;
	p0 =	por $0x0, $0x0;
	s13 =	ssub.s32 s31, s19  }
.LBB2_25:
0xc2: {  	p1 =	sne.s32 s16, $0xC8  }
.Ltmp5:
0xc3: {  	s18 =	sadd.s32 s3, s18;
	(pc) =	sbr.rel @!p1 .LBB2_26-.Ltmp5, $4  }
0xc4: {  	s17 =	sshll.u32 s17, $0xD;
	s18 =	sshll.u32 s18, $0x3  }
0xc5: {  	s17 =	sadd.s32 $0x1AC10, s17;
	s18 =	sadd.s32 s2, s18  }
0xc6: {  	[hbm4b:s18+s4] =	stream.linear.scatter [tilespmem:s17], [sflag:$0x2], $0x2000, $0x38;
	[tilespmem:$0x1EC10] =	vst v63  }
0xc7: {  	p0 =	por !p0, !p0;
	s17 =	smov.u32 s15;
	s18 =	smov.u32 s16  }
.LBB2_6:
0xc8: {  	s20 =	sld [smem:s18+$0x0];
	_ =	sdelay $0x2  }
0xc9: {  	s15 =	sand.u32 $0x7F, s20  }
0xca: {  	s16 =	sshra.s32 s20, $0x1F;
	p1 =	slt.s32 s20, $0x1;
	p2 =	sne.s32 s15, $0x0  }
0xcb: {  	s31 =	sshrl.u32 s16, $0x19;
	p1 =	por !p1, !p2  }
0xcc: {  	s16 =	simm.s32 $0x1;
	s15 =	sadd.s32 s31, s20;
	p1 =	por !p1, !p1  }
0xcd: {  	s15 =	sshra.s32 s15, $0x7;
	s16 =	simm.s32 @!p1 $0x0  }
0xce: {  	s15 =	ssub.s32 s15, s16  }
0xcf: {  	s15 =	sadd.s32 $0x4, s15  }
0xd0: {  	p1 =	slt.s32 s13, s15  }
0xd1: {  	s15 =	smov.u32 @p1 s13  }
0xd2: {  	p1 =	sge.s32 s17, s15  }
.Ltmp6:
0xd3: {  	_ = 	snop;
	(pc) =	sbr.rel @p1 .LBB2_7-.Ltmp6, $1  }
0xd4: {  	_ =	sdelay $0x3  }
0xd5: {  	s22 =	sadd.s32 $0x1, s17  }
0xd6: {  	s16 =	sshra.s32 s17, $0x1F;
	p2 =	sne.s32 s15, s22  }
.Ltmp7:
0xd7: {  	s16 =	sshrl.u32 s16, $0x1E;
	(pc) =	sbr.rel @!p2 .LBB2_9-.Ltmp7, $4  }
0xd8: {  	s16 =	sadd.s32 s16, s17  }
0xd9: {  	s19 =	sshll.u32 s17, $0x9;
	s16 =	sand.u32 $0x1FFFC, s16  }
0xda: {  	s19 =	sshra.s32 s19, $0x2;
	s31 =	ssub.s32 s17, s16  }
0xdb: {  	p1 =	por $0x0, $0x0;
	s16 =	sadd.s32 $0x6400, s19;
	s21 =	sshll.u32 s31, $0xF  }
0xdc: {  	s19 =	sshra.s32 s21, $0x2  }
0xdd: {  	s19 =	sadd.s32 $0x12C10, s19  }
0xde: {  	[tilespmem:s19], [sflag:$0x1] =	stream.indirect.gather [hbm4b:s5+s10], $0x40, s16, s10, $0xb8;
	[tilespmem:$0x1EC10] =	vst v63  }
0xdf: {  	s19 =	sadd.s32 $0x1, s22  }
0xe0: {  	s17 =	sshra.s32 s22, $0x1F;
	p2 =	sne.s32 s15, s19  }
.Ltmp8:
0xe1: {  	s17 =	sshrl.u32 s17, $0x1E;
	(pc) =	sbr.rel @!p2 .LBB2_11-.Ltmp8, $4  }
0xe2: {  	s17 =	sadd.s32 s17, s22  }
0xe3: {  	s17 =	sand.u32 $0x1FFFC, s17  }
0xe4: {  	s17 =	ssub.s32 s22, s17  }
0xe5: {  	p1 =	por $0x1, $0x1;
	s21 =	sshll.u32 s17, $0xF;
	s17 =	smov.u32 s16  }
.LBB2_12:
0xe6: {  	s22 =	sshra.s32 s19, $0x1F;
	s21 =	sshra.s32 s21, $0x2  }
0xe7: {  	s23 =	smov.u32 s19;
	s17 =	sadd.s32 $0x80, s17;
	s19 =	sadd.s32 $0x1, s19  }
0xe8: {  	s22 =	sshrl.u32 s22, $0x1E;
	s21 =	sadd.s32 $0x12C10, s21;
	p2 =	sne.s32 s15, s19  }
0xe9: {  	[tilespmem:s21], [sflag:$0x1] =	stream.indirect.gather [hbm4b:s5+s10], $0x40, s17, s10, $0xb8;
	[tilespmem:$0x1EC10] =	vst v63  }
.Ltmp9:
0xea: {  	_ = 	snop;
	(pc) =	sbr.rel @p2 .LBB2_12-.Ltmp9, $4  }
0xeb: {  	s21 =	sadd.s32 s22, s23  }
0xec: {  	s21 =	sand.u32 $0x1FFFC, s21  }
0xed: {  	s21 =	ssub.s32 s23, s21  }
0xee: {  	s21 =	sshll.u32 s21, $0xF  }
.LBB2_13:
.Ltmp10:
0xef: {  	(pc) =	sbr.rel .LBB2_14-.Ltmp10, $4  }
0xf0: {  	_ = 	snop  }
0xf1: {  	s19 =	sshra.s32 s21, $0x2;
	s17 =	sadd.s32 @p1 $0x80, s17  }
0xf2: {  	s19 =	sadd.s32 $0x12C10, s19;
	s16 =	smov.u32 @p1 s17  }
0xf3: {  	[tilespmem:s19], [sflag:$0x1] =	stream.indirect.gather [hbm4b:s5+s10], $0x40, s16, s10, $0xb8;
	[tilespmem:$0x1EC10] =	vst v63  }
.LBB2_7:
0xf4: {  	s15 =	smov.u32 s17  }
.LBB2_14:
0xf5: {  	s21 =	sld [smem:s18+$0x1];
	_ =	sdelay $0x2  }
0xf6: {  	s16 =	sadd.s32 $0x7F, s21  }
0xf7: {  	s17 =	sand.u32 $0x7F, s16  }
0xf8: {  	s19 =	sshra.s32 s16, $0x1F;
	p1 =	slt.s32 s16, $0x1;
	p2 =	sne.s32 s17, $0x0  }
0xf9: {  	s31 =	sshrl.u32 s19, $0x19;
	p1 =	por !p1, !p2  }
0xfa: {  	s19 =	simm.s32 $0x1;
	s16 =	sadd.s32 s31, s16;
	p1 =	por !p1, !p1  }
0xfb: {  	s17 =	sshra.s32 s16, $0x7;
	s19 =	simm.s32 @!p1 $0x0  }
0xfc: {  	s16 =	ssub.s32 s17, s19  }
0xfd: {  	p2 =	sge.s32 s14, s16  }
.Ltmp11:
0xfe: {  	_ = 	snop;
	(pc) =	sbr.rel @p2 .LBB2_18-.Ltmp11, $1  }
0xff: {  	_ =	sdelay $0x3  }
0x100: {  	s19 =	simm.s32 $0xFFFFFFFF  }
0x101: {  	s19 =	simm.s32 @!p1 $0x0  }
0x102: {  	s17 =	sadd.s32 s19, s17  }
0x103: {  	s14 =	ssub.s32 s17, s14  }
0x104: {  	p1 =	sne.s32 s14, $0x1  }
.Ltmp12:
0x105: {  	_ = 	snop;
	(pc) =	sbr.rel @!p1 .LBB2_17-.Ltmp12, $3  }
0x106: {  	_ =	sdelay $0x1  }
0x107: {  	_ =	swait.ge [sflag:s9], $0x2000  }
0x108: {  	[sflag:s9] =	ssyncset.done $0x0;
	s14 =	sadd.s32 $0xFFFFFFFF, s14  }
.LBB2_16:
0x109: {  	p1 =	sne.s32 s14, $0x1;
	s14 =	sadd.s32 $0xFFFFFFFF, s14;
	[sflag:s9] =	ssyncadd.s32 $0xFFFFE000  }
.Ltmp13:
0x10a: {  	(pc) =	sbr.rel @p1 .LBB2_16-.Ltmp13, $3  }
0x10b: {  	_ =	sdelay $0x1  }
0x10c: {  	_ =	swait.ge [sflag:s9], $0x2000  }
0x10d: {  	[sflag:s9] =	ssyncset.done $0x0  }
.LBB2_17:
0x10e: {  	[sflag:s9] =	ssyncadd.s32 $0xFFFFE000;
	s14 =	smov.u32 s16  }
.LBB2_18:
0x10f: {  	s16 =	simm.s32 $0x1  }
0x110: {  	s16 =	simm.s32 @!p0 $0x0  }
0x111: {  	s16 =	sshll.u32 s16, $0xD  }
0x112: {  	s16 =	sadd.s32 $0x1AC30, s16  }
0x113: {  	p1 =	slt.u32 s18, $0x2;
	v3 =	vmov s16  }
0x114: {  	s16 =	simm.s32 @!p1 $0x2  }
0x115: {  	_ =	swait.ge @!p1 [sflag:s16], $0x2000  }
0x116: {  	[sflag:s16] =	ssyncset.done @!p1 $0x0  }
0x117: {  	s19 =	simm.s32 $0x0;
	[sflag:s16] =	ssyncadd.s32 @!p1 $0xFFFFE000  }
0x118: {  	[tilespmem:v3+s19+$0xFFFFFFE0 ss:$0x1] =	vst.idx.msk $0xffff, v2  }
0x119: {  	s17 =	sand.u32 $0x1, s18;
	[tilespmem:v3+s19+$0xFFFFFFF0 ss:$0x1] =	vst.idx.msk $0xffff, v2  }
0x11a: {  	s23 =	simm.s32 $0x100;
	s22 =	sshll.u32 s17, $0x7;
	s16 =	sadd.s32 $0x1, s18;
	[tilespmem:v3+s19+$0x0 ss:$0x1] =	vst.idx.msk $0xffff, v2  }
.LBB2_19:
0x11b: {  	[tilespmem:v3+s19+$0x10 ss:$0x1] =	vst.idx.msk $0xffff, v2;
	s19 =	sshra.s32 s23, $0x2;
	p1 =	sne.s32 s23, $0x7F00  }
.Ltmp14:
0x11c: {  	[tilespmem:v3+s19+$0xFFFFFFE0 ss:$0x1] =	vst.idx.msk $0xffff, v2;
	(pc) =	sbr.rel @p1 .LBB2_19-.Ltmp14, $3  }
0x11d: {  	_ =	sdelay $0x1  }
0x11e: {  	[tilespmem:v3+s19+$0xFFFFFFF0 ss:$0x1] =	vst.idx.msk $0xffff, v2  }
0x11f: {  	s23 =	sadd.s32 $0x100, s23;
	[tilespmem:v3+s19+$0x0 ss:$0x1] =	vst.idx.msk $0xffff, v2  }
0x120: {  	s23 =	sadd.s32 $0x10, s20  }
0x121: {  	p1 =	sgt.s32 s23, s21  }
.Ltmp15:
0x122: {  	_ = 	snop;
	(pc) =	sbr.rel @p1 .LBB2_23-.Ltmp15, $3  }
0x123: {  	_ =	sdelay $0x1  }
0x124: {  	s18 =	sshll.u32 s18, $0x7  }
0x125: {  	[tilespmem:v3+s19+$0x10 ss:$0x1] =	vst.idx.msk $0xffff, v2;
	s19 =	ssub.s32 s22, s18  }
0x126: {  	s22 =	sshll.u32 s20, $0x2  }
0x127: {  	s23 =	sshll.u32 s20, $0x6;
	s22 =	sshra.s32 s22, $0x2  }
0x128: {  	s23 =	sadd.s32 $0x3C0, s23;
	s22 =	sadd.s32 $0xC800, s22  }
.LBB2_22:
0x129: {  	v3 =	vld [tilespmem:s22+$0x0];
	_ =	sdelay $0x4  }
0x12a: {  	v3 =	vadd.s32 s19, v3  }
0x12b: {  	v3 =	vshll.u32 v3, $0x8  }
0x12c: {  	v3 =	vshra.s32 v3, $0x2  }
0x12d: {  	(v2sf) =	vpush v3, $0x0;
	_ =	sdelay $0x8  }
0x12e: {  	s24 =	sadd.s32 $0xFFFFFC40, s23  }
0x12f: {  	s24 =	sand.u32 $0x7FC0, s24  }
0x130: {  	v4 =	vld [tilespmem:s24+$0x12C10];
	_ =	sdelay $0x3  }
0x131: {  	s25 =	spop (v2sf)  }
0x132: {  	[tilespmem:s25+$0x1AC10] =	vst v4  }
0x133: {  	v4 =	vld [tilespmem:s24+$0x12C20];
	_ =	sdelay $0x4  }
0x134: {  	[tilespmem:s25+$0x1AC20] =	vst v4  }
0x135: {  	v4 =	vld [tilespmem:s24+$0x12C30]  }
0x136: {  	(v2sf) =	vpush v3, $0x1;
	_ =	sdelay $0x3  }
0x137: {  	[tilespmem:s25+$0x1AC30] =	vst v4  }
0x138: {  	v4 =	vld [tilespmem:s24+$0x12C40];
	_ =	sdelay $0x3  }
0x139: {  	s31 =	sadd.s32 $0xFFFFFC80, s23  }
0x13a: {  	s24 =	sand.u32 $0x7FC0, s31;
	[tilespmem:s25+$0x1AC40] =	vst v4  }
0x13b: {  	v4 =	vld [tilespmem:s24+$0x12C10];
	_ =	sdelay $0x3  }
0x13c: {  	s26 =	spop (v2sf)  }
0x13d: {  	[tilespmem:s26+$0x1AC10] =	vst v4  }
0x13e: {  	v4 =	vld [tilespmem:s24+$0x12C20];
	_ =	sdelay $0x4  }
0x13f: {  	[tilespmem:s26+$0x1AC20] =	vst v4  }
0x140: {  	v4 =	vld [tilespmem:s24+$0x12C30]  }
0x141: {  	(v2sf) =	vpush v3, $0x2;
	_ =	sdelay $0x3  }
0x142: {  	[tilespmem:s26+$0x1AC30] =	vst v4  }
0x143: {  	v4 =	vld [tilespmem:s24+$0x12C40];
	_ =	sdelay $0x3  }
0x144: {  	s28 =	sadd.s32 $0xFFFFFCC0, s23  }
0x145: {  	s24 =	sand.u32 $0x7FC0, s28;
	[tilespmem:s26+$0x1AC40] =	vst v4  }
0x146: {  	v4 =	vld [tilespmem:s24+$0x12C10];
	_ =	sdelay $0x3  }
0x147: {  	s29 =	spop (v2sf)  }
0x148: {  	[tilespmem:s29+$0x1AC10] =	vst v4  }
0x149: {  	v4 =	vld [tilespmem:s24+$0x12C20];
	_ =	sdelay $0x4  }
0x14a: {  	[tilespmem:s29+$0x1AC20] =	vst v4  }
0x14b: {  	v4 =	vld [tilespmem:s24+$0x12C30]  }
0x14c: {  	(v2sf) =	vpush v3, $0x3;
	_ =	sdelay $0x3  }
0x14d: {  	[tilespmem:s29+$0x1AC30] =	vst v4  }
0x14e: {  	v4 =	vld [tilespmem:s24+$0x12C40];
	_ =	sdelay $0x3  }
0x14f: {  	s30 =	sadd.s32 $0xFFFFFD00, s23  }
0x150: {  	s24 =	sand.u32 $0x7FC0, s30;
	[tilespmem:s29+$0x1AC40] =	vst v4  }
0x151: {  	v4 =	vld [tilespmem:s24+$0x12C10];
	_ =	sdelay $0x3  }
0x152: {  	s31 =	spop (v2sf)  }
0x153: {  	[tilespmem:s31+$0x1AC10] =	vst v4  }
0x154: {  	v4 =	vld [tilespmem:s24+$0x12C20];
	_ =	sdelay $0x4  }
0x155: {  	[tilespmem:s31+$0x1AC20] =	vst v4  }
0x156: {  	v4 =	vld [tilespmem:s24+$0x12C30]  }
0x157: {  	(v2sf) =	vpush v3, $0x4;
	_ =	sdelay $0x3  }
0x158: {  	[tilespmem:s31+$0x1AC30] =	vst v4  }
0x159: {  	v4 =	vld [tilespmem:s24+$0x12C40];
	_ =	sdelay $0x3  }
0x15a: {  	s26 =	sadd.s32 $0xFFFFFD40, s23  }
0x15b: {  	s24 =	sand.u32 $0x7FC0, s26;
	[tilespmem:s31+$0x1AC40] =	vst v4  }
0x15c: {  	v4 =	vld [tilespmem:s24+$0x12C10];
	_ =	sdelay $0x3  }
0x15d: {  	s28 =	spop (v2sf)  }
0x15e: {  	[tilespmem:s28+$0x1AC10] =	vst v4  }
0x15f: {  	v4 =	vld [tilespmem:s24+$0x12C20];
	_ =	sdelay $0x4  }
0x160: {  	[tilespmem:s28+$0x1AC20] =	vst v4  }
0x161: {  	v4 =	vld [tilespmem:s24+$0x12C30]  }
0x162: {  	(v2sf) =	vpush v3, $0x5;
	_ =	sdelay $0x3  }
0x163: {  	[tilespmem:s28+$0x1AC30] =	vst v4  }
0x164: {  	v4 =	vld [tilespmem:s24+$0x12C40];
	_ =	sdelay $0x3  }
0x165: {  	s29 =	sadd.s32 $0xFFFFFD80, s23  }
0x166: {  	s24 =	sand.u32 $0x7FC0, s29;
	[tilespmem:s28+$0x1AC40] =	vst v4  }
0x167: {  	v4 =	vld [tilespmem:s24+$0x12C10];
	_ =	sdelay $0x3  }
0x168: {  	s30 =	spop (v2sf)  }
0x169: {  	[tilespmem:s30+$0x1AC10] =	vst v4  }
0x16a: {  	v4 =	vld [tilespmem:s24+$0x12C20];
	_ =	sdelay $0x4  }
0x16b: {  	[tilespmem:s30+$0x1AC20] =	vst v4  }
0x16c: {  	v4 =	vld [tilespmem:s24+$0x12C30]  }
0x16d: {  	(v2sf) =	vpush v3, $0x6;
	_ =	sdelay $0x3  }
0x16e: {  	[tilespmem:s30+$0x1AC30] =	vst v4  }
0x16f: {  	v4 =	vld [tilespmem:s24+$0x12C40];
	_ =	sdelay $0x3  }
0x170: {  	s31 =	sadd.s32 $0xFFFFFDC0, s23  }
0x171: {  	s24 =	sand.u32 $0x7FC0, s31;
	[tilespmem:s30+$0x1AC40] =	vst v4  }
0x172: {  	v4 =	vld [tilespmem:s24+$0x12C10];
	_ =	sdelay $0x3  }
0x173: {  	s26 =	spop (v2sf)  }
0x174: {  	[tilespmem:s26+$0x1AC10] =	vst v4  }
0x175: {  	v4 =	vld [tilespmem:s24+$0x12C20];
	_ =	sdelay $0x4  }
0x176: {  	[tilespmem:s26+$0x1AC20] =	vst v4  }
0x177: {  	v4 =	vld [tilespmem:s24+$0x12C30]  }
0x178: {  	(v2sf) =	vpush v3, $0x7;
	_ =	sdelay $0x3  }
0x179: {  	[tilespmem:s26+$0x1AC30] =	vst v4  }
0x17a: {  	v4 =	vld [tilespmem:s24+$0x12C40];
	_ =	sdelay $0x3  }
0x17b: {  	s28 =	sadd.s32 $0xFFFFFE00, s23  }
0x17c: {  	s24 =	sand.u32 $0x7FC0, s28;
	[tilespmem:s26+$0x1AC40] =	vst v4  }
0x17d: {  	v4 =	vld [tilespmem:s24+$0x12C10];
	_ =	sdelay $0x3  }
0x17e: {  	s29 =	spop (v2sf)  }
0x17f: {  	[tilespmem:s29+$0x1AC10] =	vst v4  }
0x180: {  	v4 =	vld [tilespmem:s24+$0x12C20];
	_ =	sdelay $0x4  }
0x181: {  	[tilespmem:s29+$0x1AC20] =	vst v4  }
0x182: {  	v4 =	vld [tilespmem:s24+$0x12C30]  }
0x183: {  	(v2sf) =	vpush v3, $0x8;
	_ =	sdelay $0x3  }
0x184: {  	[tilespmem:s29+$0x1AC30] =	vst v4  }
0x185: {  	v4 =	vld [tilespmem:s24+$0x12C40];
	_ =	sdelay $0x3  }
0x186: {  	s30 =	sadd.s32 $0xFFFFFE40, s23  }
0x187: {  	s24 =	sand.u32 $0x7FC0, s30;
	[tilespmem:s29+$0x1AC40] =	vst v4  }
0x188: {  	v4 =	vld [tilespmem:s24+$0x12C10];
	_ =	sdelay $0x3  }
0x189: {  	s31 =	spop (v2sf)  }
0x18a: {  	[tilespmem:s31+$0x1AC10] =	vst v4  }
0x18b: {  	v4 =	vld [tilespmem:s24+$0x12C20];
	_ =	sdelay $0x4  }
0x18c: {  	[tilespmem:s31+$0x1AC20] =	vst v4  }
0x18d: {  	v4 =	vld [tilespmem:s24+$0x12C30]  }
0x18e: {  	(v2sf) =	vpush v3, $0x9;
	_ =	sdelay $0x3  }
0x18f: {  	[tilespmem:s31+$0x1AC30] =	vst v4  }
0x190: {  	v4 =	vld [tilespmem:s24+$0x12C40];
	_ =	sdelay $0x3  }
0x191: {  	s26 =	sadd.s32 $0xFFFFFE80, s23  }
0x192: {  	s24 =	sand.u32 $0x7FC0, s26;
	[tilespmem:s31+$0x1AC40] =	vst v4  }
0x193: {  	v4 =	vld [tilespmem:s24+$0x12C10];
	_ =	sdelay $0x3  }
0x194: {  	s28 =	spop (v2sf)  }
0x195: {  	[tilespmem:s28+$0x1AC10] =	vst v4  }
0x196: {  	v4 =	vld [tilespmem:s24+$0x12C20];
	_ =	sdelay $0x4  }
0x197: {  	[tilespmem:s28+$0x1AC20] =	vst v4  }
0x198: {  	v4 =	vld [tilespmem:s24+$0x12C30]  }
0x199: {  	(v2sf) =	vpush v3, $0xA;
	_ =	sdelay $0x3  }
0x19a: {  	[tilespmem:s28+$0x1AC30] =	vst v4  }
0x19b: {  	v4 =	vld [tilespmem:s24+$0x12C40];
	_ =	sdelay $0x3  }
0x19c: {  	s29 =	sadd.s32 $0xFFFFFEC0, s23  }
0x19d: {  	s24 =	sand.u32 $0x7FC0, s29;
	[tilespmem:s28+$0x1AC40] =	vst v4  }
0x19e: {  	v4 =	vld [tilespmem:s24+$0x12C10];
	_ =	sdelay $0x3  }
0x19f: {  	s30 =	spop (v2sf)  }
0x1a0: {  	[tilespmem:s30+$0x1AC10] =	vst v4  }
0x1a1: {  	v4 =	vld [tilespmem:s24+$0x12C20];
	_ =	sdelay $0x4  }
0x1a2: {  	[tilespmem:s30+$0x1AC20] =	vst v4  }
0x1a3: {  	v4 =	vld [tilespmem:s24+$0x12C30]  }
0x1a4: {  	(v2sf) =	vpush v3, $0xB;
	_ =	sdelay $0x3  }
0x1a5: {  	[tilespmem:s30+$0x1AC30] =	vst v4  }
0x1a6: {  	v4 =	vld [tilespmem:s24+$0x12C40];
	_ =	sdelay $0x3  }
0x1a7: {  	s31 =	sadd.s32 $0xFFFFFF00, s23  }
0x1a8: {  	s24 =	sand.u32 $0x7FC0, s31;
	[tilespmem:s30+$0x1AC40] =	vst v4  }
0x1a9: {  	v4 =	vld [tilespmem:s24+$0x12C10];
	_ =	sdelay $0x3  }
0x1aa: {  	s26 =	spop (v2sf)  }
0x1ab: {  	[tilespmem:s26+$0x1AC10] =	vst v4  }
0x1ac: {  	v4 =	vld [tilespmem:s24+$0x12C20];
	_ =	sdelay $0x4  }
0x1ad: {  	[tilespmem:s26+$0x1AC20] =	vst v4  }
0x1ae: {  	v4 =	vld [tilespmem:s24+$0x12C30]  }
0x1af: {  	(v2sf) =	vpush v3, $0xC;
	_ =	sdelay $0x3  }
0x1b0: {  	[tilespmem:s26+$0x1AC30] =	vst v4  }
0x1b1: {  	v4 =	vld [tilespmem:s24+$0x12C40];
	_ =	sdelay $0x3  }
0x1b2: {  	s28 =	sadd.s32 $0xFFFFFF40, s23  }
0x1b3: {  	s24 =	sand.u32 $0x7FC0, s28;
	[tilespmem:s26+$0x1AC40] =	vst v4  }
0x1b4: {  	v4 =	vld [tilespmem:s24+$0x12C10];
	_ =	sdelay $0x3  }
0x1b5: {  	s29 =	spop (v2sf)  }
0x1b6: {  	[tilespmem:s29+$0x1AC10] =	vst v4  }
0x1b7: {  	v4 =	vld [tilespmem:s24+$0x12C20];
	_ =	sdelay $0x4  }
0x1b8: {  	[tilespmem:s29+$0x1AC20] =	vst v4  }
0x1b9: {  	v4 =	vld [tilespmem:s24+$0x12C30]  }
0x1ba: {  	(v2sf) =	vpush v3, $0xD;
	_ =	sdelay $0x3  }
0x1bb: {  	[tilespmem:s29+$0x1AC30] =	vst v4  }
0x1bc: {  	v4 =	vld [tilespmem:s24+$0x12C40];
	_ =	sdelay $0x3  }
0x1bd: {  	s30 =	sadd.s32 $0xFFFFFF80, s23  }
0x1be: {  	s24 =	sand.u32 $0x7FC0, s30;
	[tilespmem:s29+$0x1AC40] =	vst v4  }
0x1bf: {  	v4 =	vld [tilespmem:s24+$0x12C10];
	_ =	sdelay $0x3  }
0x1c0: {  	s31 =	spop (v2sf)  }
0x1c1: {  	[tilespmem:s31+$0x1AC10] =	vst v4  }
0x1c2: {  	v4 =	vld [tilespmem:s24+$0x12C20];
	_ =	sdelay $0x4  }
0x1c3: {  	[tilespmem:s31+$0x1AC20] =	vst v4  }
0x1c4: {  	v4 =	vld [tilespmem:s24+$0x12C30]  }
0x1c5: {  	(v2sf) =	vpush v3, $0xE;
	_ =	sdelay $0x3  }
0x1c6: {  	[tilespmem:s31+$0x1AC30] =	vst v4  }
0x1c7: {  	v4 =	vld [tilespmem:s24+$0x12C40];
	_ =	sdelay $0x3  }
0x1c8: {  	s26 =	sadd.s32 $0xFFFFFFC0, s23  }
0x1c9: {  	s24 =	sand.u32 $0x7FC0, s26;
	[tilespmem:s31+$0x1AC40] =	vst v4  }
0x1ca: {  	v4 =	vld [tilespmem:s24+$0x12C10];
	_ =	sdelay $0x3  }
0x1cb: {  	s28 =	spop (v2sf)  }
0x1cc: {  	[tilespmem:s28+$0x1AC10] =	vst v4  }
0x1cd: {  	v4 =	vld [tilespmem:s24+$0x12C20];
	_ =	sdelay $0x4  }
0x1ce: {  	[tilespmem:s28+$0x1AC20] =	vst v4  }
0x1cf: {  	v4 =	vld [tilespmem:s24+$0x12C30]  }
0x1d0: {  	(v2sf) =	vpush v3, $0xF;
	_ =	sdelay $0x3  }
0x1d1: {  	[tilespmem:s28+$0x1AC30] =	vst v4  }
0x1d2: {  	v3 =	vld [tilespmem:s24+$0x12C40];
	_ =	sdelay $0x4  }
0x1d3: {  	s29 =	sand.u32 $0x7FC0, s23;
	[tilespmem:s28+$0x1AC40] =	vst v3  }
0x1d4: {  	v3 =	vld [tilespmem:s29+$0x12C10];
	_ =	sdelay $0x3  }
0x1d5: {  	s30 =	spop (v2sf)  }
0x1d6: {  	[tilespmem:s30+$0x1AC10] =	vst v3  }
0x1d7: {  	v3 =	vld [tilespmem:s29+$0x12C20];
	_ =	sdelay $0x4  }
0x1d8: {  	[tilespmem:s30+$0x1AC20] =	vst v3  }
0x1d9: {  	v3 =	vld [tilespmem:s29+$0x12C30];
	_ =	sdelay $0x4  }
0x1da: {  	s31 =	sadd.s32 $0x20, s20;
	[tilespmem:s30+$0x1AC30] =	vst v3  }
0x1db: {  	p1 =	sle.s32 s31, s21;
	v3 =	vld [tilespmem:s29+$0x12C40]  }
.Ltmp16:
0x1dc: {  	_ = 	snop;
	(pc) =	sbr.rel @p1 .LBB2_22-.Ltmp16, $2  }
0x1dd: {  	_ =	sdelay $0x2  }
0x1de: {  	s22 =	sadd.s32 $0x10, s22;
	s23 =	sadd.s32 $0x400, s23;
	s20 =	sadd.s32 $0x10, s20;
	[tilespmem:s30+$0x1AC40] =	vst v3  }
.LBB2_23:
0x1df: {  	v3 =	vld [tilespmem:s20+$0xC800];
	_ =	sdelay $0x2  }
0x1e0: {  	s21 =	ssub.s32 s21, s20  }
0x1e1: {  	p2 =	slt.s32 s21, $0x1  }
0x1e2: {  	(v2sf) =	vpush @!p2 v3, $0x0;
	_ =	sdelay $0xb  }
0x1e3: {  	s20 =	sshll.u32 @!p2 s20, $0x6  }
0x1e4: {  	s22 =	sand.u32 @!p2 $0x7FC0, s20  }
0x1e5: {  	v4 =	vld @!p2 [tilespmem:s22+$0x12C10]  }
0x1e6: {  	s23 =	spop @!p2 (v2sf)  }
0x1e7: {  	s23 =	sadd.s32 @!p2 s19, s23  }
0x1e8: {  	s23 =	sshll.u32 @!p2 s23, $0x8  }
0x1e9: {  	s23 =	sshra.s32 @!p2 s23, $0x2  }
0x1ea: {  	[tilespmem:s23+$0x1AC10] =	vst @!p2 v4  }
0x1eb: {  	v4 =	vld @!p2 [tilespmem:s22+$0x12C20];
	_ =	sdelay $0x1  }
0x1ec: {  	p1 =	seq.s32 @!p2 s21, $0x1  }
0x1ed: {  	p1 =	por p2, p1  }
0x1ee: {  	(v2sf) =	vpush @!p1 v3, $0x1  }
0x1ef: {  	[tilespmem:s23+$0x1AC20] =	vst @!p2 v4  }
0x1f0: {  	v4 =	vld @!p2 [tilespmem:s22+$0x12C30];
	_ =	sdelay $0x4  }
0x1f1: {  	[tilespmem:s23+$0x1AC30] =	vst @!p2 v4  }
0x1f2: {  	v4 =	vld @!p2 [tilespmem:s22+$0x12C40];
	_ =	sdelay $0x3  }
0x1f3: {  	s22 =	sadd.s32 @!p1 $0x40, s20  }
0x1f4: {  	s22 =	sand.u32 @!p1 $0x7FC0, s22;
	[tilespmem:s23+$0x1AC40] =	vst @!p2 v4  }
0x1f5: {  	v4 =	vld @!p1 [tilespmem:s22+$0x12C10]  }
0x1f6: {  	s23 =	spop @!p1 (v2sf)  }
0x1f7: {  	s23 =	sadd.s32 @!p1 s19, s23  }
0x1f8: {  	s23 =	sshll.u32 @!p1 s23, $0x8  }
0x1f9: {  	s23 =	sshra.s32 @!p1 s23, $0x2  }
0x1fa: {  	[tilespmem:s23+$0x1AC10] =	vst @!p1 v4  }
0x1fb: {  	v4 =	vld @!p1 [tilespmem:s22+$0x12C20];
	_ =	sdelay $0x1  }
0x1fc: {  	p2 =	slt.u32 @!p1 s21, $0x3  }
0x1fd: {  	p2 =	por p1, p2  }
0x1fe: {  	(v2sf) =	vpush @!p2 v3, $0x2  }
0x1ff: {  	[tilespmem:s23+$0x1AC20] =	vst @!p1 v4  }
0x200: {  	v4 =	vld @!p1 [tilespmem:s22+$0x12C30];
	_ =	sdelay $0x4  }
0x201: {  	[tilespmem:s23+$0x1AC30] =	vst @!p1 v4  }
0x202: {  	v4 =	vld @!p1 [tilespmem:s22+$0x12C40];
	_ =	sdelay $0x3  }
0x203: {  	s22 =	sadd.s32 @!p2 $0x80, s20  }
0x204: {  	s22 =	sand.u32 @!p2 $0x7FC0, s22;
	[tilespmem:s23+$0x1AC40] =	vst @!p1 v4  }
0x205: {  	v4 =	vld @!p2 [tilespmem:s22+$0x12C10]  }
0x206: {  	s23 =	spop @!p2 (v2sf)  }
0x207: {  	s23 =	sadd.s32 @!p2 s19, s23  }
0x208: {  	s23 =	sshll.u32 @!p2 s23, $0x8  }
0x209: {  	s23 =	sshra.s32 @!p2 s23, $0x2  }
0x20a: {  	[tilespmem:s23+$0x1AC10] =	vst @!p2 v4  }
0x20b: {  	v4 =	vld @!p2 [tilespmem:s22+$0x12C20];
	_ =	sdelay $0x1  }
0x20c: {  	p1 =	seq.s32 @!p2 s21, $0x3  }
0x20d: {  	p1 =	por p2, p1  }
0x20e: {  	(v2sf) =	vpush @!p1 v3, $0x3  }
0x20f: {  	[tilespmem:s23+$0x1AC20] =	vst @!p2 v4  }
0x210: {  	v4 =	vld @!p2 [tilespmem:s22+$0x12C30];
	_ =	sdelay $0x4  }
0x211: {  	[tilespmem:s23+$0x1AC30] =	vst @!p2 v4  }
0x212: {  	v4 =	vld @!p2 [tilespmem:s22+$0x12C40];
	_ =	sdelay $0x3  }
0x213: {  	s22 =	sadd.s32 @!p1 $0xC0, s20  }
0x214: {  	s22 =	sand.u32 @!p1 $0x7FC0, s22;
	[tilespmem:s23+$0x1AC40] =	vst @!p2 v4  }
0x215: {  	v4 =	vld @!p1 [tilespmem:s22+$0x12C10]  }
0x216: {  	s23 =	spop @!p1 (v2sf)  }
0x217: {  	s23 =	sadd.s32 @!p1 s19, s23  }
0x218: {  	s23 =	sshll.u32 @!p1 s23, $0x8  }
0x219: {  	s23 =	sshra.s32 @!p1 s23, $0x2  }
0x21a: {  	[tilespmem:s23+$0x1AC10] =	vst @!p1 v4  }
0x21b: {  	v4 =	vld @!p1 [tilespmem:s22+$0x12C20];
	_ =	sdelay $0x1  }
0x21c: {  	p2 =	slt.u32 @!p1 s21, $0x5  }
0x21d: {  	p2 =	por p1, p2  }
0x21e: {  	(v2sf) =	vpush @!p2 v3, $0x4  }
0x21f: {  	[tilespmem:s23+$0x1AC20] =	vst @!p1 v4  }
0x220: {  	v4 =	vld @!p1 [tilespmem:s22+$0x12C30];
	_ =	sdelay $0x4  }
0x221: {  	[tilespmem:s23+$0x1AC30] =	vst @!p1 v4  }
0x222: {  	v4 =	vld @!p1 [tilespmem:s22+$0x12C40];
	_ =	sdelay $0x3  }
0x223: {  	s22 =	sadd.s32 @!p2 $0x100, s20  }
0x224: {  	s22 =	sand.u32 @!p2 $0x7FC0, s22;
	[tilespmem:s23+$0x1AC40] =	vst @!p1 v4  }
0x225: {  	v4 =	vld @!p2 [tilespmem:s22+$0x12C10]  }
0x226: {  	s23 =	spop @!p2 (v2sf)  }
0x227: {  	s23 =	sadd.s32 @!p2 s19, s23  }
0x228: {  	s23 =	sshll.u32 @!p2 s23, $0x8  }
0x229: {  	s23 =	sshra.s32 @!p2 s23, $0x2  }
0x22a: {  	[tilespmem:s23+$0x1AC10] =	vst @!p2 v4  }
0x22b: {  	v4 =	vld @!p2 [tilespmem:s22+$0x12C20];
	_ =	sdelay $0x1  }
0x22c: {  	p1 =	seq.s32 @!p2 s21, $0x5  }
0x22d: {  	p1 =	por p2, p1  }
0x22e: {  	(v2sf) =	vpush @!p1 v3, $0x5  }
0x22f: {  	[tilespmem:s23+$0x1AC20] =	vst @!p2 v4  }
0x230: {  	v4 =	vld @!p2 [tilespmem:s22+$0x12C30];
	_ =	sdelay $0x4  }
0x231: {  	[tilespmem:s23+$0x1AC30] =	vst @!p2 v4  }
0x232: {  	v4 =	vld @!p2 [tilespmem:s22+$0x12C40];
	_ =	sdelay $0x3  }
0x233: {  	s22 =	sadd.s32 @!p1 $0x140, s20  }
0x234: {  	s22 =	sand.u32 @!p1 $0x7FC0, s22;
	[tilespmem:s23+$0x1AC40] =	vst @!p2 v4  }
0x235: {  	v4 =	vld @!p1 [tilespmem:s22+$0x12C10]  }
0x236: {  	s23 =	spop @!p1 (v2sf)  }
0x237: {  	s23 =	sadd.s32 @!p1 s19, s23  }
0x238: {  	s23 =	sshll.u32 @!p1 s23, $0x8  }
0x239: {  	s23 =	sshra.s32 @!p1 s23, $0x2  }
0x23a: {  	[tilespmem:s23+$0x1AC10] =	vst @!p1 v4  }
0x23b: {  	v4 =	vld @!p1 [tilespmem:s22+$0x12C20];
	_ =	sdelay $0x1  }
0x23c: {  	p2 =	slt.u32 @!p1 s21, $0x7  }
0x23d: {  	p2 =	por p1, p2  }
0x23e: {  	(v2sf) =	vpush @!p2 v3, $0x6  }
0x23f: {  	[tilespmem:s23+$0x1AC20] =	vst @!p1 v4  }
0x240: {  	v4 =	vld @!p1 [tilespmem:s22+$0x12C30];
	_ =	sdelay $0x4  }
0x241: {  	[tilespmem:s23+$0x1AC30] =	vst @!p1 v4  }
0x242: {  	v4 =	vld @!p1 [tilespmem:s22+$0x12C40];
	_ =	sdelay $0x3  }
0x243: {  	s22 =	sadd.s32 @!p2 $0x180, s20  }
0x244: {  	s22 =	sand.u32 @!p2 $0x7FC0, s22;
	[tilespmem:s23+$0x1AC40] =	vst @!p1 v4  }
0x245: {  	v4 =	vld @!p2 [tilespmem:s22+$0x12C10]  }
0x246: {  	s23 =	spop @!p2 (v2sf)  }
0x247: {  	s23 =	sadd.s32 @!p2 s19, s23  }
0x248: {  	s23 =	sshll.u32 @!p2 s23, $0x8  }
0x249: {  	s23 =	sshra.s32 @!p2 s23, $0x2  }
0x24a: {  	[tilespmem:s23+$0x1AC10] =	vst @!p2 v4  }
0x24b: {  	v4 =	vld @!p2 [tilespmem:s22+$0x12C20];
	_ =	sdelay $0x1  }
0x24c: {  	p1 =	seq.s32 @!p2 s21, $0x7  }
0x24d: {  	p1 =	por p2, p1  }
0x24e: {  	(v2sf) =	vpush @!p1 v3, $0x7  }
0x24f: {  	[tilespmem:s23+$0x1AC20] =	vst @!p2 v4  }
0x250: {  	v4 =	vld @!p2 [tilespmem:s22+$0x12C30];
	_ =	sdelay $0x4  }
0x251: {  	[tilespmem:s23+$0x1AC30] =	vst @!p2 v4  }
0x252: {  	v4 =	vld @!p2 [tilespmem:s22+$0x12C40];
	_ =	sdelay $0x3  }
0x253: {  	s22 =	sadd.s32 @!p1 $0x1C0, s20  }
0x254: {  	s22 =	sand.u32 @!p1 $0x7FC0, s22;
	[tilespmem:s23+$0x1AC40] =	vst @!p2 v4  }
0x255: {  	v4 =	vld @!p1 [tilespmem:s22+$0x12C10]  }
0x256: {  	s23 =	spop @!p1 (v2sf)  }
0x257: {  	s23 =	sadd.s32 @!p1 s19, s23  }
0x258: {  	s23 =	sshll.u32 @!p1 s23, $0x8  }
0x259: {  	s23 =	sshra.s32 @!p1 s23, $0x2  }
0x25a: {  	[tilespmem:s23+$0x1AC10] =	vst @!p1 v4  }
0x25b: {  	v4 =	vld @!p1 [tilespmem:s22+$0x12C20];
	_ =	sdelay $0x1  }
0x25c: {  	p2 =	slt.u32 @!p1 s21, $0x9  }
0x25d: {  	p2 =	por p1, p2  }
0x25e: {  	(v2sf) =	vpush @!p2 v3, $0x8  }
0x25f: {  	[tilespmem:s23+$0x1AC20] =	vst @!p1 v4  }
0x260: {  	v4 =	vld @!p1 [tilespmem:s22+$0x12C30];
	_ =	sdelay $0x4  }
0x261: {  	[tilespmem:s23+$0x1AC30] =	vst @!p1 v4  }
0x262: {  	v4 =	vld @!p1 [tilespmem:s22+$0x12C40];
	_ =	sdelay $0x3  }
0x263: {  	s22 =	sadd.s32 @!p2 $0x200, s20  }
0x264: {  	s22 =	sand.u32 @!p2 $0x7FC0, s22;
	[tilespmem:s23+$0x1AC40] =	vst @!p1 v4  }
0x265: {  	v4 =	vld @!p2 [tilespmem:s22+$0x12C10]  }
0x266: {  	s23 =	spop @!p2 (v2sf)  }
0x267: {  	s23 =	sadd.s32 @!p2 s19, s23  }
0x268: {  	s23 =	sshll.u32 @!p2 s23, $0x8  }
0x269: {  	s23 =	sshra.s32 @!p2 s23, $0x2  }
0x26a: {  	[tilespmem:s23+$0x1AC10] =	vst @!p2 v4  }
0x26b: {  	v4 =	vld @!p2 [tilespmem:s22+$0x12C20];
	_ =	sdelay $0x1  }
0x26c: {  	p1 =	seq.s32 @!p2 s21, $0x9  }
0x26d: {  	p1 =	por p2, p1  }
0x26e: {  	(v2sf) =	vpush @!p1 v3, $0x9  }
0x26f: {  	[tilespmem:s23+$0x1AC20] =	vst @!p2 v4  }
0x270: {  	v4 =	vld @!p2 [tilespmem:s22+$0x12C30];
	_ =	sdelay $0x4  }
0x271: {  	[tilespmem:s23+$0x1AC30] =	vst @!p2 v4  }
0x272: {  	v4 =	vld @!p2 [tilespmem:s22+$0x12C40];
	_ =	sdelay $0x3  }
0x273: {  	s22 =	sadd.s32 @!p1 $0x240, s20  }
0x274: {  	s22 =	sand.u32 @!p1 $0x7FC0, s22;
	[tilespmem:s23+$0x1AC40] =	vst @!p2 v4  }
0x275: {  	v4 =	vld @!p1 [tilespmem:s22+$0x12C10]  }
0x276: {  	s23 =	spop @!p1 (v2sf)  }
0x277: {  	s23 =	sadd.s32 @!p1 s19, s23  }
0x278: {  	s23 =	sshll.u32 @!p1 s23, $0x8  }
0x279: {  	s23 =	sshra.s32 @!p1 s23, $0x2  }
0x27a: {  	[tilespmem:s23+$0x1AC10] =	vst @!p1 v4  }
0x27b: {  	v4 =	vld @!p1 [tilespmem:s22+$0x12C20];
	_ =	sdelay $0x1  }
0x27c: {  	p2 =	slt.u32 @!p1 s21, $0xB  }
0x27d: {  	p2 =	por p1, p2  }
0x27e: {  	(v2sf) =	vpush @!p2 v3, $0xA  }
0x27f: {  	[tilespmem:s23+$0x1AC20] =	vst @!p1 v4  }
0x280: {  	v4 =	vld @!p1 [tilespmem:s22+$0x12C30];
	_ =	sdelay $0x4  }
0x281: {  	[tilespmem:s23+$0x1AC30] =	vst @!p1 v4  }
0x282: {  	v4 =	vld @!p1 [tilespmem:s22+$0x12C40];
	_ =	sdelay $0x3  }
0x283: {  	s22 =	sadd.s32 @!p2 $0x280, s20  }
0x284: {  	s22 =	sand.u32 @!p2 $0x7FC0, s22;
	[tilespmem:s23+$0x1AC40] =	vst @!p1 v4  }
0x285: {  	v4 =	vld @!p2 [tilespmem:s22+$0x12C10]  }
0x286: {  	s23 =	spop @!p2 (v2sf)  }
0x287: {  	s23 =	sadd.s32 @!p2 s19, s23  }
0x288: {  	s23 =	sshll.u32 @!p2 s23, $0x8  }
0x289: {  	s23 =	sshra.s32 @!p2 s23, $0x2  }
0x28a: {  	[tilespmem:s23+$0x1AC10] =	vst @!p2 v4  }
0x28b: {  	v4 =	vld @!p2 [tilespmem:s22+$0x12C20];
	_ =	sdelay $0x1  }
0x28c: {  	p1 =	seq.s32 @!p2 s21, $0xB  }
0x28d: {  	p1 =	por p2, p1  }
0x28e: {  	(v2sf) =	vpush @!p1 v3, $0xB  }
0x28f: {  	[tilespmem:s23+$0x1AC20] =	vst @!p2 v4  }
0x290: {  	v4 =	vld @!p2 [tilespmem:s22+$0x12C30];
	_ =	sdelay $0x4  }
0x291: {  	[tilespmem:s23+$0x1AC30] =	vst @!p2 v4  }
0x292: {  	v4 =	vld @!p2 [tilespmem:s22+$0x12C40];
	_ =	sdelay $0x3  }
0x293: {  	s22 =	sadd.s32 @!p1 $0x2C0, s20  }
0x294: {  	s22 =	sand.u32 @!p1 $0x7FC0, s22;
	[tilespmem:s23+$0x1AC40] =	vst @!p2 v4  }
0x295: {  	v4 =	vld @!p1 [tilespmem:s22+$0x12C10]  }
0x296: {  	s23 =	spop @!p1 (v2sf)  }
0x297: {  	s23 =	sadd.s32 @!p1 s19, s23  }
0x298: {  	s23 =	sshll.u32 @!p1 s23, $0x8  }
0x299: {  	s23 =	sshra.s32 @!p1 s23, $0x2  }
0x29a: {  	[tilespmem:s23+$0x1AC10] =	vst @!p1 v4  }
0x29b: {  	v4 =	vld @!p1 [tilespmem:s22+$0x12C20];
	_ =	sdelay $0x4  }
0x29c: {  	[tilespmem:s23+$0x1AC20] =	vst @!p1 v4  }
0x29d: {  	v4 =	vld @!p1 [tilespmem:s22+$0x12C30];
	_ =	sdelay $0x4  }
0x29e: {  	p2 =	slt.u32 @!p1 s21, $0xD;
	[tilespmem:s23+$0x1AC30] =	vst @!p1 v4  }
0x29f: {  	p2 =	por p1, p2;
	v4 =	vld @!p1 [tilespmem:s22+$0x12C40]  }
.Ltmp17:
0x2a0: {  	_ = 	snop;
	(pc) =	sbr.rel @p2 .LBB2_25-.Ltmp17, $2  }
0x2a1: {  	_ =	sdelay $0x2  }
0x2a2: {  	[tilespmem:s23+$0x1AC40] =	vst @!p1 v4  }
0x2a3: {  	(v2sf) =	vpush v3, $0xC;
	_ =	sdelay $0xb  }
0x2a4: {  	s22 =	sadd.s32 $0x300, s20  }
0x2a5: {  	s22 =	sand.u32 $0x7FC0, s22  }
0x2a6: {  	v4 =	vld [tilespmem:s22+$0x12C10]  }
0x2a7: {  	s23 =	spop (v2sf)  }
0x2a8: {  	s23 =	sadd.s32 s19, s23  }
0x2a9: {  	s23 =	sshll.u32 s23, $0x8  }
0x2aa: {  	s23 =	sshra.s32 s23, $0x2  }
0x2ab: {  	[tilespmem:s23+$0x1AC10] =	vst v4  }
0x2ac: {  	v4 =	vld [tilespmem:s22+$0x12C20];
	_ =	sdelay $0x2  }
0x2ad: {  	p1 =	seq.s32 s21, $0xD  }
0x2ae: {  	(v2sf) =	vpush @!p1 v3, $0xD  }
0x2af: {  	[tilespmem:s23+$0x1AC20] =	vst v4  }
0x2b0: {  	v4 =	vld [tilespmem:s22+$0x12C30];
	_ =	sdelay $0x4  }
0x2b1: {  	[tilespmem:s23+$0x1AC30] =	vst v4  }
0x2b2: {  	v4 =	vld [tilespmem:s22+$0x12C40];
	_ =	sdelay $0x3  }
0x2b3: {  	s22 =	sadd.s32 @!p1 $0x340, s20  }
0x2b4: {  	s22 =	sand.u32 @!p1 $0x7FC0, s22;
	[tilespmem:s23+$0x1AC40] =	vst v4  }
0x2b5: {  	v4 =	vld @!p1 [tilespmem:s22+$0x12C10]  }
0x2b6: {  	s23 =	spop @!p1 (v2sf)  }
0x2b7: {  	s23 =	sadd.s32 @!p1 s19, s23  }
0x2b8: {  	s23 =	sshll.u32 @!p1 s23, $0x8  }
0x2b9: {  	s23 =	sshra.s32 @!p1 s23, $0x2  }
0x2ba: {  	[tilespmem:s23+$0x1AC10] =	vst @!p1 v4  }
0x2bb: {  	v4 =	vld @!p1 [tilespmem:s22+$0x12C20];
	_ =	sdelay $0x1  }
0x2bc: {  	p3 =	slt.u32 @!p1 s21, $0xF  }
0x2bd: {  	p2 =	por p3, p1  }
0x2be: {  	(v2sf) =	vpush @!p2 v3, $0xE  }
0x2bf: {  	[tilespmem:s23+$0x1AC20] =	vst @!p1 v4  }
0x2c0: {  	v4 =	vld @!p1 [tilespmem:s22+$0x12C30];
	_ =	sdelay $0x4  }
0x2c1: {  	[tilespmem:s23+$0x1AC30] =	vst @!p1 v4  }
0x2c2: {  	v4 =	vld @!p1 [tilespmem:s22+$0x12C40];
	_ =	sdelay $0x3  }
0x2c3: {  	s22 =	sadd.s32 @!p2 $0x380, s20  }
0x2c4: {  	s22 =	sand.u32 @!p2 $0x7FC0, s22;
	[tilespmem:s23+$0x1AC40] =	vst @!p1 v4  }
0x2c5: {  	v4 =	vld @!p2 [tilespmem:s22+$0x12C10]  }
0x2c6: {  	s23 =	spop @!p2 (v2sf)  }
0x2c7: {  	s23 =	sadd.s32 @!p2 s19, s23  }
0x2c8: {  	s23 =	sshll.u32 @!p2 s23, $0x8  }
0x2c9: {  	s23 =	sshra.s32 @!p2 s23, $0x2  }
0x2ca: {  	[tilespmem:s23+$0x1AC10] =	vst @!p2 v4  }
0x2cb: {  	v4 =	vld @!p2 [tilespmem:s22+$0x12C20]  }
0x2cc: {  	p4 =	seq.s32 @!p2 s21, $0xF  }
0x2cd: {  	p3 =	por @!p1 p4, p3  }
0x2ce: {  	p1 =	por p3, p1  }
0x2cf: {  	(v2sf) =	vpush @!p1 v3, $0xF  }
0x2d0: {  	[tilespmem:s23+$0x1AC20] =	vst @!p2 v4  }
0x2d1: {  	v3 =	vld @!p2 [tilespmem:s22+$0x12C30];
	_ =	sdelay $0x4  }
0x2d2: {  	[tilespmem:s23+$0x1AC30] =	vst @!p2 v3  }
0x2d3: {  	v3 =	vld @!p2 [tilespmem:s22+$0x12C40];
	_ =	sdelay $0x3  }
0x2d4: {  	s20 =	sadd.s32 @!p1 $0x3C0, s20  }
0x2d5: {  	s20 =	sand.u32 @!p1 $0x7FC0, s20;
	[tilespmem:s23+$0x1AC40] =	vst @!p2 v3  }
0x2d6: {  	v3 =	vld @!p1 [tilespmem:s20+$0x12C10]  }
0x2d7: {  	s21 =	spop @!p1 (v2sf)  }
0x2d8: {  	s19 =	sadd.s32 @!p1 s19, s21  }
0x2d9: {  	s19 =	sshll.u32 @!p1 s19, $0x8  }
0x2da: {  	s19 =	sshra.s32 @!p1 s19, $0x2  }
0x2db: {  	[tilespmem:s19+$0x1AC10] =	vst @!p1 v3  }
0x2dc: {  	v3 =	vld @!p1 [tilespmem:s20+$0x12C20];
	_ =	sdelay $0x4  }
0x2dd: {  	[tilespmem:s19+$0x1AC20] =	vst @!p1 v3  }
0x2de: {  	v3 =	vld @!p1 [tilespmem:s20+$0x12C30];
	_ =	sdelay $0x4  }
0x2df: {  	[tilespmem:s19+$0x1AC30] =	vst @!p1 v3  }
0x2e0: {  	v3 =	vld @!p1 [tilespmem:s20+$0x12C40]  }
.Ltmp18:
0x2e1: {  	_ = 	snop;
	(pc) =	sbr.rel .LBB2_25-.Ltmp18, $2  }
0x2e2: {  	_ =	sdelay $0x2  }
0x2e3: {  	[tilespmem:s19+$0x1AC40] =	vst @!p1 v3  }
.LBB2_9:
.Ltmp19:
0x2e4: {  	(pc) =	sbr.rel .LBB2_13-.Ltmp19, $2  }
0x2e5: {  	_ =	sdelay $0x2  }
0x2e6: {  	s17 =	smov.u32 s16  }
.LBB2_11:
.Ltmp20:
0x2e7: {  	(pc) =	sbr.rel .LBB2_13-.Ltmp20, $2  }
0x2e8: {  	_ =	sdelay $0x2  }
0x2e9: {  	s17 =	smov.u32 s16  }
.LBB2_27:
0x2ea: {  	_ =	sfence.sel $0x180000  }
0x2eb: {  	[bflag:$0x0] =	sbarrier.arrive $0xFFFF  }
0x2ec: {  	p0 =	sne.s32 s0, $0x0;
	_ =	strace $0x90000047  }
0x2ed: {  	s0 =	sadd.s32 @!p0 $0x100000, s1;
	[bflag:$0x2] =	sbarrier.arrive $0xFFFF  }
0x2ee: {  	[sflag:s0] =	ssyncadd.tile.s32 @!p0 $0x1;
	_ =	shalt  }
.Lfunc_end2:
_tile_overlayer_lowered:
.L_overlay_start_2:
0x2ef: {  	(tag) =	ssettag $0x2  }
0x2f0: {  	s0 =	rddreg [dreg:$0x0];
	s2 =	stileid.u32  }
0x2f1: {  	s1 =	rddreg [dreg:$0x1];
	p0 =	sne.s32 s2, $0x0  }
0x2f2: {  	s3 =	rddreg [dreg:$0x2];
	[bflag:$0x3] =	sbarrier.arrive $0xFFFF;
	s2 =	simm.s32 @!p0 $0x1C03  }
0x2f3: {  	[timem:s3], [sflag:s2] =	dma.local @!p0 [hbm:s0], s1  }
0x2f4: {  	s0 =	simm.s32 @!p0 $0x3  }
0x2f5: {  	_ =	swait.ge @!p0 [sflag:s0], s1  }
0x2f6: {  	s1 =	ssub.s32 @!p0 $0x0, s1;
	[sflag:s0] =	ssyncset.done @!p0 $0x0  }
0x2f7: {  	[sflag:s0] =	ssyncadd.s32 @!p0 s1  }
0x2f8: {  	[bflag:$0x3] =	sbarrier.arrive $0xFFFF  }
0x2f9: {  	_ =	shalt  }

// kernel: sparse-core-data-format-call.cloned.1.call-start
scs
called_computation_lowered:
.L_overlay_start_0:
0x0: {  	s2 =	sld [smem:$0x3FD9]  }
0x1: {  	s3 =	sld [smem:$0x3FFE];
	_ =	sdelay $0x1  }
0x2: {  	s1 =	srdreg.scid  }
0x3: {  	s0 =	sand.u32 $0x1, s1  }
0x4: {  	s18 =	sshll.u32 s0, $0xA;
	s2 =	sadd.s32 s3, s2  }
0x5: {  	s2 =	sadd.s32 s2, s18  }
0x6: {  	[smem:$0x3FC6] =	sst s2  }
0x7: {  	_ = 	snop  }
0x8: {  	s2 =	sld [smem:$0x3FD0];
	(tm) =	ssettm $0x1  }
0x9: {  	s19 =	sld [smem:$0x3FFB];
	_ =	sdelay $0x3  }
0xa: {  	_ =	strace s19  }
0xb: {  	s3 =	sld [smem:$0x3FFC];
	_ =	sdelay $0x3  }
0xc: {  	_ =	strace s3  }
0xd: {  	s3 =	sld [smem:$0x3FFD];
	_ =	sdelay $0x3  }
0xe: {  	_ =	strace s3  }
0xf: {  	_ =	strace $0x8FFFFFFF  }
0x10: {  	s20 =	sld [smem:$0x3FDB];
	_ =	sdelay $0x1  }
0x11: {  	s4 =	simm.s32 $_scs_section_size  }
0x12: {  	s5 =	simm.s32 $_size__tile_overlayer_lowered;
	s6 =	simm.s32 $_tile_overlayer_lowered  }
0x13: {  	s23 =	simm.s32 $0x1BFF;
	s22 =	sshll.u32 s6, $0x1;
	s3 =	sadd.s32 s4, s20  }
0x14: {  	s7 =	simm.s32 $0x0;
	s21 =	sshll.u32 s5, $0x1;
	s5 =	sadd.s32 s22, s3  }
0x15: {  	[timem:s7], [sflag:s23] =	dma.local [hbm:s5], s21  }
0x16: {  	_ =	swait.ge [sflag:s23], s21  }
0x17: {  	s4 =	ssub.s32 $0x0, s21;
	[sflag:s23] =	ssyncset.done $0x0  }
0x18: {  	[sflag:s23] =	ssyncadd.s32 s4;
	_ =	sdelay $0x1  }
0x19: {  	s24 =	simm.s32 $0x1B8B  }
0x1a: {  	_ =	swait.ge [sflag:s24], $0x1  }
0x1b: {  	[sflag:s24] =	ssyncset.done $0x0  }
0x1c: {  	s26 =	simm.s32 $0x1B8E;
	s25 =	sld [smem:$0x3FFE];
	[sflag:s24] =	ssyncadd.s32 $0xFFFFFFFF  }
0x1d: {  	s27 =	simm.s32 $execute0_lowered;
	[smem:$0x3FD2] =	sst s26  }
0x1e: {  	s5 =	sshll.u32 s27, $0x1;
	_ =	strace $0x80000049;
	[dreg:$0x1] =	wrdreg $0xFFFFFFFF  }
0x1f: {  	s28 =	simm.s32 $_size_execute0_lowered;
	s3 =	sadd.s32 s3, s5;
	[dreg:$0x0] =	wrdreg $0x0  }
0x20: {  	s5 =	sshll.u32 s28, $0x1;
	[dreg:$0x2] =	wrdreg s3  }
0x21: {  	[dreg:$0x3] =	wrdreg s5  }
0x22: {  	[dreg:$0x4] =	wrdreg $0xC0  }
0x23: {  	_ =	task [dreg:s7], $0x5FFFF  }
0x24: {  	[dreg:$0x1] =	wrdreg $0xFFFFFFFF  }
0x25: {  	[dreg:$0x0] =	wrdreg $0x60  }
0x26: {  	[dreg:$0x2] =	wrdreg s25  }
0x27: {  	[dreg:$0x3] =	wrdreg s2  }
0x28: {  	[dreg:$0x4] =	wrdreg $0x9  }
0x29: {  	_ =	task.clear_ibuf [dreg:s7], $0x5FFFF;
	_ =	strace $0x90000049  }
0x2a: {  	s29 =	simm.s32 $0x9;
	_ =	strace $0x8000004B  }
0x2b: {  	_ =	swait.ge [sflag:s29], $0x1  }
0x2c: {  	[sflag:s29] =	ssyncadd.s32 $0xFFFFFFFF  }
0x2d: {  	_ =	strace $0x9000004B  }
0x2e: {  	_ =	sfence  }
0x2f: {  	s30 =	sld [smem:$0x0];
	_ =	sdelay $0x2  }
0x30: {  	s31 =	sshll.u32 s1, $0xD;
	s1 =	sshrl.u32 s1, $0x2  }
0x31: {  	s3 =	sand.u32 $0x4000, s31;
	s1 =	sadd.s32 s1, s30  }
0x32: {  	s0 =	sor.u32 s3, s0;
	s1 =	sshll.u32 s1, $0x11  }
0x33: {  	s0 =	sor.u32 s1, s0  }
0x34: {  	s0 =	sadd.s32 $0x8F2B, s0  }
0x35: {  	[sflag:s0] =	ssyncadd.remote.s32 $0x1  }
0x36: {  	_ =	sfence.sel $0xFFFF  }
0x37: {  	[dreg:$0x0] =	wrdreg $0xFFFFFFFF;
	(pc) =	sbr.abs _section_cstart, $3  }
0x38: {  	[dreg:$0x1] =	wrdreg $0xFFFFFFFF  }
0x39: {  	_ =	task.clear_ibuf [dreg:s7], $0x2FFFF;
	_ =	strace $0x9FFFFFFF  }
0x3a: {  	(tm) =	ssettm $0x7FFFFFFF  }
0x3b: {  	_ =	shalt  }
tec
execute0_lowered:
.L_overlay_start_1:
0x0: {  	(tag) =	ssettag $0x1  }
0x1: {  	s0 =	srdreg.scid  }
0x2: {  	s1 =	sshll.u32 s0, $0x4  }
0x3: {  	s0 =	stileid.u32;
	s1 =	sand.u32 $0x10, s1  }
0x4: {  	s1 =	sor.u32 s0, s1  }
0x5: {  	s6 =	rddreg [dreg:$0x0];
	s4 =	simm.s32 $0x1;
	s2 =	sshll.u32 s1, $0x7  }
0x6: {  	s7 =	simm.s32 $0x2;
	s12 =	simm.s32 $0x0;
	s1 =	ssub.s32 $0x1000, s2  }
0x7: {  	s8 =	simm.s32 $0x8000;
	s13 =	simm.s32 $0x0;
	s3 =	sand.u32 $0xF80, s1  }
0x8: {  	s9 =	simm.s32 $0x0;
	s5 =	sshrl.u32 s1, $0xC;
	p0 =	sne.s32 s3, $0x0  }
.Ltmp0:
0x9: {  	s1 =	rddreg [dreg:$0x2];
	s4 =	simm.s32 @!p0 $0x0;
	(pc) =	sbr.rel .LBB1_1-.Ltmp0, $4  }
0xa: {  	s11 =	simm.s32 $0x0;
	s3 =	rddreg [dreg:$0x1];
	s5 =	sadd.s32 s4, s5  }
0xb: {  	_ =	strace $0x8000004A;
	s4 =	simm.s32 $0x1;
	s5 =	smul.u32 $0xC8, s5  }
0xc: {  	s6 =	sadd.s32 $0xA00, s6;
	s10 =	smov.u32 s2;
	[sflag:s4] =	ssyncpa.u1 $0x0  }
0xd: {  	p0 =	por $0x0, $0x0;
	[sflag:s7] =	ssyncpa.u1 $0x0;
	s7 =	sor.u32 $0x1, s5  }
.LBB1_4:
0xe: {  	s16 =	sshll.u32 s13, $0x3;
	s17 =	sand.u32 $0x78, s13  }
0xf: {  	s30 =	sand.u32 $0x7E00, s13;
	s12 =	sshll.u32 s12, $0xF;
	s16 =	sand.u32 $0xC00, s16  }
0x10: {  	[tilespmem:s15+$0x810 ss:$0x81] =	vst.msk $0xffff, v2;
	s31 =	sand.u32 $0x7, s13;
	s16 =	sor.u32 s17, s16;
	s17 =	sadd.s32 s3, s30  }
0x11: {  	[tilespmem:s15+$0x1020 ss:$0x81] =	vst.msk $0xffff, v0;
	s13 =	sshll.u32 s31, $0x12;
	s12 =	sadd.s32 s12, s17;
	s16 =	sshrl.u32 s16, $0x3  }
0x12: {  	[tilespmem:s15+$0x0 ss:$0x81] =	vst.msk $0xffff, v1;
	s13 =	sor.u32 $0x400, s13;
	s12 =	sadd.s32 s16, s12  }
0x13: {  	[hbm4b:s12+s13] =	stream.strided.scatter [tilespmem:s14], [sflag:$0x2], $0x2000, s8, s13, $0x20;
	[tilespmem:$0x8080] =	vst v63  }
.LBB1_5:
0x14: {  	s14 =	sadd.s32 $0x1, s9  }
0x15: {  	s12 =	sadd.s32 $0x1000, s10;
	s16 =	smov.u32 s10;
	p2 =	sgt.s32 s14, $0xC7  }
0x16: {  	s16 =	smov.u32 @p2 s12  }
0x17: {  	s14 =	simm.s32 @p2 $0x0;
	p2 =	sgt.s32 s16, $0xFFF  }
0x18: {  	s16 =	smov.u32 @p2 s2;
	p2 =	sne.s32 s11, s7  }
.Ltmp1:
0x19: {  	p1 =	slt.u32 s11, $0x2;
	(pc) =	sbr.rel @!p2 .LBB1_6-.Ltmp1, $4  }
0x1a: {  	s15 =	simm.s32 @!p1 $0x2  }
0x1b: {  	s13 =	smov.u32 s10;
	p0 =	por !p0, !p0;
	_ =	swait.ge @!p1 [sflag:s15], $0x2000  }
0x1c: {  	s12 =	smov.u32 s9;
	[sflag:s15] =	ssyncset.done @!p1 $0x0;
	s9 =	smov.u32 s14  }
0x1d: {  	s11 =	sadd.s32 $0x1, s11;
	[sflag:s15] =	ssyncadd.s32 @!p1 $0xFFFFE000;
	s10 =	smov.u32 s16  }
.LBB1_1:
0x1e: {  	p1 =	sge.u32 s11, s5  }
0x1f: {  	s14 =	sand.u32 @!p1 $0x1FFFFFF, s9  }
0x20: {  	s15 =	smulhi.u32 @!p1 $0x147AE15, s14;
	_ =	sdelay $0x1  }
0x21: {  	s15 =	smul.u32 @!p1 $0xC8, s15  }
0x22: {  	s16 =	sxor.u32 @!p1 $0xFFFFFFFF, s11;
	s17 =	smul.u32 @!p1 $0xC80, s10  }
0x23: {  	s31 =	sadd.s32 $0xFFFFFFFF, s11;
	s16 =	sshll.u32 @!p1 s16, $0xD;
	s14 =	ssub.s32 @!p1 s14, s15  }
0x24: {  	s15 =	sand.u32 @!p1 $0x2000, s16;
	s16 =	sadd.s32 @!p1 s6, s17;
	s14 =	sshll.u32 @!p1 s14, $0x4  }
0x25: {  	s17 =	simm.s32 @!p1 $0x6400;
	s14 =	sadd.s32 @!p1 s14, s16;
	s16 =	simm.s32 @!p1 $0x40  }
0x26: {  	[tilespmem:s15], [sflag:$0x1] =	stream.strided.gather @!p1 [hbm4b:s14+s16], $0x2000, s17, s16, $0x38;
	[tilespmem:$0x8080] =	vst v63  }
0x27: {  	p1 =	sge.u32 s31, s5  }
.Ltmp2:
0x28: {  	_ = 	snop;
	(pc) =	sbr.rel @p1 .LBB1_5-.Ltmp2, $1  }
0x29: {  	_ =	sdelay $0x3  }
0x2a: {  	s14 =	simm.s32 $0x1  }
0x2b: {  	_ =	swait.ge [sflag:s4], $0x2000;
	s14 =	simm.s32 @!p0 $0x0  }
0x2c: {  	[sflag:s4] =	ssyncset.done $0x0;
	s15 =	sshll.u32 s14, $0xD  }
0x2d: {  	[sflag:s4] =	ssyncadd.s32 $0xFFFFE000;
	s18 =	sor.u32 $0x20, s15  }
0x2e: {  	s14 =	smul.u32 $0x8100, s14;
	v3 =	vld [tilespmem:s18+$0x10]  }
0x2f: {  	s30 =	sand.u32 $0x1, s11;
	v2 =	vld [tilespmem:s18+$0xFFFFFFF0]  }
0x30: {  	s15 =	smul.u32 $0x8100, s30;
	s14 =	sshrl.u32 s14, $0x2;
	v0 =	vld [tilespmem:s18+$0x0]  }
0x31: {  	v1 =	vld [tilespmem:s18+$0xFFFFFFE0];
	s16 =	sor.u32 $0x4000, s14  }
0x32: {  	s31 =	sshrl.u32 s15, $0x2;
	s15 =	sadd.s32 $0x0, s16  }
0x33: {  	s17 =	simm.s32 $0x4;
	s18 =	sadd.s32 $0x40, s18;
	s14 =	sor.u32 $0x4000, s31;
	[tilespmem:s15+$0x1830 ss:$0x81] =	vst.msk $0xffff, v3  }
.LBB1_3:
0x34: {  	v3 =	vld [tilespmem:s18+$0x10];
	p1 =	sne.s32 s17, $0x1FC;
	[tilespmem:s15+$0x810 ss:$0x81] =	vst.msk $0xffff, v2;
	s19 =	smov.u32 s17;
	s17 =	sadd.s32 $0x4, s17  }
.Ltmp3:
0x35: {  	v2 =	vld [tilespmem:s18+$0xFFFFFFF0];
	[tilespmem:s15+$0x1020 ss:$0x81] =	vst.msk $0xffff, v0;
	(pc) =	sbr.rel @p1 .LBB1_3-.Ltmp3, $4  }
0x36: {  	v0 =	vld [tilespmem:s18+$0x0];
	[tilespmem:s15+$0x0 ss:$0x81] =	vst.msk $0xffff, v1  }
0x37: {  	s15 =	sshra.s32 s19, $0x2;
	v1 =	vld [tilespmem:s18+$0xFFFFFFE0]  }
0x38: {  	s15 =	sadd.s32 s15, s16  }
0x39: {  	s18 =	sadd.s32 $0x40, s18;
	[tilespmem:s15+$0x1830 ss:$0x81] =	vst.msk $0xffff, v3  }
.Ltmp4:
0x3a: {  	_ = 	snop;
	(pc) =	sbr.rel .LBB1_4-.Ltmp4, $1  }
0x3b: {  	_ =	sdelay $0x3  }
.LBB1_6:
0x3c: {  	_ =	sfence.sel $0x180000  }
0x3d: {  	s2 =	simm.s32 $0x1;
	[bflag:$0x0] =	sbarrier.arrive $0xFFFF  }
0x3e: {  	s31 =	simm.s32 $0x2;
	[sflag:s2] =	ssyncpa.u1 $0x1  }
0x3f: {  	[sflag:s31] =	ssyncpa.u1 $0x1  }
0x40: {  	p0 =	sne.s32 s0, $0x0;
	_ =	strace $0x9000004A  }
0x41: {  	s0 =	sadd.s32 @!p0 $0x100000, s1;
	[bflag:$0x2] =	sbarrier.arrive $0xFFFF  }
0x42: {  	[sflag:s0] =	ssyncadd.tile.s32 @!p0 $0x1;
	_ =	shalt  }
.Lfunc_end1:
_tile_overlayer_lowered:
.L_overlay_start_2:
0x43: {  	(tag) =	ssettag $0x2  }
0x44: {  	s0 =	rddreg [dreg:$0x0];
	s2 =	stileid.u32  }
0x45: {  	s1 =	rddreg [dreg:$0x1];
	p0 =	sne.s32 s2, $0x0  }
0x46: {  	s3 =	rddreg [dreg:$0x2];
	[bflag:$0x3] =	sbarrier.arrive $0xFFFF;
	s2 =	simm.s32 @!p0 $0x1C01  }
0x47: {  	[timem:s3], [sflag:s2] =	dma.local @!p0 [hbm:s0], s1  }
0x48: {  	s0 =	simm.s32 @!p0 $0x1  }
0x49: {  	_ =	swait.ge @!p0 [sflag:s0], s1  }
0x4a: {  	s1 =	ssub.s32 @!p0 $0x0, s1;
	[sflag:s0] =	ssyncset.done @!p0 $0x0  }
0x4b: {  	[sflag:s0] =	ssyncadd.s32 @!p0 s1  }
0x4c: {  	[bflag:$0x3] =	sbarrier.arrive $0xFFFF  }
0x4d: {  	_ =	shalt  }

</sc_bundles>
